<compile_context>
chip_gen: v7x
topology: tpu7x:2x2x1
jax: 0.10.2.dev20260603
libtpu: 0.0.44.dev20260713+nightly
codegen_flags: <defaults>
</compile_context>

<pallas_src>
import functools

import numpy as np

import jax
import jax.numpy as jnp
from jax import lax
from jax.experimental import pallas as pl
from jax.experimental.pallas import tpu as pltpu
from jax.experimental.pallas import tpu_sc as plsc

_NC = 2
_NS = 16
_NW = _NC * _NS
_CHUNK = 128
_GROUP_K = 5


def _tile_perm(qlen, batch, n_tiles, per_tile):
    n_idx = (batch // 8) * n_tiles * 8 * per_tile
    n = np.arange(n_idx, dtype=np.int64)
    j = n % per_tile
    r = (n // per_tile) % 8
    c = (n // (per_tile * 8)) % n_tiles
    b0 = n // (per_tile * 8 * n_tiles)
    q = per_tile * c + j
    q = np.where(q >= qlen, 0, q)
    pos = q * batch + 8 * b0 + r
    return pos.astype(np.int32).reshape(_NW, -1, _CHUNK)


@functools.lru_cache(maxsize=None)
def _make_gather(qlen, batch, vocab, emb_d, n_tiles):
    per_tile = 128 // emb_d
    n_local = (batch // _NW) * n_tiles * per_tile
    assert n_local % _CHUNK == 0
    n_chunks = n_local // _CHUNK
    n_idx = n_local * _NW
    full, rem = divmod(n_chunks, _GROUP_K)
    groups = [_GROUP_K] * full + ([rem] if rem else [])
    grp_rows = _GROUP_K * _CHUNK
    pos_const = _tile_perm(qlen, batch, n_tiles, per_tile)

    @functools.partial(
        pl.kernel,
        out_type=jax.ShapeDtypeStruct((n_idx, emb_d), jnp.float32),
        mesh=plsc.VectorSubcoreMesh(core_axis_name="c", subcore_axis_name="s"),
        compiler_params=pltpu.CompilerParams(use_tc_tiling_on_sc=False),
        scratch_types=[
            pltpu.VMEM((n_chunks, _CHUNK), jnp.int32),
            pltpu.VMEM((n_local,), jnp.int32),
            pltpu.VMEM((2, grp_rows, emb_d), jnp.float32),
            pltpu.SemaphoreType.DMA,
            pltpu.SemaphoreType.DMA,
            pltpu.SemaphoreType.DMA,
        ],
    )
    def gather_fn(sent1_hbm, pos_hbm, table_hbm, out_hbm,
                  pos_v, idx_v, rows_v, psem, gsem, wsem):
        wid = lax.axis_index("s") * _NC + lax.axis_index("c")
        base_row = wid * n_local
        pltpu.sync_copy(pos_hbm.at[wid], pos_v)

        fetches = [
            pltpu.async_copy(
                sent1_hbm.at[pos_v.at[cc]],
                idx_v.at[pl.ds(cc * _CHUNK, _CHUNK)],
                psem,
            )
            for cc in range(n_chunks)
        ]
        for cp in fetches:
            cp.wait()

        writebacks = {}
        chunk0 = 0
        for g, gk in enumerate(groups):
            p = g % 2
            if g >= 2:
                writebacks.pop(g - 2).wait()
            gathers = [
                pltpu.async_copy(
                    table_hbm.at[idx_v.at[pl.ds((chunk0 + t) * _CHUNK, _CHUNK)]],
                    rows_v.at[p, pl.ds(t * _CHUNK, _CHUNK)],
                    gsem,
                )
                for t in range(gk)
            ]
            for cp in gathers:
                cp.wait()
            writebacks[g] = pltpu.async_copy(
                rows_v.at[p, pl.ds(0, gk * _CHUNK)],
                out_hbm.at[pl.ds(base_row + chunk0 * _CHUNK, gk * _CHUNK)],
                wsem,
            )
            chunk0 += gk
        for g in sorted(writebacks):
            writebacks.pop(g).wait()

    def run(sent1, emb):
        pos = jnp.asarray(pos_const)
        return gather_fn(sent1, pos, emb)

    return run


_BMT = 128


@functools.lru_cache(maxsize=None)
def _make_matmul(batch, n_tiles, out_d):
    def body(x_ref, w_ref, b_ref, o_ref):
        acc = None
        for c in range(n_tiles):
            xc = x_ref[:, c].reshape(_BMT * 8, 128)
            wc = w_ref[pl.ds(c * 128, 128), :]
            p = lax.dot_general(
                wc, xc, (((0,), (1,)), ((), ())),
                preferred_element_type=jnp.float32,
            )
            acc = p if acc is None else acc + p
        o_ref[...] = acc + b_ref[...]

    return pl.pallas_call(
        body,
        grid=(batch // (_BMT * 8),),
        in_specs=[
            pl.BlockSpec((_BMT, n_tiles, 8, 128), lambda i: (i, 0, 0, 0)),
            pl.BlockSpec((n_tiles * 128, out_d), lambda i: (0, 0)),
            pl.BlockSpec((out_d, 1), lambda i: (0, 0)),
        ],
        out_specs=pl.BlockSpec((out_d, _BMT * 8), lambda i: (0, i)),
        out_shape=jax.ShapeDtypeStruct((out_d, batch), jnp.float32),
    )


def kernel(sentence, emb, W, b):
    batch, qlen = sentence.shape
    vocab, emb_d = emb.shape
    out_d = W.shape[0]
    n_tiles = (qlen * emb_d + 127) // 128

    sent1 = sentence.T.reshape(-1)
    gathered = _make_gather(qlen, batch, vocab, emb_d, n_tiles)(sent1, emb)
    x4 = gathered.reshape(batch // 8, n_tiles, 8, 128)
    w_pad = jnp.pad(W.T, ((0, n_tiles * 128 - qlen * emb_d), (0, 0)))
    out_t = _make_matmul(batch, n_tiles, out_d)(x4, w_pad, b.reshape(out_d, 1))
    return out_t.T

# --- scband reference (transcript-rebuilt; emitter-appended) ---
"""Pipeline reference for scband-bow-63660005261635 (READ-ONLY COPY).

The authoritative reference and input builder live on the scoring server;
editing this copy changes nothing except your own understanding.
"""

import jax, jax.numpy as jnp
import numpy as np

VOCAB = 100000
EMB = 64
QLEN = 25
BATCH = 4096
OUT = 1000

def setup_inputs(seed: int = 0) -> dict:
    key = jax.random.key(seed)
    k1, k2, k3 = jax.random.split(key, 3)
    sentence = jax.random.randint(k1, (BATCH, QLEN), 0, VOCAB, dtype=jnp.int32)
    emb = jax.random.normal(k2, (VOCAB, EMB), dtype=jnp.float32) * 0.02
    W = jax.random.normal(k3, (OUT, EMB * QLEN), dtype=jnp.float32) * 0.02
    b = jnp.zeros((OUT,), dtype=jnp.float32)
    return {"sentence": sentence, "emb": emb, "W": W, "b": b}

def reference(sentence, emb, W, b):
    # embedding lookup (gather) then flatten per example
    x = jnp.take(emb, sentence, axis=0)  # [B, QLEN, EMB]
    x = x.reshape(sentence.shape[0], -1)  # [B, QLEN*EMB]
    # linear layer (visual_model=False, so no image feature concat)
    return x @ W.T + b

if __name__ == "__main__":
    import jax
    _d = setup_inputs()
    print(jax.jit(kernel)(*tuple(_d.values())))

</pallas_src>

<mosaic_0001>
#map = affine_map<(d0, d1) -> (0)>
#map1 = affine_map<(d0, d1) -> (0, 0, 0)>
#map2 = affine_map<(d0, d1) -> (0, 0)>
module attributes {stable_mosaic.version = 14 : i64} {
  func.func @gather_fn(%arg0: i32, %arg1: i32, %arg2: memref<102400xi32, #tpu.memory_space<hbm>>, %arg3: memref<32x26x128xi32, #tpu.memory_space<hbm>>, %arg4: memref<100000x64xf32, #tpu.memory_space<hbm>>, %arg5: memref<106496x64xf32, #tpu.memory_space<hbm>>, %arg6: memref<26x128xi32, #tpu.memory_space<vmem>>, %arg7: memref<3328xi32, #tpu.memory_space<vmem>>, %arg8: memref<2x640x64xf32, #tpu.memory_space<vmem>>, %arg9: memref<!tpu.dma_semaphore, #tpu.memory_space<semaphore_mem>>, %arg10: memref<!tpu.dma_semaphore, #tpu.memory_space<semaphore_mem>>, %arg11: memref<!tpu.dma_semaphore, #tpu.memory_space<semaphore_mem>>) attributes {dimension_semantics = [#tpu.dimension_semantics<core_parallel>, #tpu.dimension_semantics<subcore_parallel>], iteration_bounds = array<i64: 2, 16>, scalar_prefetch = 0 : i64, scratch_operands = 6 : i64, tpu.core_type = #tpu.core_type<sc_vector_subcore>, window_params = [{transform_indices = #map}, {transform_indices = #map1}, {transform_indices = #map2}, {transform_indices = #map2}]} {
    %mul3A = arith.constant 2 : i32
    %mul3A_0 = arith.muli %arg1, %mul3A : i32
    %add3A = arith.addi %mul3A_0, %arg0 : i32
    %mul3A_1 = arith.constant 3328 : i32
    %mul3A_2 = arith.muli %add3A, %mul3A_1 : i32
    "tpu.region"() ({
      %run_scoped3A = tpu.sem_alloc : memref<!tpu.dma_semaphore, #tpu.memory_space<semaphore_mem>>
      %dma_start3A_1105 = arith.constant 0 : i32
      %dma_start3A_1106 = arith.constant 0 : i32
      %dma_start3A_1107 = tpu.memref_slice %arg3[%add3A, %dma_start3A_1105, %dma_start3A_1106] : memref<32x26x128xi32, #tpu.memory_space<hbm>> -> memref<1x26x128xi32, #tpu.memory_space<hbm>>
      %dma_start3A_1108 = tpu.memref_squeeze %dma_start3A_1107 : memref<1x26x128xi32, #tpu.memory_space<hbm>> -> memref<26x128xi32, #tpu.memory_space<hbm>>
      %dma_start3A_1109 = arith.constant 0 : i32
      %dma_start3A_1110 = arith.constant 0 : i32
      %dma_start3A_1111 = tpu.memref_slice %arg3[%add3A, %dma_start3A_1109, %dma_start3A_1110] : memref<32x26x128xi32, #tpu.memory_space<hbm>> -> memref<1x26x128xi32, #tpu.memory_space<hbm>>
      %dma_start3A_1112 = tpu.memref_squeeze %dma_start3A_1111 : memref<1x26x128xi32, #tpu.memory_space<hbm>> -> memref<26x128xi32, #tpu.memory_space<hbm>>
      tpu.enqueue_dma source(%dma_start3A_1112 : memref<26x128xi32, #tpu.memory_space<hbm>>) target(%arg6 : memref<26x128xi32, #tpu.memory_space<vmem>>) target_semaphore(%run_scoped3A : memref<!tpu.dma_semaphore, #tpu.memory_space<semaphore_mem>>)
      %dma_wait3A_1113 = arith.constant 0 : i32
      %dma_wait3A_1114 = arith.constant 0 : i32
      %dma_wait3A_1115 = tpu.memref_slice %arg3[%add3A, %dma_wait3A_1113, %dma_wait3A_1114] : memref<32x26x128xi32, #tpu.memory_space<hbm>> -> memref<1x26x128xi32, #tpu.memory_space<hbm>>
      %dma_wait3A_1116 = tpu.memref_squeeze %dma_wait3A_1115 : memref<1x26x128xi32, #tpu.memory_space<hbm>> -> memref<26x128xi32, #tpu.memory_space<hbm>>
      %dma_wait3A_1117 = arith.constant 0 : i32
      %dma_wait3A_1118 = arith.constant 0 : i32
      %dma_wait3A_1119 = tpu.memref_slice %arg3[%add3A, %dma_wait3A_1117, %dma_wait3A_1118] : memref<32x26x128xi32, #tpu.memory_space<hbm>> -> memref<1x26x128xi32, #tpu.memory_space<hbm>>
      %dma_wait3A_1120 = tpu.memref_squeeze %dma_wait3A_1119 : memref<1x26x128xi32, #tpu.memory_space<hbm>> -> memref<26x128xi32, #tpu.memory_space<hbm>>
      tpu.wait_dma2 semaphore(%run_scoped3A : memref<!tpu.dma_semaphore, #tpu.memory_space<semaphore_mem>>) src(%dma_wait3A_1120 : memref<26x128xi32, #tpu.memory_space<hbm>>) dst(%arg6 : memref<26x128xi32, #tpu.memory_space<vmem>>)
      tpu.yield
    }) : () -> ()
    %dma_start3A = arith.constant 0 : i32
    %dma_start3A_3 = arith.constant 0 : i32
    %dma_start3A_4 = tpu.memref_slice %arg7[%dma_start3A_3] : memref<3328xi32, #tpu.memory_space<vmem>> -> memref<128xi32, #tpu.memory_space<vmem>>
    %dma_start3A_5 = arith.constant 0 : i32
    %dma_start3A_6 = tpu.memref_slice %arg6[%dma_start3A, %dma_start3A_5] : memref<26x128xi32, #tpu.memory_space<vmem>> -> memref<1x128xi32, #tpu.memory_space<vmem>>
    %dma_start3A_7 = tpu.memref_squeeze %dma_start3A_6 : memref<1x128xi32, #tpu.memory_space<vmem>> -> memref<128xi32, #tpu.memory_space<vmem>>
    %dma_start3A_8 = arith.constant 0 : i32
    %dma_start3A_9 = tpu.memref_slice %arg2[%dma_start3A_8] : memref<102400xi32, #tpu.memory_space<hbm>> -> memref<102400xi32, #tpu.memory_space<hbm>>
    tpu.enqueue_indirect_dma source(%dma_start3A_9 : memref<102400xi32, #tpu.memory_space<hbm>>) target(%dma_start3A_4 : memref<128xi32, #tpu.memory_space<vmem>>) offsets(%dma_start3A_7 : memref<128xi32, #tpu.memory_space<vmem>>) semaphore(%arg9 : memref<!tpu.dma_semaphore, #tpu.memory_space<semaphore_mem>>)
    %dma_start3A_10 = arith.constant 1 : i32
    %dma_start3A_11 = arith.constant 128 : i32
    %dma_start3A_12 = tpu.memref_slice %arg7[%dma_start3A_11] : memref<3328xi32, #tpu.memory_space<vmem>> -> memref<128xi32, #tpu.memory_space<vmem>>
    %dma_start3A_13 = arith.constant 0 : i32
    %dma_start3A_14 = tpu.memref_slice %arg6[%dma_start3A_10, %dma_start3A_13] : memref<26x128xi32, #tpu.memory_space<vmem>> -> memref<1x128xi32, #tpu.memory_space<vmem>>
    %dma_start3A_15 = tpu.memref_squeeze %dma_start3A_14 : memref<1x128xi32, #tpu.memory_space<vmem>> -> memref<128xi32, #tpu.memory_space<vmem>>
    %dma_start3A_16 = arith.constant 0 : i32
    %dma_start3A_17 = tpu.memref_slice %arg2[%dma_start3A_16] : memref<102400xi32, #tpu.memory_space<hbm>> -> memref<102400xi32, #tpu.memory_space<hbm>>
    tpu.enqueue_indirect_dma source(%dma_start3A_17 : memref<102400xi32, #tpu.memory_space<hbm>>) target(%dma_start3A_12 : memref<128xi32, #tpu.memory_space<vmem>>) offsets(%dma_start3A_15 : memref<128xi32, #tpu.memory_space<vmem>>) semaphore(%arg9 : memref<!tpu.dma_semaphore, #tpu.memory_space<semaphore_mem>>)
    %dma_start3A_18 = arith.constant 2 : i32
    %dma_start3A_19 = arith.constant 256 : i32
    %dma_start3A_20 = tpu.memref_slice %arg7[%dma_start3A_19] : memref<3328xi32, #tpu.memory_space<vmem>> -> memref<128xi32, #tpu.memory_space<vmem>>
    %dma_start3A_21 = arith.constant 0 : i32
    %dma_start3A_22 = tpu.memref_slice %arg6[%dma_start3A_18, %dma_start3A_21] : memref<26x128xi32, #tpu.memory_space<vmem>> -> memref<1x128xi32, #tpu.memory_space<vmem>>
    %dma_start3A_23 = tpu.memref_squeeze %dma_start3A_22 : memref<1x128xi32, #tpu.memory_space<vmem>> -> memref<128xi32, #tpu.memory_space<vmem>>
    %dma_start3A_24 = arith.constant 0 : i32
    %dma_start3A_25 = tpu.memref_slice %arg2[%dma_start3A_24] : memref<102400xi32, #tpu.memory_space<hbm>> -> memref<102400xi32, #tpu.memory_space<hbm>>
    tpu.enqueue_indirect_dma source(%dma_start3A_25 : memref<102400xi32, #tpu.memory_space<hbm>>) target(%dma_start3A_20 : memref<128xi32, #tpu.memory_space<vmem>>) offsets(%dma_start3A_23 : memref<128xi32, #tpu.memory_space<vmem>>) semaphore(%arg9 : memref<!tpu.dma_semaphore, #tpu.memory_space<semaphore_mem>>)
    %dma_start3A_26 = arith.constant 3 : i32
    %dma_start3A_27 = arith.constant 384 : i32
    %dma_start3A_28 = tpu.memref_slice %arg7[%dma_start3A_27] : memref<3328xi32, #tpu.memory_space<vmem>> -> memref<128xi32, #tpu.memory_space<vmem>>
    %dma_start3A_29 = arith.constant 0 : i32
    %dma_start3A_30 = tpu.memref_slice %arg6[%dma_start3A_26, %dma_start3A_29] : memref<26x128xi32, #tpu.memory_space<vmem>> -> memref<1x128xi32, #tpu.memory_space<vmem>>
    %dma_start3A_31 = tpu.memref_squeeze %dma_start3A_30 : memref<1x128xi32, #tpu.memory_space<vmem>> -> memref<128xi32, #tpu.memory_space<vmem>>
    %dma_start3A_32 = arith.constant 0 : i32
    %dma_start3A_33 = tpu.memref_slice %arg2[%dma_start3A_32] : memref<102400xi32, #tpu.memory_space<hbm>> -> memref<102400xi32, #tpu.memory_space<hbm>>
    tpu.enqueue_indirect_dma source(%dma_start3A_33 : memref<102400xi32, #tpu.memory_space<hbm>>) target(%dma_start3A_28 : memref<128xi32, #tpu.memory_space<vmem>>) offsets(%dma_start3A_31 : memref<128xi32, #tpu.memory_space<vmem>>) semaphore(%arg9 : memref<!tpu.dma_semaphore, #tpu.memory_space<semaphore_mem>>)
    %dma_start3A_34 = arith.constant 4 : i32
    %dma_start3A_35 = arith.constant 512 : i32
    %dma_start3A_36 = tpu.memref_slice %arg7[%dma_start3A_35] : memref<3328xi32, #tpu.memory_space<vmem>> -> memref<128xi32, #tpu.memory_space<vmem>>
    %dma_start3A_37 = arith.constant 0 : i32
    %dma_start3A_38 = tpu.memref_slice %arg6[%dma_start3A_34, %dma_start3A_37] : memref<26x128xi32, #tpu.memory_space<vmem>> -> memref<1x128xi32, #tpu.memory_space<vmem>>
    %dma_start3A_39 = tpu.memref_squeeze %dma_start3A_38 : memref<1x128xi32, #tpu.memory_space<vmem>> -> memref<128xi32, #tpu.memory_space<vmem>>
    %dma_start3A_40 = arith.constant 0 : i32
    %dma_start3A_41 = tpu.memref_slice %arg2[%dma_start3A_40] : memref<102400xi32, #tpu.memory_space<hbm>> -> memref<102400xi32, #tpu.memory_space<hbm>>
    tpu.enqueue_indirect_dma source(%dma_start3A_41 : memref<102400xi32, #tpu.memory_space<hbm>>) target(%dma_start3A_36 : memref<128xi32, #tpu.memory_space<vmem>>) offsets(%dma_start3A_39 : memref<128xi32, #tpu.memory_space<vmem>>) semaphore(%arg9 : memref<!tpu.dma_semaphore, #tpu.memory_space<semaphore_mem>>)
    %dma_start3A_42 = arith.constant 5 : i32
    %dma_start3A_43 = arith.constant 640 : i32
    %dma_start3A_44 = tpu.memref_slice %arg7[%dma_start3A_43] : memref<3328xi32, #tpu.memory_space<vmem>> -> memref<128xi32, #tpu.memory_space<vmem>>
    %dma_start3A_45 = arith.constant 0 : i32
    %dma_start3A_46 = tpu.memref_slice %arg6[%dma_start3A_42, %dma_start3A_45] : memref<26x128xi32, #tpu.memory_space<vmem>> -> memref<1x128xi32, #tpu.memory_space<vmem>>
    %dma_start3A_47 = tpu.memref_squeeze %dma_start3A_46 : memref<1x128xi32, #tpu.memory_space<vmem>> -> memref<128xi32, #tpu.memory_space<vmem>>
    %dma_start3A_48 = arith.constant 0 : i32
    %dma_start3A_49 = tpu.memref_slice %arg2[%dma_start3A_48] : memref<102400xi32, #tpu.memory_space<hbm>> -> memref<102400xi32, #tpu.memory_space<hbm>>
    tpu.enqueue_indirect_dma source(%dma_start3A_49 : memref<102400xi32, #tpu.memory_space<hbm>>) target(%dma_start3A_44 : memref<128xi32, #tpu.memory_space<vmem>>) offsets(%dma_start3A_47 : memref<128xi32, #tpu.memory_space<vmem>>) semaphore(%arg9 : memref<!tpu.dma_semaphore, #tpu.memory_space<semaphore_mem>>)
    %dma_start3A_50 = arith.constant 6 : i32
    %dma_start3A_51 = arith.constant 768 : i32
    %dma_start3A_52 = tpu.memref_slice %arg7[%dma_start3A_51] : memref<3328xi32, #tpu.memory_space<vmem>> -> memref<128xi32, #tpu.memory_space<vmem>>
    %dma_start3A_53 = arith.constant 0 : i32
    %dma_start3A_54 = tpu.memref_slice %arg6[%dma_start3A_50, %dma_start3A_53] : memref<26x128xi32, #tpu.memory_space<vmem>> -> memref<1x128xi32, #tpu.memory_space<vmem>>
    %dma_start3A_55 = tpu.memref_squeeze %dma_start3A_54 : memref<1x128xi32, #tpu.memory_space<vmem>> -> memref<128xi32, #tpu.memory_space<vmem>>
    %dma_start3A_56 = arith.constant 0 : i32
    %dma_start3A_57 = tpu.memref_slice %arg2[%dma_start3A_56] : memref<102400xi32, #tpu.memory_space<hbm>> -> memref<102400xi32, #tpu.memory_space<hbm>>
    tpu.enqueue_indirect_dma source(%dma_start3A_57 : memref<102400xi32, #tpu.memory_space<hbm>>) target(%dma_start3A_52 : memref<128xi32, #tpu.memory_space<vmem>>) offsets(%dma_start3A_55 : memref<128xi32, #tpu.memory_space<vmem>>) semaphore(%arg9 : memref<!tpu.dma_semaphore, #tpu.memory_space<semaphore_mem>>)
    %dma_start3A_58 = arith.constant 7 : i32
    %dma_start3A_59 = arith.constant 896 : i32
    %dma_start3A_60 = tpu.memref_slice %arg7[%dma_start3A_59] : memref<3328xi32, #tpu.memory_space<vmem>> -> memref<128xi32, #tpu.memory_space<vmem>>
    %dma_start3A_61 = arith.constant 0 : i32
    %dma_start3A_62 = tpu.memref_slice %arg6[%dma_start3A_58, %dma_start3A_61] : memref<26x128xi32, #tpu.memory_space<vmem>> -> memref<1x128xi32, #tpu.memory_space<vmem>>
    %dma_start3A_63 = tpu.memref_squeeze %dma_start3A_62 : memref<1x128xi32, #tpu.memory_space<vmem>> -> memref<128xi32, #tpu.memory_space<vmem>>
    %dma_start3A_64 = arith.constant 0 : i32
    %dma_start3A_65 = tpu.memref_slice %arg2[%dma_start3A_64] : memref<102400xi32, #tpu.memory_space<hbm>> -> memref<102400xi32, #tpu.memory_space<hbm>>
    tpu.enqueue_indirect_dma source(%dma_start3A_65 : memref<102400xi32, #tpu.memory_space<hbm>>) target(%dma_start3A_60 : memref<128xi32, #tpu.memory_space<vmem>>) offsets(%dma_start3A_63 : memref<128xi32, #tpu.memory_space<vmem>>) semaphore(%arg9 : memref<!tpu.dma_semaphore, #tpu.memory_space<semaphore_mem>>)
    %dma_start3A_66 = arith.constant 8 : i32
    %dma_start3A_67 = arith.constant 1024 : i32
    %dma_start3A_68 = tpu.memref_slice %arg7[%dma_start3A_67] : memref<3328xi32, #tpu.memory_space<vmem>> -> memref<128xi32, #tpu.memory_space<vmem>>
    %dma_start3A_69 = arith.constant 0 : i32
    %dma_start3A_70 = tpu.memref_slice %arg6[%dma_start3A_66, %dma_start3A_69] : memref<26x128xi32, #tpu.memory_space<vmem>> -> memref<1x128xi32, #tpu.memory_space<vmem>>
    %dma_start3A_71 = tpu.memref_squeeze %dma_start3A_70 : memref<1x128xi32, #tpu.memory_space<vmem>> -> memref<128xi32, #tpu.memory_space<vmem>>
    %dma_start3A_72 = arith.constant 0 : i32
    %dma_start3A_73 = tpu.memref_slice %arg2[%dma_start3A_72] : memref<102400xi32, #tpu.memory_space<hbm>> -> memref<102400xi32, #tpu.memory_space<hbm>>
    tpu.enqueue_indirect_dma source(%dma_start3A_73 : memref<102400xi32, #tpu.memory_space<hbm>>) target(%dma_start3A_68 : memref<128xi32, #tpu.memory_space<vmem>>) offsets(%dma_start3A_71 : memref<128xi32, #tpu.memory_space<vmem>>) semaphore(%arg9 : memref<!tpu.dma_semaphore, #tpu.memory_space<semaphore_mem>>)
    %dma_start3A_74 = arith.constant 9 : i32
    %dma_start3A_75 = arith.constant 1152 : i32
    %dma_start3A_76 = tpu.memref_slice %arg7[%dma_start3A_75] : memref<3328xi32, #tpu.memory_space<vmem>> -> memref<128xi32, #tpu.memory_space<vmem>>
    %dma_start3A_77 = arith.constant 0 : i32
    %dma_start3A_78 = tpu.memref_slice %arg6[%dma_start3A_74, %dma_start3A_77] : memref<26x128xi32, #tpu.memory_space<vmem>> -> memref<1x128xi32, #tpu.memory_space<vmem>>
    %dma_start3A_79 = tpu.memref_squeeze %dma_start3A_78 : memref<1x128xi32, #tpu.memory_space<vmem>> -> memref<128xi32, #tpu.memory_space<vmem>>
    %dma_start3A_80 = arith.constant 0 : i32
    %dma_start3A_81 = tpu.memref_slice %arg2[%dma_start3A_80] : memref<102400xi32, #tpu.memory_space<hbm>> -> memref<102400xi32, #tpu.memory_space<hbm>>
    tpu.enqueue_indirect_dma source(%dma_start3A_81 : memref<102400xi32, #tpu.memory_space<hbm>>) target(%dma_start3A_76 : memref<128xi32, #tpu.memory_space<vmem>>) offsets(%dma_start3A_79 : memref<128xi32, #tpu.memory_space<vmem>>) semaphore(%arg9 : memref<!tpu.dma_semaphore, #tpu.memory_space<semaphore_mem>>)
    %dma_start3A_82 = arith.constant 10 : i32
    %dma_start3A_83 = arith.constant 1280 : i32
    %dma_start3A_84 = tpu.memref_slice %arg7[%dma_start3A_83] : memref<3328xi32, #tpu.memory_space<vmem>> -> memref<128xi32, #tpu.memory_space<vmem>>
    %dma_start3A_85 = arith.constant 0 : i32
    %dma_start3A_86 = tpu.memref_slice %arg6[%dma_start3A_82, %dma_start3A_85] : memref<26x128xi32, #tpu.memory_space<vmem>> -> memref<1x128xi32, #tpu.memory_space<vmem>>
    %dma_start3A_87 = tpu.memref_squeeze %dma_start3A_86 : memref<1x128xi32, #tpu.memory_space<vmem>> -> memref<128xi32, #tpu.memory_space<vmem>>
    %dma_start3A_88 = arith.constant 0 : i32
    %dma_start3A_89 = tpu.memref_slice %arg2[%dma_start3A_88] : memref<102400xi32, #tpu.memory_space<hbm>> -> memref<102400xi32, #tpu.memory_space<hbm>>
    tpu.enqueue_indirect_dma source(%dma_start3A_89 : memref<102400xi32, #tpu.memory_space<hbm>>) target(%dma_start3A_84 : memref<128xi32, #tpu.memory_space<vmem>>) offsets(%dma_start3A_87 : memref<128xi32, #tpu.memory_space<vmem>>) semaphore(%arg9 : memref<!tpu.dma_semaphore, #tpu.memory_space<semaphore_mem>>)
    %dma_start3A_90 = arith.constant 11 : i32
    %dma_start3A_91 = arith.constant 1408 : i32
    %dma_start3A_92 = tpu.memref_slice %arg7[%dma_start3A_91] : memref<3328xi32, #tpu.memory_space<vmem>> -> memref<128xi32, #tpu.memory_space<vmem>>
    %dma_start3A_93 = arith.constant 0 : i32
    %dma_start3A_94 = tpu.memref_slice %arg6[%dma_start3A_90, %dma_start3A_93] : memref<26x128xi32, #tpu.memory_space<vmem>> -> memref<1x128xi32, #tpu.memory_space<vmem>>
    %dma_start3A_95 = tpu.memref_squeeze %dma_start3A_94 : memref<1x128xi32, #tpu.memory_space<vmem>> -> memref<128xi32, #tpu.memory_space<vmem>>
    %dma_start3A_96 = arith.constant 0 : i32
    %dma_start3A_97 = tpu.memref_slice %arg2[%dma_start3A_96] : memref<102400xi32, #tpu.memory_space<hbm>> -> memref<102400xi32, #tpu.memory_space<hbm>>
    tpu.enqueue_indirect_dma source(%dma_start3A_97 : memref<102400xi32, #tpu.memory_space<hbm>>) target(%dma_start3A_92 : memref<128xi32, #tpu.memory_space<vmem>>) offsets(%dma_start3A_95 : memref<128xi32, #tpu.memory_space<vmem>>) semaphore(%arg9 : memref<!tpu.dma_semaphore, #tpu.memory_space<semaphore_mem>>)
    %dma_start3A_98 = arith.constant 12 : i32
    %dma_start3A_99 = arith.constant 1536 : i32
    %dma_start3A_100 = tpu.memref_slice %arg7[%dma_start3A_99] : memref<3328xi32, #tpu.memory_space<vmem>> -> memref<128xi32, #tpu.memory_space<vmem>>
    %dma_start3A_101 = arith.constant 0 : i32
    %dma_start3A_102 = tpu.memref_slice %arg6[%dma_start3A_98, %dma_start3A_101] : memref<26x128xi32, #tpu.memory_space<vmem>> -> memref<1x128xi32, #tpu.memory_space<vmem>>
    %dma_start3A_103 = tpu.memref_squeeze %dma_start3A_102 : memref<1x128xi32, #tpu.memory_space<vmem>> -> memref<128xi32, #tpu.memory_space<vmem>>
    %dma_start3A_104 = arith.constant 0 : i32
    %dma_start3A_105 = tpu.memref_slice %arg2[%dma_start3A_104] : memref<102400xi32, #tpu.memory_space<hbm>> -> memref<102400xi32, #tpu.memory_space<hbm>>
    tpu.enqueue_indirect_dma source(%dma_start3A_105 : memref<102400xi32, #tpu.memory_space<hbm>>) target(%dma_start3A_100 : memref<128xi32, #tpu.memory_space<vmem>>) offsets(%dma_start3A_103 : memref<128xi32, #tpu.memory_space<vmem>>) semaphore(%arg9 : memref<!tpu.dma_semaphore, #tpu.memory_space<semaphore_mem>>)
    %dma_start3A_106 = arith.constant 13 : i32
    %dma_start3A_107 = arith.constant 1664 : i32
    %dma_start3A_108 = tpu.memref_slice %arg7[%dma_start3A_107] : memref<3328xi32, #tpu.memory_space<vmem>> -> memref<128xi32, #tpu.memory_space<vmem>>
    %dma_start3A_109 = arith.constant 0 : i32
    %dma_start3A_110 = tpu.memref_slice %arg6[%dma_start3A_106, %dma_start3A_109] : memref<26x128xi32, #tpu.memory_space<vmem>> -> memref<1x128xi32, #tpu.memory_space<vmem>>
    %dma_start3A_111 = tpu.memref_squeeze %dma_start3A_110 : memref<1x128xi32, #tpu.memory_space<vmem>> -> memref<128xi32, #tpu.memory_space<vmem>>
    %dma_start3A_112 = arith.constant 0 : i32
    %dma_start3A_113 = tpu.memref_slice %arg2[%dma_start3A_112] : memref<102400xi32, #tpu.memory_space<hbm>> -> memref<102400xi32, #tpu.memory_space<hbm>>
    tpu.enqueue_indirect_dma source(%dma_start3A_113 : memref<102400xi32, #tpu.memory_space<hbm>>) target(%dma_start3A_108 : memref<128xi32, #tpu.memory_space<vmem>>) offsets(%dma_start3A_111 : memref<128xi32, #tpu.memory_space<vmem>>) semaphore(%arg9 : memref<!tpu.dma_semaphore, #tpu.memory_space<semaphore_mem>>)
    %dma_start3A_114 = arith.constant 14 : i32
    %dma_start3A_115 = arith.constant 1792 : i32
    %dma_start3A_116 = tpu.memref_slice %arg7[%dma_start3A_115] : memref<3328xi32, #tpu.memory_space<vmem>> -> memref<128xi32, #tpu.memory_space<vmem>>
    %dma_start3A_117 = arith.constant 0 : i32
    %dma_start3A_118 = tpu.memref_slice %arg6[%dma_start3A_114, %dma_start3A_117] : memref<26x128xi32, #tpu.memory_space<vmem>> -> memref<1x128xi32, #tpu.memory_space<vmem>>
    %dma_start3A_119 = tpu.memref_squeeze %dma_start3A_118 : memref<1x128xi32, #tpu.memory_space<vmem>> -> memref<128xi32, #tpu.memory_space<vmem>>
    %dma_start3A_120 = arith.constant 0 : i32
    %dma_start3A_121 = tpu.memref_slice %arg2[%dma_start3A_120] : memref<102400xi32, #tpu.memory_space<hbm>> -> memref<102400xi32, #tpu.memory_space<hbm>>
    tpu.enqueue_indirect_dma source(%dma_start3A_121 : memref<102400xi32, #tpu.memory_space<hbm>>) target(%dma_start3A_116 : memref<128xi32, #tpu.memory_space<vmem>>) offsets(%dma_start3A_119 : memref<128xi32, #tpu.memory_space<vmem>>) semaphore(%arg9 : memref<!tpu.dma_semaphore, #tpu.memory_space<semaphore_mem>>)
    %dma_start3A_122 = arith.constant 15 : i32
    %dma_start3A_123 = arith.constant 1920 : i32
    %dma_start3A_124 = tpu.memref_slice %arg7[%dma_start3A_123] : memref<3328xi32, #tpu.memory_space<vmem>> -> memref<128xi32, #tpu.memory_space<vmem>>
    %dma_start3A_125 = arith.constant 0 : i32
    %dma_start3A_126 = tpu.memref_slice %arg6[%dma_start3A_122, %dma_start3A_125] : memref<26x128xi32, #tpu.memory_space<vmem>> -> memref<1x128xi32, #tpu.memory_space<vmem>>
    %dma_start3A_127 = tpu.memref_squeeze %dma_start3A_126 : memref<1x128xi32, #tpu.memory_space<vmem>> -> memref<128xi32, #tpu.memory_space<vmem>>
    %dma_start3A_128 = arith.constant 0 : i32
    %dma_start3A_129 = tpu.memref_slice %arg2[%dma_start3A_128] : memref<102400xi32, #tpu.memory_space<hbm>> -> memref<102400xi32, #tpu.memory_space<hbm>>
    tpu.enqueue_indirect_dma source(%dma_start3A_129 : memref<102400xi32, #tpu.memory_space<hbm>>) target(%dma_start3A_124 : memref<128xi32, #tpu.memory_space<vmem>>) offsets(%dma_start3A_127 : memref<128xi32, #tpu.memory_space<vmem>>) semaphore(%arg9 : memref<!tpu.dma_semaphore, #tpu.memory_space<semaphore_mem>>)
    %dma_start3A_130 = arith.constant 16 : i32
    %dma_start3A_131 = arith.constant 2048 : i32
    %dma_start3A_132 = tpu.memref_slice %arg7[%dma_start3A_131] : memref<3328xi32, #tpu.memory_space<vmem>> -> memref<128xi32, #tpu.memory_space<vmem>>
    %dma_start3A_133 = arith.constant 0 : i32
    %dma_start3A_134 = tpu.memref_slice %arg6[%dma_start3A_130, %dma_start3A_133] : memref<26x128xi32, #tpu.memory_space<vmem>> -> memref<1x128xi32, #tpu.memory_space<vmem>>
    %dma_start3A_135 = tpu.memref_squeeze %dma_start3A_134 : memref<1x128xi32, #tpu.memory_space<vmem>> -> memref<128xi32, #tpu.memory_space<vmem>>
    %dma_start3A_136 = arith.constant 0 : i32
    %dma_start3A_137 = tpu.memref_slice %arg2[%dma_start3A_136] : memref<102400xi32, #tpu.memory_space<hbm>> -> memref<102400xi32, #tpu.memory_space<hbm>>
    tpu.enqueue_indirect_dma source(%dma_start3A_137 : memref<102400xi32, #tpu.memory_space<hbm>>) target(%dma_start3A_132 : memref<128xi32, #tpu.memory_space<vmem>>) offsets(%dma_start3A_135 : memref<128xi32, #tpu.memory_space<vmem>>) semaphore(%arg9 : memref<!tpu.dma_semaphore, #tpu.memory_space<semaphore_mem>>)
    %dma_start3A_138 = arith.constant 17 : i32
    %dma_start3A_139 = arith.constant 2176 : i32
    %dma_start3A_140 = tpu.memref_slice %arg7[%dma_start3A_139] : memref<3328xi32, #tpu.memory_space<vmem>> -> memref<128xi32, #tpu.memory_space<vmem>>
    %dma_start3A_141 = arith.constant 0 : i32
    %dma_start3A_142 = tpu.memref_slice %arg6[%dma_start3A_138, %dma_start3A_141] : memref<26x128xi32, #tpu.memory_space<vmem>> -> memref<1x128xi32, #tpu.memory_space<vmem>>
    %dma_start3A_143 = tpu.memref_squeeze %dma_start3A_142 : memref<1x128xi32, #tpu.memory_space<vmem>> -> memref<128xi32, #tpu.memory_space<vmem>>
    %dma_start3A_144 = arith.constant 0 : i32
    %dma_start3A_145 = tpu.memref_slice %arg2[%dma_start3A_144] : memref<102400xi32, #tpu.memory_space<hbm>> -> memref<102400xi32, #tpu.memory_space<hbm>>
    tpu.enqueue_indirect_dma source(%dma_start3A_145 : memref<102400xi32, #tpu.memory_space<hbm>>) target(%dma_start3A_140 : memref<128xi32, #tpu.memory_space<vmem>>) offsets(%dma_start3A_143 : memref<128xi32, #tpu.memory_space<vmem>>) semaphore(%arg9 : memref<!tpu.dma_semaphore, #tpu.memory_space<semaphore_mem>>)
    %dma_start3A_146 = arith.constant 18 : i32
    %dma_start3A_147 = arith.constant 2304 : i32
    %dma_start3A_148 = tpu.memref_slice %arg7[%dma_start3A_147] : memref<3328xi32, #tpu.memory_space<vmem>> -> memref<128xi32, #tpu.memory_space<vmem>>
    %dma_start3A_149 = arith.constant 0 : i32
    %dma_start3A_150 = tpu.memref_slice %arg6[%dma_start3A_146, %dma_start3A_149] : memref<26x128xi32, #tpu.memory_space<vmem>> -> memref<1x128xi32, #tpu.memory_space<vmem>>
    %dma_start3A_151 = tpu.memref_squeeze %dma_start3A_150 : memref<1x128xi32, #tpu.memory_space<vmem>> -> memref<128xi32, #tpu.memory_space<vmem>>
    %dma_start3A_152 = arith.constant 0 : i32
    %dma_start3A_153 = tpu.memref_slice %arg2[%dma_start3A_152] : memref<102400xi32, #tpu.memory_space<hbm>> -> memref<102400xi32, #tpu.memory_space<hbm>>
    tpu.enqueue_indirect_dma source(%dma_start3A_153 : memref<102400xi32, #tpu.memory_space<hbm>>) target(%dma_start3A_148 : memref<128xi32, #tpu.memory_space<vmem>>) offsets(%dma_start3A_151 : memref<128xi32, #tpu.memory_space<vmem>>) semaphore(%arg9 : memref<!tpu.dma_semaphore, #tpu.memory_space<semaphore_mem>>)
    %dma_start3A_154 = arith.constant 19 : i32
    %dma_start3A_155 = arith.constant 2432 : i32
    %dma_start3A_156 = tpu.memref_slice %arg7[%dma_start3A_155] : memref<3328xi32, #tpu.memory_space<vmem>> -> memref<128xi32, #tpu.memory_space<vmem>>
    %dma_start3A_157 = arith.constant 0 : i32
    %dma_start3A_158 = tpu.memref_slice %arg6[%dma_start3A_154, %dma_start3A_157] : memref<26x128xi32, #tpu.memory_space<vmem>> -> memref<1x128xi32, #tpu.memory_space<vmem>>
    %dma_start3A_159 = tpu.memref_squeeze %dma_start3A_158 : memref<1x128xi32, #tpu.memory_space<vmem>> -> memref<128xi32, #tpu.memory_space<vmem>>
    %dma_start3A_160 = arith.constant 0 : i32
    %dma_start3A_161 = tpu.memref_slice %arg2[%dma_start3A_160] : memref<102400xi32, #tpu.memory_space<hbm>> -> memref<102400xi32, #tpu.memory_space<hbm>>
    tpu.enqueue_indirect_dma source(%dma_start3A_161 : memref<102400xi32, #tpu.memory_space<hbm>>) target(%dma_start3A_156 : memref<128xi32, #tpu.memory_space<vmem>>) offsets(%dma_start3A_159 : memref<128xi32, #tpu.memory_space<vmem>>) semaphore(%arg9 : memref<!tpu.dma_semaphore, #tpu.memory_space<semaphore_mem>>)
    %dma_start3A_162 = arith.constant 20 : i32
    %dma_start3A_163 = arith.constant 2560 : i32
    %dma_start3A_164 = tpu.memref_slice %arg7[%dma_start3A_163] : memref<3328xi32, #tpu.memory_space<vmem>> -> memref<128xi32, #tpu.memory_space<vmem>>
    %dma_start3A_165 = arith.constant 0 : i32
    %dma_start3A_166 = tpu.memref_slice %arg6[%dma_start3A_162, %dma_start3A_165] : memref<26x128xi32, #tpu.memory_space<vmem>> -> memref<1x128xi32, #tpu.memory_space<vmem>>
    %dma_start3A_167 = tpu.memref_squeeze %dma_start3A_166 : memref<1x128xi32, #tpu.memory_space<vmem>> -> memref<128xi32, #tpu.memory_space<vmem>>
    %dma_start3A_168 = arith.constant 0 : i32
    %dma_start3A_169 = tpu.memref_slice %arg2[%dma_start3A_168] : memref<102400xi32, #tpu.memory_space<hbm>> -> memref<102400xi32, #tpu.memory_space<hbm>>
    tpu.enqueue_indirect_dma source(%dma_start3A_169 : memref<102400xi32, #tpu.memory_space<hbm>>) target(%dma_start3A_164 : memref<128xi32, #tpu.memory_space<vmem>>) offsets(%dma_start3A_167 : memref<128xi32, #tpu.memory_space<vmem>>) semaphore(%arg9 : memref<!tpu.dma_semaphore, #tpu.memory_space<semaphore_mem>>)
    %dma_start3A_170 = arith.constant 21 : i32
    %dma_start3A_171 = arith.constant 2688 : i32
    %dma_start3A_172 = tpu.memref_slice %arg7[%dma_start3A_171] : memref<3328xi32, #tpu.memory_space<vmem>> -> memref<128xi32, #tpu.memory_space<vmem>>
    %dma_start3A_173 = arith.constant 0 : i32
    %dma_start3A_174 = tpu.memref_slice %arg6[%dma_start3A_170, %dma_start3A_173] : memref<26x128xi32, #tpu.memory_space<vmem>> -> memref<1x128xi32, #tpu.memory_space<vmem>>
    %dma_start3A_175 = tpu.memref_squeeze %dma_start3A_174 : memref<1x128xi32, #tpu.memory_space<vmem>> -> memref<128xi32, #tpu.memory_space<vmem>>
    %dma_start3A_176 = arith.constant 0 : i32
    %dma_start3A_177 = tpu.memref_slice %arg2[%dma_start3A_176] : memref<102400xi32, #tpu.memory_space<hbm>> -> memref<102400xi32, #tpu.memory_space<hbm>>
    tpu.enqueue_indirect_dma source(%dma_start3A_177 : memref<102400xi32, #tpu.memory_space<hbm>>) target(%dma_start3A_172 : memref<128xi32, #tpu.memory_space<vmem>>) offsets(%dma_start3A_175 : memref<128xi32, #tpu.memory_space<vmem>>) semaphore(%arg9 : memref<!tpu.dma_semaphore, #tpu.memory_space<semaphore_mem>>)
    %dma_start3A_178 = arith.constant 22 : i32
    %dma_start3A_179 = arith.constant 2816 : i32
    %dma_start3A_180 = tpu.memref_slice %arg7[%dma_start3A_179] : memref<3328xi32, #tpu.memory_space<vmem>> -> memref<128xi32, #tpu.memory_space<vmem>>
    %dma_start3A_181 = arith.constant 0 : i32
    %dma_start3A_182 = tpu.memref_slice %arg6[%dma_start3A_178, %dma_start3A_181] : memref<26x128xi32, #tpu.memory_space<vmem>> -> memref<1x128xi32, #tpu.memory_space<vmem>>
    %dma_start3A_183 = tpu.memref_squeeze %dma_start3A_182 : memref<1x128xi32, #tpu.memory_space<vmem>> -> memref<128xi32, #tpu.memory_space<vmem>>
    %dma_start3A_184 = arith.constant 0 : i32
    %dma_start3A_185 = tpu.memref_slice %arg2[%dma_start3A_184] : memref<102400xi32, #tpu.memory_space<hbm>> -> memref<102400xi32, #tpu.memory_space<hbm>>
    tpu.enqueue_indirect_dma source(%dma_start3A_185 : memref<102400xi32, #tpu.memory_space<hbm>>) target(%dma_start3A_180 : memref<128xi32, #tpu.memory_space<vmem>>) offsets(%dma_start3A_183 : memref<128xi32, #tpu.memory_space<vmem>>) semaphore(%arg9 : memref<!tpu.dma_semaphore, #tpu.memory_space<semaphore_mem>>)
    %dma_start3A_186 = arith.constant 23 : i32
    %dma_start3A_187 = arith.constant 2944 : i32
    %dma_start3A_188 = tpu.memref_slice %arg7[%dma_start3A_187] : memref<3328xi32, #tpu.memory_space<vmem>> -> memref<128xi32, #tpu.memory_space<vmem>>
    %dma_start3A_189 = arith.constant 0 : i32
    %dma_start3A_190 = tpu.memref_slice %arg6[%dma_start3A_186, %dma_start3A_189] : memref<26x128xi32, #tpu.memory_space<vmem>> -> memref<1x128xi32, #tpu.memory_space<vmem>>
    %dma_start3A_191 = tpu.memref_squeeze %dma_start3A_190 : memref<1x128xi32, #tpu.memory_space<vmem>> -> memref<128xi32, #tpu.memory_space<vmem>>
    %dma_start3A_192 = arith.constant 0 : i32
    %dma_start3A_193 = tpu.memref_slice %arg2[%dma_start3A_192] : memref<102400xi32, #tpu.memory_space<hbm>> -> memref<102400xi32, #tpu.memory_space<hbm>>
    tpu.enqueue_indirect_dma source(%dma_start3A_193 : memref<102400xi32, #tpu.memory_space<hbm>>) target(%dma_start3A_188 : memref<128xi32, #tpu.memory_space<vmem>>) offsets(%dma_start3A_191 : memref<128xi32, #tpu.memory_space<vmem>>) semaphore(%arg9 : memref<!tpu.dma_semaphore, #tpu.memory_space<semaphore_mem>>)
    %dma_start3A_194 = arith.constant 24 : i32
    %dma_start3A_195 = arith.constant 3072 : i32
    %dma_start3A_196 = tpu.memref_slice %arg7[%dma_start3A_195] : memref<3328xi32, #tpu.memory_space<vmem>> -> memref<128xi32, #tpu.memory_space<vmem>>
    %dma_start3A_197 = arith.constant 0 : i32
    %dma_start3A_198 = tpu.memref_slice %arg6[%dma_start3A_194, %dma_start3A_197] : memref<26x128xi32, #tpu.memory_space<vmem>> -> memref<1x128xi32, #tpu.memory_space<vmem>>
    %dma_start3A_199 = tpu.memref_squeeze %dma_start3A_198 : memref<1x128xi32, #tpu.memory_space<vmem>> -> memref<128xi32, #tpu.memory_space<vmem>>
    %dma_start3A_200 = arith.constant 0 : i32
    %dma_start3A_201 = tpu.memref_slice %arg2[%dma_start3A_200] : memref<102400xi32, #tpu.memory_space<hbm>> -> memref<102400xi32, #tpu.memory_space<hbm>>
    tpu.enqueue_indirect_dma source(%dma_start3A_201 : memref<102400xi32, #tpu.memory_space<hbm>>) target(%dma_start3A_196 : memref<128xi32, #tpu.memory_space<vmem>>) offsets(%dma_start3A_199 : memref<128xi32, #tpu.memory_space<vmem>>) semaphore(%arg9 : memref<!tpu.dma_semaphore, #tpu.memory_space<semaphore_mem>>)
    %dma_start3A_202 = arith.constant 25 : i32
    %dma_start3A_203 = arith.constant 3200 : i32
    %dma_start3A_204 = tpu.memref_slice %arg7[%dma_start3A_203] : memref<3328xi32, #tpu.memory_space<vmem>> -> memref<128xi32, #tpu.memory_space<vmem>>
    %dma_start3A_205 = arith.constant 0 : i32
    %dma_start3A_206 = tpu.memref_slice %arg6[%dma_start3A_202, %dma_start3A_205] : memref<26x128xi32, #tpu.memory_space<vmem>> -> memref<1x128xi32, #tpu.memory_space<vmem>>
    %dma_start3A_207 = tpu.memref_squeeze %dma_start3A_206 : memref<1x128xi32, #tpu.memory_space<vmem>> -> memref<128xi32, #tpu.memory_space<vmem>>
    %dma_start3A_208 = arith.constant 0 : i32
    %dma_start3A_209 = tpu.memref_slice %arg2[%dma_start3A_208] : memref<102400xi32, #tpu.memory_space<hbm>> -> memref<102400xi32, #tpu.memory_space<hbm>>
    tpu.enqueue_indirect_dma source(%dma_start3A_209 : memref<102400xi32, #tpu.memory_space<hbm>>) target(%dma_start3A_204 : memref<128xi32, #tpu.memory_space<vmem>>) offsets(%dma_start3A_207 : memref<128xi32, #tpu.memory_space<vmem>>) semaphore(%arg9 : memref<!tpu.dma_semaphore, #tpu.memory_space<semaphore_mem>>)
    %dma_wait3A = arith.constant 0 : i32
    %dma_wait3A_210 = arith.constant 0 : i32
    %dma_wait3A_211 = tpu.memref_slice %arg7[%dma_wait3A_210] : memref<3328xi32, #tpu.memory_space<vmem>> -> memref<128xi32, #tpu.memory_space<vmem>>
    %dma_wait3A_212 = arith.constant 0 : i32
    %dma_wait3A_213 = tpu.memref_slice %arg6[%dma_wait3A, %dma_wait3A_212] : memref<26x128xi32, #tpu.memory_space<vmem>> -> memref<1x128xi32, #tpu.memory_space<vmem>>
    %dma_wait3A_214 = tpu.memref_squeeze %dma_wait3A_213 : memref<1x128xi32, #tpu.memory_space<vmem>> -> memref<128xi32, #tpu.memory_space<vmem>>
    %dma_wait3A_215 = arith.constant 0 : i32
    %dma_wait3A_216 = tpu.memref_slice %arg2[%dma_wait3A_215] : memref<102400xi32, #tpu.memory_space<hbm>> -> memref<102400xi32, #tpu.memory_space<hbm>>
    tpu.wait_indirect_dma semaphore(%arg9 : memref<!tpu.dma_semaphore, #tpu.memory_space<semaphore_mem>>) src(%dma_wait3A_216 : memref<102400xi32, #tpu.memory_space<hbm>>) dst(%dma_wait3A_211 : memref<128xi32, #tpu.memory_space<vmem>>)
    %dma_wait3A_217 = arith.constant 1 : i32
    %dma_wait3A_218 = arith.constant 128 : i32
    %dma_wait3A_219 = tpu.memref_slice %arg7[%dma_wait3A_218] : memref<3328xi32, #tpu.memory_space<vmem>> -> memref<128xi32, #tpu.memory_space<vmem>>
    %dma_wait3A_220 = arith.constant 0 : i32
    %dma_wait3A_221 = tpu.memref_slice %arg6[%dma_wait3A_217, %dma_wait3A_220] : memref<26x128xi32, #tpu.memory_space<vmem>> -> memref<1x128xi32, #tpu.memory_space<vmem>>
    %dma_wait3A_222 = tpu.memref_squeeze %dma_wait3A_221 : memref<1x128xi32, #tpu.memory_space<vmem>> -> memref<128xi32, #tpu.memory_space<vmem>>
    %dma_wait3A_223 = arith.constant 0 : i32
    %dma_wait3A_224 = tpu.memref_slice %arg2[%dma_wait3A_223] : memref<102400xi32, #tpu.memory_space<hbm>> -> memref<102400xi32, #tpu.memory_space<hbm>>
    tpu.wait_indirect_dma semaphore(%arg9 : memref<!tpu.dma_semaphore, #tpu.memory_space<semaphore_mem>>) src(%dma_wait3A_224 : memref<102400xi32, #tpu.memory_space<hbm>>) dst(%dma_wait3A_219 : memref<128xi32, #tpu.memory_space<vmem>>)
    %dma_wait3A_225 = arith.constant 2 : i32
    %dma_wait3A_226 = arith.constant 256 : i32
    %dma_wait3A_227 = tpu.memref_slice %arg7[%dma_wait3A_226] : memref<3328xi32, #tpu.memory_space<vmem>> -> memref<128xi32, #tpu.memory_space<vmem>>
    %dma_wait3A_228 = arith.constant 0 : i32
    %dma_wait3A_229 = tpu.memref_slice %arg6[%dma_wait3A_225, %dma_wait3A_228] : memref<26x128xi32, #tpu.memory_space<vmem>> -> memref<1x128xi32, #tpu.memory_space<vmem>>
    %dma_wait3A_230 = tpu.memref_squeeze %dma_wait3A_229 : memref<1x128xi32, #tpu.memory_space<vmem>> -> memref<128xi32, #tpu.memory_space<vmem>>
    %dma_wait3A_231 = arith.constant 0 : i32
    %dma_wait3A_232 = tpu.memref_slice %arg2[%dma_wait3A_231] : memref<102400xi32, #tpu.memory_space<hbm>> -> memref<102400xi32, #tpu.memory_space<hbm>>
    tpu.wait_indirect_dma semaphore(%arg9 : memref<!tpu.dma_semaphore, #tpu.memory_space<semaphore_mem>>) src(%dma_wait3A_232 : memref<102400xi32, #tpu.memory_space<hbm>>) dst(%dma_wait3A_227 : memref<128xi32, #tpu.memory_space<vmem>>)
    %dma_wait3A_233 = arith.constant 3 : i32
    %dma_wait3A_234 = arith.constant 384 : i32
    %dma_wait3A_235 = tpu.memref_slice %arg7[%dma_wait3A_234] : memref<3328xi32, #tpu.memory_space<vmem>> -> memref<128xi32, #tpu.memory_space<vmem>>
    %dma_wait3A_236 = arith.constant 0 : i32
    %dma_wait3A_237 = tpu.memref_slice %arg6[%dma_wait3A_233, %dma_wait3A_236] : memref<26x128xi32, #tpu.memory_space<vmem>> -> memref<1x128xi32, #tpu.memory_space<vmem>>
    %dma_wait3A_238 = tpu.memref_squeeze %dma_wait3A_237 : memref<1x128xi32, #tpu.memory_space<vmem>> -> memref<128xi32, #tpu.memory_space<vmem>>
    %dma_wait3A_239 = arith.constant 0 : i32
    %dma_wait3A_240 = tpu.memref_slice %arg2[%dma_wait3A_239] : memref<102400xi32, #tpu.memory_space<hbm>> -> memref<102400xi32, #tpu.memory_space<hbm>>
    tpu.wait_indirect_dma semaphore(%arg9 : memref<!tpu.dma_semaphore, #tpu.memory_space<semaphore_mem>>) src(%dma_wait3A_240 : memref<102400xi32, #tpu.memory_space<hbm>>) dst(%dma_wait3A_235 : memref<128xi32, #tpu.memory_space<vmem>>)
    %dma_wait3A_241 = arith.constant 4 : i32
    %dma_wait3A_242 = arith.constant 512 : i32
    %dma_wait3A_243 = tpu.memref_slice %arg7[%dma_wait3A_242] : memref<3328xi32, #tpu.memory_space<vmem>> -> memref<128xi32, #tpu.memory_space<vmem>>
    %dma_wait3A_244 = arith.constant 0 : i32
    %dma_wait3A_245 = tpu.memref_slice %arg6[%dma_wait3A_241, %dma_wait3A_244] : memref<26x128xi32, #tpu.memory_space<vmem>> -> memref<1x128xi32, #tpu.memory_space<vmem>>
    %dma_wait3A_246 = tpu.memref_squeeze %dma_wait3A_245 : memref<1x128xi32, #tpu.memory_space<vmem>> -> memref<128xi32, #tpu.memory_space<vmem>>
    %dma_wait3A_247 = arith.constant 0 : i32
    %dma_wait3A_248 = tpu.memref_slice %arg2[%dma_wait3A_247] : memref<102400xi32, #tpu.memory_space<hbm>> -> memref<102400xi32, #tpu.memory_space<hbm>>
    tpu.wait_indirect_dma semaphore(%arg9 : memref<!tpu.dma_semaphore, #tpu.memory_space<semaphore_mem>>) src(%dma_wait3A_248 : memref<102400xi32, #tpu.memory_space<hbm>>) dst(%dma_wait3A_243 : memref<128xi32, #tpu.memory_space<vmem>>)
    %dma_wait3A_249 = arith.constant 5 : i32
    %dma_wait3A_250 = arith.constant 640 : i32
    %dma_wait3A_251 = tpu.memref_slice %arg7[%dma_wait3A_250] : memref<3328xi32, #tpu.memory_space<vmem>> -> memref<128xi32, #tpu.memory_space<vmem>>
    %dma_wait3A_252 = arith.constant 0 : i32
    %dma_wait3A_253 = tpu.memref_slice %arg6[%dma_wait3A_249, %dma_wait3A_252] : memref<26x128xi32, #tpu.memory_space<vmem>> -> memref<1x128xi32, #tpu.memory_space<vmem>>
    %dma_wait3A_254 = tpu.memref_squeeze %dma_wait3A_253 : memref<1x128xi32, #tpu.memory_space<vmem>> -> memref<128xi32, #tpu.memory_space<vmem>>
    %dma_wait3A_255 = arith.constant 0 : i32
    %dma_wait3A_256 = tpu.memref_slice %arg2[%dma_wait3A_255] : memref<102400xi32, #tpu.memory_space<hbm>> -> memref<102400xi32, #tpu.memory_space<hbm>>
    tpu.wait_indirect_dma semaphore(%arg9 : memref<!tpu.dma_semaphore, #tpu.memory_space<semaphore_mem>>) src(%dma_wait3A_256 : memref<102400xi32, #tpu.memory_space<hbm>>) dst(%dma_wait3A_251 : memref<128xi32, #tpu.memory_space<vmem>>)
    %dma_wait3A_257 = arith.constant 6 : i32
    %dma_wait3A_258 = arith.constant 768 : i32
    %dma_wait3A_259 = tpu.memref_slice %arg7[%dma_wait3A_258] : memref<3328xi32, #tpu.memory_space<vmem>> -> memref<128xi32, #tpu.memory_space<vmem>>
    %dma_wait3A_260 = arith.constant 0 : i32
    %dma_wait3A_261 = tpu.memref_slice %arg6[%dma_wait3A_257, %dma_wait3A_260] : memref<26x128xi32, #tpu.memory_space<vmem>> -> memref<1x128xi32, #tpu.memory_space<vmem>>
    %dma_wait3A_262 = tpu.memref_squeeze %dma_wait3A_261 : memref<1x128xi32, #tpu.memory_space<vmem>> -> memref<128xi32, #tpu.memory_space<vmem>>
    %dma_wait3A_263 = arith.constant 0 : i32
    %dma_wait3A_264 = tpu.memref_slice %arg2[%dma_wait3A_263] : memref<102400xi32, #tpu.memory_space<hbm>> -> memref<102400xi32, #tpu.memory_space<hbm>>
    tpu.wait_indirect_dma semaphore(%arg9 : memref<!tpu.dma_semaphore, #tpu.memory_space<semaphore_mem>>) src(%dma_wait3A_264 : memref<102400xi32, #tpu.memory_space<hbm>>) dst(%dma_wait3A_259 : memref<128xi32, #tpu.memory_space<vmem>>)
    %dma_wait3A_265 = arith.constant 7 : i32
    %dma_wait3A_266 = arith.constant 896 : i32
    %dma_wait3A_267 = tpu.memref_slice %arg7[%dma_wait3A_266] : memref<3328xi32, #tpu.memory_space<vmem>> -> memref<128xi32, #tpu.memory_space<vmem>>
    %dma_wait3A_268 = arith.constant 0 : i32
    %dma_wait3A_269 = tpu.memref_slice %arg6[%dma_wait3A_265, %dma_wait3A_268] : memref<26x128xi32, #tpu.memory_space<vmem>> -> memref<1x128xi32, #tpu.memory_space<vmem>>
    %dma_wait3A_270 = tpu.memref_squeeze %dma_wait3A_269 : memref<1x128xi32, #tpu.memory_space<vmem>> -> memref<128xi32, #tpu.memory_space<vmem>>
    %dma_wait3A_271 = arith.constant 0 : i32
    %dma_wait3A_272 = tpu.memref_slice %arg2[%dma_wait3A_271] : memref<102400xi32, #tpu.memory_space<hbm>> -> memref<102400xi32, #tpu.memory_space<hbm>>
    tpu.wait_indirect_dma semaphore(%arg9 : memref<!tpu.dma_semaphore, #tpu.memory_space<semaphore_mem>>) src(%dma_wait3A_272 : memref<102400xi32, #tpu.memory_space<hbm>>) dst(%dma_wait3A_267 : memref<128xi32, #tpu.memory_space<vmem>>)
    %dma_wait3A_273 = arith.constant 8 : i32
    %dma_wait3A_274 = arith.constant 1024 : i32
    %dma_wait3A_275 = tpu.memref_slice %arg7[%dma_wait3A_274] : memref<3328xi32, #tpu.memory_space<vmem>> -> memref<128xi32, #tpu.memory_space<vmem>>
    %dma_wait3A_276 = arith.constant 0 : i32
    %dma_wait3A_277 = tpu.memref_slice %arg6[%dma_wait3A_273, %dma_wait3A_276] : memref<26x128xi32, #tpu.memory_space<vmem>> -> memref<1x128xi32, #tpu.memory_space<vmem>>
    %dma_wait3A_278 = tpu.memref_squeeze %dma_wait3A_277 : memref<1x128xi32, #tpu.memory_space<vmem>> -> memref<128xi32, #tpu.memory_space<vmem>>
    %dma_wait3A_279 = arith.constant 0 : i32
    %dma_wait3A_280 = tpu.memref_slice %arg2[%dma_wait3A_279] : memref<102400xi32, #tpu.memory_space<hbm>> -> memref<102400xi32, #tpu.memory_space<hbm>>
    tpu.wait_indirect_dma semaphore(%arg9 : memref<!tpu.dma_semaphore, #tpu.memory_space<semaphore_mem>>) src(%dma_wait3A_280 : memref<102400xi32, #tpu.memory_space<hbm>>) dst(%dma_wait3A_275 : memref<128xi32, #tpu.memory_space<vmem>>)
    %dma_wait3A_281 = arith.constant 9 : i32
    %dma_wait3A_282 = arith.constant 1152 : i32
    %dma_wait3A_283 = tpu.memref_slice %arg7[%dma_wait3A_282] : memref<3328xi32, #tpu.memory_space<vmem>> -> memref<128xi32, #tpu.memory_space<vmem>>
    %dma_wait3A_284 = arith.constant 0 : i32
    %dma_wait3A_285 = tpu.memref_slice %arg6[%dma_wait3A_281, %dma_wait3A_284] : memref<26x128xi32, #tpu.memory_space<vmem>> -> memref<1x128xi32, #tpu.memory_space<vmem>>
    %dma_wait3A_286 = tpu.memref_squeeze %dma_wait3A_285 : memref<1x128xi32, #tpu.memory_space<vmem>> -> memref<128xi32, #tpu.memory_space<vmem>>
    %dma_wait3A_287 = arith.constant 0 : i32
    %dma_wait3A_288 = tpu.memref_slice %arg2[%dma_wait3A_287] : memref<102400xi32, #tpu.memory_space<hbm>> -> memref<102400xi32, #tpu.memory_space<hbm>>
    tpu.wait_indirect_dma semaphore(%arg9 : memref<!tpu.dma_semaphore, #tpu.memory_space<semaphore_mem>>) src(%dma_wait3A_288 : memref<102400xi32, #tpu.memory_space<hbm>>) dst(%dma_wait3A_283 : memref<128xi32, #tpu.memory_space<vmem>>)
    %dma_wait3A_289 = arith.constant 10 : i32
    %dma_wait3A_290 = arith.constant 1280 : i32
    %dma_wait3A_291 = tpu.memref_slice %arg7[%dma_wait3A_290] : memref<3328xi32, #tpu.memory_space<vmem>> -> memref<128xi32, #tpu.memory_space<vmem>>
    %dma_wait3A_292 = arith.constant 0 : i32
    %dma_wait3A_293 = tpu.memref_slice %arg6[%dma_wait3A_289, %dma_wait3A_292] : memref<26x128xi32, #tpu.memory_space<vmem>> -> memref<1x128xi32, #tpu.memory_space<vmem>>
    %dma_wait3A_294 = tpu.memref_squeeze %dma_wait3A_293 : memref<1x128xi32, #tpu.memory_space<vmem>> -> memref<128xi32, #tpu.memory_space<vmem>>
    %dma_wait3A_295 = arith.constant 0 : i32
    %dma_wait3A_296 = tpu.memref_slice %arg2[%dma_wait3A_295] : memref<102400xi32, #tpu.memory_space<hbm>> -> memref<102400xi32, #tpu.memory_space<hbm>>
    tpu.wait_indirect_dma semaphore(%arg9 : memref<!tpu.dma_semaphore, #tpu.memory_space<semaphore_mem>>) src(%dma_wait3A_296 : memref<102400xi32, #tpu.memory_space<hbm>>) dst(%dma_wait3A_291 : memref<128xi32, #tpu.memory_space<vmem>>)
    %dma_wait3A_297 = arith.constant 11 : i32
    %dma_wait3A_298 = arith.constant 1408 : i32
    %dma_wait3A_299 = tpu.memref_slice %arg7[%dma_wait3A_298] : memref<3328xi32, #tpu.memory_space<vmem>> -> memref<128xi32, #tpu.memory_space<vmem>>
    %dma_wait3A_300 = arith.constant 0 : i32
    %dma_wait3A_301 = tpu.memref_slice %arg6[%dma_wait3A_297, %dma_wait3A_300] : memref<26x128xi32, #tpu.memory_space<vmem>> -> memref<1x128xi32, #tpu.memory_space<vmem>>
    %dma_wait3A_302 = tpu.memref_squeeze %dma_wait3A_301 : memref<1x128xi32, #tpu.memory_space<vmem>> -> memref<128xi32, #tpu.memory_space<vmem>>
    %dma_wait3A_303 = arith.constant 0 : i32
    %dma_wait3A_304 = tpu.memref_slice %arg2[%dma_wait3A_303] : memref<102400xi32, #tpu.memory_space<hbm>> -> memref<102400xi32, #tpu.memory_space<hbm>>
    tpu.wait_indirect_dma semaphore(%arg9 : memref<!tpu.dma_semaphore, #tpu.memory_space<semaphore_mem>>) src(%dma_wait3A_304 : memref<102400xi32, #tpu.memory_space<hbm>>) dst(%dma_wait3A_299 : memref<128xi32, #tpu.memory_space<vmem>>)
    %dma_wait3A_305 = arith.constant 12 : i32
    %dma_wait3A_306 = arith.constant 1536 : i32
    %dma_wait3A_307 = tpu.memref_slice %arg7[%dma_wait3A_306] : memref<3328xi32, #tpu.memory_space<vmem>> -> memref<128xi32, #tpu.memory_space<vmem>>
    %dma_wait3A_308 = arith.constant 0 : i32
    %dma_wait3A_309 = tpu.memref_slice %arg6[%dma_wait3A_305, %dma_wait3A_308] : memref<26x128xi32, #tpu.memory_space<vmem>> -> memref<1x128xi32, #tpu.memory_space<vmem>>
    %dma_wait3A_310 = tpu.memref_squeeze %dma_wait3A_309 : memref<1x128xi32, #tpu.memory_space<vmem>> -> memref<128xi32, #tpu.memory_space<vmem>>
    %dma_wait3A_311 = arith.constant 0 : i32
    %dma_wait3A_312 = tpu.memref_slice %arg2[%dma_wait3A_311] : memref<102400xi32, #tpu.memory_space<hbm>> -> memref<102400xi32, #tpu.memory_space<hbm>>
    tpu.wait_indirect_dma semaphore(%arg9 : memref<!tpu.dma_semaphore, #tpu.memory_space<semaphore_mem>>) src(%dma_wait3A_312 : memref<102400xi32, #tpu.memory_space<hbm>>) dst(%dma_wait3A_307 : memref<128xi32, #tpu.memory_space<vmem>>)
    %dma_wait3A_313 = arith.constant 13 : i32
    %dma_wait3A_314 = arith.constant 1664 : i32
    %dma_wait3A_315 = tpu.memref_slice %arg7[%dma_wait3A_314] : memref<3328xi32, #tpu.memory_space<vmem>> -> memref<128xi32, #tpu.memory_space<vmem>>
    %dma_wait3A_316 = arith.constant 0 : i32
    %dma_wait3A_317 = tpu.memref_slice %arg6[%dma_wait3A_313, %dma_wait3A_316] : memref<26x128xi32, #tpu.memory_space<vmem>> -> memref<1x128xi32, #tpu.memory_space<vmem>>
    %dma_wait3A_318 = tpu.memref_squeeze %dma_wait3A_317 : memref<1x128xi32, #tpu.memory_space<vmem>> -> memref<128xi32, #tpu.memory_space<vmem>>
    %dma_wait3A_319 = arith.constant 0 : i32
    %dma_wait3A_320 = tpu.memref_slice %arg2[%dma_wait3A_319] : memref<102400xi32, #tpu.memory_space<hbm>> -> memref<102400xi32, #tpu.memory_space<hbm>>
    tpu.wait_indirect_dma semaphore(%arg9 : memref<!tpu.dma_semaphore, #tpu.memory_space<semaphore_mem>>) src(%dma_wait3A_320 : memref<102400xi32, #tpu.memory_space<hbm>>) dst(%dma_wait3A_315 : memref<128xi32, #tpu.memory_space<vmem>>)
    %dma_wait3A_321 = arith.constant 14 : i32
    %dma_wait3A_322 = arith.constant 1792 : i32
    %dma_wait3A_323 = tpu.memref_slice %arg7[%dma_wait3A_322] : memref<3328xi32, #tpu.memory_space<vmem>> -> memref<128xi32, #tpu.memory_space<vmem>>
    %dma_wait3A_324 = arith.constant 0 : i32
    %dma_wait3A_325 = tpu.memref_slice %arg6[%dma_wait3A_321, %dma_wait3A_324] : memref<26x128xi32, #tpu.memory_space<vmem>> -> memref<1x128xi32, #tpu.memory_space<vmem>>
    %dma_wait3A_326 = tpu.memref_squeeze %dma_wait3A_325 : memref<1x128xi32, #tpu.memory_space<vmem>> -> memref<128xi32, #tpu.memory_space<vmem>>
    %dma_wait3A_327 = arith.constant 0 : i32
    %dma_wait3A_328 = tpu.memref_slice %arg2[%dma_wait3A_327] : memref<102400xi32, #tpu.memory_space<hbm>> -> memref<102400xi32, #tpu.memory_space<hbm>>
    tpu.wait_indirect_dma semaphore(%arg9 : memref<!tpu.dma_semaphore, #tpu.memory_space<semaphore_mem>>) src(%dma_wait3A_328 : memref<102400xi32, #tpu.memory_space<hbm>>) dst(%dma_wait3A_323 : memref<128xi32, #tpu.memory_space<vmem>>)
    %dma_wait3A_329 = arith.constant 15 : i32
    %dma_wait3A_330 = arith.constant 1920 : i32
    %dma_wait3A_331 = tpu.memref_slice %arg7[%dma_wait3A_330] : memref<3328xi32, #tpu.memory_space<vmem>> -> memref<128xi32, #tpu.memory_space<vmem>>
    %dma_wait3A_332 = arith.constant 0 : i32
    %dma_wait3A_333 = tpu.memref_slice %arg6[%dma_wait3A_329, %dma_wait3A_332] : memref<26x128xi32, #tpu.memory_space<vmem>> -> memref<1x128xi32, #tpu.memory_space<vmem>>
    %dma_wait3A_334 = tpu.memref_squeeze %dma_wait3A_333 : memref<1x128xi32, #tpu.memory_space<vmem>> -> memref<128xi32, #tpu.memory_space<vmem>>
    %dma_wait3A_335 = arith.constant 0 : i32
    %dma_wait3A_336 = tpu.memref_slice %arg2[%dma_wait3A_335] : memref<102400xi32, #tpu.memory_space<hbm>> -> memref<102400xi32, #tpu.memory_space<hbm>>
    tpu.wait_indirect_dma semaphore(%arg9 : memref<!tpu.dma_semaphore, #tpu.memory_space<semaphore_mem>>) src(%dma_wait3A_336 : memref<102400xi32, #tpu.memory_space<hbm>>) dst(%dma_wait3A_331 : memref<128xi32, #tpu.memory_space<vmem>>)
    %dma_wait3A_337 = arith.constant 16 : i32
    %dma_wait3A_338 = arith.constant 2048 : i32
    %dma_wait3A_339 = tpu.memref_slice %arg7[%dma_wait3A_338] : memref<3328xi32, #tpu.memory_space<vmem>> -> memref<128xi32, #tpu.memory_space<vmem>>
    %dma_wait3A_340 = arith.constant 0 : i32
    %dma_wait3A_341 = tpu.memref_slice %arg6[%dma_wait3A_337, %dma_wait3A_340] : memref<26x128xi32, #tpu.memory_space<vmem>> -> memref<1x128xi32, #tpu.memory_space<vmem>>
    %dma_wait3A_342 = tpu.memref_squeeze %dma_wait3A_341 : memref<1x128xi32, #tpu.memory_space<vmem>> -> memref<128xi32, #tpu.memory_space<vmem>>
    %dma_wait3A_343 = arith.constant 0 : i32
    %dma_wait3A_344 = tpu.memref_slice %arg2[%dma_wait3A_343] : memref<102400xi32, #tpu.memory_space<hbm>> -> memref<102400xi32, #tpu.memory_space<hbm>>
    tpu.wait_indirect_dma semaphore(%arg9 : memref<!tpu.dma_semaphore, #tpu.memory_space<semaphore_mem>>) src(%dma_wait3A_344 : memref<102400xi32, #tpu.memory_space<hbm>>) dst(%dma_wait3A_339 : memref<128xi32, #tpu.memory_space<vmem>>)
    %dma_wait3A_345 = arith.constant 17 : i32
    %dma_wait3A_346 = arith.constant 2176 : i32
    %dma_wait3A_347 = tpu.memref_slice %arg7[%dma_wait3A_346] : memref<3328xi32, #tpu.memory_space<vmem>> -> memref<128xi32, #tpu.memory_space<vmem>>
    %dma_wait3A_348 = arith.constant 0 : i32
    %dma_wait3A_349 = tpu.memref_slice %arg6[%dma_wait3A_345, %dma_wait3A_348] : memref<26x128xi32, #tpu.memory_space<vmem>> -> memref<1x128xi32, #tpu.memory_space<vmem>>
    %dma_wait3A_350 = tpu.memref_squeeze %dma_wait3A_349 : memref<1x128xi32, #tpu.memory_space<vmem>> -> memref<128xi32, #tpu.memory_space<vmem>>
    %dma_wait3A_351 = arith.constant 0 : i32
    %dma_wait3A_352 = tpu.memref_slice %arg2[%dma_wait3A_351] : memref<102400xi32, #tpu.memory_space<hbm>> -> memref<102400xi32, #tpu.memory_space<hbm>>
    tpu.wait_indirect_dma semaphore(%arg9 : memref<!tpu.dma_semaphore, #tpu.memory_space<semaphore_mem>>) src(%dma_wait3A_352 : memref<102400xi32, #tpu.memory_space<hbm>>) dst(%dma_wait3A_347 : memref<128xi32, #tpu.memory_space<vmem>>)
    %dma_wait3A_353 = arith.constant 18 : i32
    %dma_wait3A_354 = arith.constant 2304 : i32
    %dma_wait3A_355 = tpu.memref_slice %arg7[%dma_wait3A_354] : memref<3328xi32, #tpu.memory_space<vmem>> -> memref<128xi32, #tpu.memory_space<vmem>>
    %dma_wait3A_356 = arith.constant 0 : i32
    %dma_wait3A_357 = tpu.memref_slice %arg6[%dma_wait3A_353, %dma_wait3A_356] : memref<26x128xi32, #tpu.memory_space<vmem>> -> memref<1x128xi32, #tpu.memory_space<vmem>>
    %dma_wait3A_358 = tpu.memref_squeeze %dma_wait3A_357 : memref<1x128xi32, #tpu.memory_space<vmem>> -> memref<128xi32, #tpu.memory_space<vmem>>
    %dma_wait3A_359 = arith.constant 0 : i32
    %dma_wait3A_360 = tpu.memref_slice %arg2[%dma_wait3A_359] : memref<102400xi32, #tpu.memory_space<hbm>> -> memref<102400xi32, #tpu.memory_space<hbm>>
    tpu.wait_indirect_dma semaphore(%arg9 : memref<!tpu.dma_semaphore, #tpu.memory_space<semaphore_mem>>) src(%dma_wait3A_360 : memref<102400xi32, #tpu.memory_space<hbm>>) dst(%dma_wait3A_355 : memref<128xi32, #tpu.memory_space<vmem>>)
    %dma_wait3A_361 = arith.constant 19 : i32
    %dma_wait3A_362 = arith.constant 2432 : i32
    %dma_wait3A_363 = tpu.memref_slice %arg7[%dma_wait3A_362] : memref<3328xi32, #tpu.memory_space<vmem>> -> memref<128xi32, #tpu.memory_space<vmem>>
    %dma_wait3A_364 = arith.constant 0 : i32
    %dma_wait3A_365 = tpu.memref_slice %arg6[%dma_wait3A_361, %dma_wait3A_364] : memref<26x128xi32, #tpu.memory_space<vmem>> -> memref<1x128xi32, #tpu.memory_space<vmem>>
    %dma_wait3A_366 = tpu.memref_squeeze %dma_wait3A_365 : memref<1x128xi32, #tpu.memory_space<vmem>> -> memref<128xi32, #tpu.memory_space<vmem>>
    %dma_wait3A_367 = arith.constant 0 : i32
    %dma_wait3A_368 = tpu.memref_slice %arg2[%dma_wait3A_367] : memref<102400xi32, #tpu.memory_space<hbm>> -> memref<102400xi32, #tpu.memory_space<hbm>>
    tpu.wait_indirect_dma semaphore(%arg9 : memref<!tpu.dma_semaphore, #tpu.memory_space<semaphore_mem>>) src(%dma_wait3A_368 : memref<102400xi32, #tpu.memory_space<hbm>>) dst(%dma_wait3A_363 : memref<128xi32, #tpu.memory_space<vmem>>)
    %dma_wait3A_369 = arith.constant 20 : i32
    %dma_wait3A_370 = arith.constant 2560 : i32
    %dma_wait3A_371 = tpu.memref_slice %arg7[%dma_wait3A_370] : memref<3328xi32, #tpu.memory_space<vmem>> -> memref<128xi32, #tpu.memory_space<vmem>>
    %dma_wait3A_372 = arith.constant 0 : i32
    %dma_wait3A_373 = tpu.memref_slice %arg6[%dma_wait3A_369, %dma_wait3A_372] : memref<26x128xi32, #tpu.memory_space<vmem>> -> memref<1x128xi32, #tpu.memory_space<vmem>>
    %dma_wait3A_374 = tpu.memref_squeeze %dma_wait3A_373 : memref<1x128xi32, #tpu.memory_space<vmem>> -> memref<128xi32, #tpu.memory_space<vmem>>
    %dma_wait3A_375 = arith.constant 0 : i32
    %dma_wait3A_376 = tpu.memref_slice %arg2[%dma_wait3A_375] : memref<102400xi32, #tpu.memory_space<hbm>> -> memref<102400xi32, #tpu.memory_space<hbm>>
    tpu.wait_indirect_dma semaphore(%arg9 : memref<!tpu.dma_semaphore, #tpu.memory_space<semaphore_mem>>) src(%dma_wait3A_376 : memref<102400xi32, #tpu.memory_space<hbm>>) dst(%dma_wait3A_371 : memref<128xi32, #tpu.memory_space<vmem>>)
    %dma_wait3A_377 = arith.constant 21 : i32
    %dma_wait3A_378 = arith.constant 2688 : i32
    %dma_wait3A_379 = tpu.memref_slice %arg7[%dma_wait3A_378] : memref<3328xi32, #tpu.memory_space<vmem>> -> memref<128xi32, #tpu.memory_space<vmem>>
    %dma_wait3A_380 = arith.constant 0 : i32
    %dma_wait3A_381 = tpu.memref_slice %arg6[%dma_wait3A_377, %dma_wait3A_380] : memref<26x128xi32, #tpu.memory_space<vmem>> -> memref<1x128xi32, #tpu.memory_space<vmem>>
    %dma_wait3A_382 = tpu.memref_squeeze %dma_wait3A_381 : memref<1x128xi32, #tpu.memory_space<vmem>> -> memref<128xi32, #tpu.memory_space<vmem>>
    %dma_wait3A_383 = arith.constant 0 : i32
    %dma_wait3A_384 = tpu.memref_slice %arg2[%dma_wait3A_383] : memref<102400xi32, #tpu.memory_space<hbm>> -> memref<102400xi32, #tpu.memory_space<hbm>>
    tpu.wait_indirect_dma semaphore(%arg9 : memref<!tpu.dma_semaphore, #tpu.memory_space<semaphore_mem>>) src(%dma_wait3A_384 : memref<102400xi32, #tpu.memory_space<hbm>>) dst(%dma_wait3A_379 : memref<128xi32, #tpu.memory_space<vmem>>)
    %dma_wait3A_385 = arith.constant 22 : i32
    %dma_wait3A_386 = arith.constant 2816 : i32
    %dma_wait3A_387 = tpu.memref_slice %arg7[%dma_wait3A_386] : memref<3328xi32, #tpu.memory_space<vmem>> -> memref<128xi32, #tpu.memory_space<vmem>>
    %dma_wait3A_388 = arith.constant 0 : i32
    %dma_wait3A_389 = tpu.memref_slice %arg6[%dma_wait3A_385, %dma_wait3A_388] : memref<26x128xi32, #tpu.memory_space<vmem>> -> memref<1x128xi32, #tpu.memory_space<vmem>>
    %dma_wait3A_390 = tpu.memref_squeeze %dma_wait3A_389 : memref<1x128xi32, #tpu.memory_space<vmem>> -> memref<128xi32, #tpu.memory_space<vmem>>
    %dma_wait3A_391 = arith.constant 0 : i32
    %dma_wait3A_392 = tpu.memref_slice %arg2[%dma_wait3A_391] : memref<102400xi32, #tpu.memory_space<hbm>> -> memref<102400xi32, #tpu.memory_space<hbm>>
    tpu.wait_indirect_dma semaphore(%arg9 : memref<!tpu.dma_semaphore, #tpu.memory_space<semaphore_mem>>) src(%dma_wait3A_392 : memref<102400xi32, #tpu.memory_space<hbm>>) dst(%dma_wait3A_387 : memref<128xi32, #tpu.memory_space<vmem>>)
    %dma_wait3A_393 = arith.constant 23 : i32
    %dma_wait3A_394 = arith.constant 2944 : i32
    %dma_wait3A_395 = tpu.memref_slice %arg7[%dma_wait3A_394] : memref<3328xi32, #tpu.memory_space<vmem>> -> memref<128xi32, #tpu.memory_space<vmem>>
    %dma_wait3A_396 = arith.constant 0 : i32
    %dma_wait3A_397 = tpu.memref_slice %arg6[%dma_wait3A_393, %dma_wait3A_396] : memref<26x128xi32, #tpu.memory_space<vmem>> -> memref<1x128xi32, #tpu.memory_space<vmem>>
    %dma_wait3A_398 = tpu.memref_squeeze %dma_wait3A_397 : memref<1x128xi32, #tpu.memory_space<vmem>> -> memref<128xi32, #tpu.memory_space<vmem>>
    %dma_wait3A_399 = arith.constant 0 : i32
    %dma_wait3A_400 = tpu.memref_slice %arg2[%dma_wait3A_399] : memref<102400xi32, #tpu.memory_space<hbm>> -> memref<102400xi32, #tpu.memory_space<hbm>>
    tpu.wait_indirect_dma semaphore(%arg9 : memref<!tpu.dma_semaphore, #tpu.memory_space<semaphore_mem>>) src(%dma_wait3A_400 : memref<102400xi32, #tpu.memory_space<hbm>>) dst(%dma_wait3A_395 : memref<128xi32, #tpu.memory_space<vmem>>)
    %dma_wait3A_401 = arith.constant 24 : i32
    %dma_wait3A_402 = arith.constant 3072 : i32
    %dma_wait3A_403 = tpu.memref_slice %arg7[%dma_wait3A_402] : memref<3328xi32, #tpu.memory_space<vmem>> -> memref<128xi32, #tpu.memory_space<vmem>>
    %dma_wait3A_404 = arith.constant 0 : i32
    %dma_wait3A_405 = tpu.memref_slice %arg6[%dma_wait3A_401, %dma_wait3A_404] : memref<26x128xi32, #tpu.memory_space<vmem>> -> memref<1x128xi32, #tpu.memory_space<vmem>>
    %dma_wait3A_406 = tpu.memref_squeeze %dma_wait3A_405 : memref<1x128xi32, #tpu.memory_space<vmem>> -> memref<128xi32, #tpu.memory_space<vmem>>
    %dma_wait3A_407 = arith.constant 0 : i32
    %dma_wait3A_408 = tpu.memref_slice %arg2[%dma_wait3A_407] : memref<102400xi32, #tpu.memory_space<hbm>> -> memref<102400xi32, #tpu.memory_space<hbm>>
    tpu.wait_indirect_dma semaphore(%arg9 : memref<!tpu.dma_semaphore, #tpu.memory_space<semaphore_mem>>) src(%dma_wait3A_408 : memref<102400xi32, #tpu.memory_space<hbm>>) dst(%dma_wait3A_403 : memref<128xi32, #tpu.memory_space<vmem>>)
    %dma_wait3A_409 = arith.constant 25 : i32
    %dma_wait3A_410 = arith.constant 3200 : i32
    %dma_wait3A_411 = tpu.memref_slice %arg7[%dma_wait3A_410] : memref<3328xi32, #tpu.memory_space<vmem>> -> memref<128xi32, #tpu.memory_space<vmem>>
    %dma_wait3A_412 = arith.constant 0 : i32
    %dma_wait3A_413 = tpu.memref_slice %arg6[%dma_wait3A_409, %dma_wait3A_412] : memref<26x128xi32, #tpu.memory_space<vmem>> -> memref<1x128xi32, #tpu.memory_space<vmem>>
    %dma_wait3A_414 = tpu.memref_squeeze %dma_wait3A_413 : memref<1x128xi32, #tpu.memory_space<vmem>> -> memref<128xi32, #tpu.memory_space<vmem>>
    %dma_wait3A_415 = arith.constant 0 : i32
    %dma_wait3A_416 = tpu.memref_slice %arg2[%dma_wait3A_415] : memref<102400xi32, #tpu.memory_space<hbm>> -> memref<102400xi32, #tpu.memory_space<hbm>>
    tpu.wait_indirect_dma semaphore(%arg9 : memref<!tpu.dma_semaphore, #tpu.memory_space<semaphore_mem>>) src(%dma_wait3A_416 : memref<102400xi32, #tpu.memory_space<hbm>>) dst(%dma_wait3A_411 : memref<128xi32, #tpu.memory_space<vmem>>)
    %dma_start3A_417 = arith.constant 0 : i32
    %dma_start3A_418 = arith.constant 0 : i32
    %dma_start3A_419 = arith.constant 0 : i32
    %dma_start3A_420 = tpu.memref_slice %arg8[%dma_start3A_417, %dma_start3A_418, %dma_start3A_419] : memref<2x640x64xf32, #tpu.memory_space<vmem>> -> memref<1x128x64xf32, #tpu.memory_space<vmem>>
    %dma_start3A_421 = tpu.memref_squeeze %dma_start3A_420 : memref<1x128x64xf32, #tpu.memory_space<vmem>> -> memref<128x64xf32, #tpu.memory_space<vmem>>
    %dma_start3A_422 = arith.constant 0 : i32
    %dma_start3A_423 = tpu.memref_slice %arg7[%dma_start3A_422] : memref<3328xi32, #tpu.memory_space<vmem>> -> memref<128xi32, #tpu.memory_space<vmem>>
    %dma_start3A_424 = arith.constant 0 : i32
    %dma_start3A_425 = arith.constant 0 : i32
    %dma_start3A_426 = tpu.memref_slice %arg4[%dma_start3A_424, %dma_start3A_425] : memref<100000x64xf32, #tpu.memory_space<hbm>> -> memref<100000x64xf32, #tpu.memory_space<hbm>>
    tpu.enqueue_indirect_dma source(%dma_start3A_426 : memref<100000x64xf32, #tpu.memory_space<hbm>>) target(%dma_start3A_421 : memref<128x64xf32, #tpu.memory_space<vmem>>) offsets(%dma_start3A_423 : memref<128xi32, #tpu.memory_space<vmem>>) semaphore(%arg10 : memref<!tpu.dma_semaphore, #tpu.memory_space<semaphore_mem>>)
    %dma_start3A_427 = arith.constant 0 : i32
    %dma_start3A_428 = arith.constant 128 : i32
    %dma_start3A_429 = arith.constant 0 : i32
    %dma_start3A_430 = tpu.memref_slice %arg8[%dma_start3A_427, %dma_start3A_428, %dma_start3A_429] : memref<2x640x64xf32, #tpu.memory_space<vmem>> -> memref<1x128x64xf32, #tpu.memory_space<vmem>>
    %dma_start3A_431 = tpu.memref_squeeze %dma_start3A_430 : memref<1x128x64xf32, #tpu.memory_space<vmem>> -> memref<128x64xf32, #tpu.memory_space<vmem>>
    %dma_start3A_432 = arith.constant 128 : i32
    %dma_start3A_433 = tpu.memref_slice %arg7[%dma_start3A_432] : memref<3328xi32, #tpu.memory_space<vmem>> -> memref<128xi32, #tpu.memory_space<vmem>>
    %dma_start3A_434 = arith.constant 0 : i32
    %dma_start3A_435 = arith.constant 0 : i32
    %dma_start3A_436 = tpu.memref_slice %arg4[%dma_start3A_434, %dma_start3A_435] : memref<100000x64xf32, #tpu.memory_space<hbm>> -> memref<100000x64xf32, #tpu.memory_space<hbm>>
    tpu.enqueue_indirect_dma source(%dma_start3A_436 : memref<100000x64xf32, #tpu.memory_space<hbm>>) target(%dma_start3A_431 : memref<128x64xf32, #tpu.memory_space<vmem>>) offsets(%dma_start3A_433 : memref<128xi32, #tpu.memory_space<vmem>>) semaphore(%arg10 : memref<!tpu.dma_semaphore, #tpu.memory_space<semaphore_mem>>)
    %dma_start3A_437 = arith.constant 0 : i32
    %dma_start3A_438 = arith.constant 256 : i32
    %dma_start3A_439 = arith.constant 0 : i32
    %dma_start3A_440 = tpu.memref_slice %arg8[%dma_start3A_437, %dma_start3A_438, %dma_start3A_439] : memref<2x640x64xf32, #tpu.memory_space<vmem>> -> memref<1x128x64xf32, #tpu.memory_space<vmem>>
    %dma_start3A_441 = tpu.memref_squeeze %dma_start3A_440 : memref<1x128x64xf32, #tpu.memory_space<vmem>> -> memref<128x64xf32, #tpu.memory_space<vmem>>
    %dma_start3A_442 = arith.constant 256 : i32
    %dma_start3A_443 = tpu.memref_slice %arg7[%dma_start3A_442] : memref<3328xi32, #tpu.memory_space<vmem>> -> memref<128xi32, #tpu.memory_space<vmem>>
    %dma_start3A_444 = arith.constant 0 : i32
    %dma_start3A_445 = arith.constant 0 : i32
    %dma_start3A_446 = tpu.memref_slice %arg4[%dma_start3A_444, %dma_start3A_445] : memref<100000x64xf32, #tpu.memory_space<hbm>> -> memref<100000x64xf32, #tpu.memory_space<hbm>>
    tpu.enqueue_indirect_dma source(%dma_start3A_446 : memref<100000x64xf32, #tpu.memory_space<hbm>>) target(%dma_start3A_441 : memref<128x64xf32, #tpu.memory_space<vmem>>) offsets(%dma_start3A_443 : memref<128xi32, #tpu.memory_space<vmem>>) semaphore(%arg10 : memref<!tpu.dma_semaphore, #tpu.memory_space<semaphore_mem>>)
    %dma_start3A_447 = arith.constant 0 : i32
    %dma_start3A_448 = arith.constant 384 : i32
    %dma_start3A_449 = arith.constant 0 : i32
    %dma_start3A_450 = tpu.memref_slice %arg8[%dma_start3A_447, %dma_start3A_448, %dma_start3A_449] : memref<2x640x64xf32, #tpu.memory_space<vmem>> -> memref<1x128x64xf32, #tpu.memory_space<vmem>>
    %dma_start3A_451 = tpu.memref_squeeze %dma_start3A_450 : memref<1x128x64xf32, #tpu.memory_space<vmem>> -> memref<128x64xf32, #tpu.memory_space<vmem>>
    %dma_start3A_452 = arith.constant 384 : i32
    %dma_start3A_453 = tpu.memref_slice %arg7[%dma_start3A_452] : memref<3328xi32, #tpu.memory_space<vmem>> -> memref<128xi32, #tpu.memory_space<vmem>>
    %dma_start3A_454 = arith.constant 0 : i32
    %dma_start3A_455 = arith.constant 0 : i32
    %dma_start3A_456 = tpu.memref_slice %arg4[%dma_start3A_454, %dma_start3A_455] : memref<100000x64xf32, #tpu.memory_space<hbm>> -> memref<100000x64xf32, #tpu.memory_space<hbm>>
    tpu.enqueue_indirect_dma source(%dma_start3A_456 : memref<100000x64xf32, #tpu.memory_space<hbm>>) target(%dma_start3A_451 : memref<128x64xf32, #tpu.memory_space<vmem>>) offsets(%dma_start3A_453 : memref<128xi32, #tpu.memory_space<vmem>>) semaphore(%arg10 : memref<!tpu.dma_semaphore, #tpu.memory_space<semaphore_mem>>)
    %dma_start3A_457 = arith.constant 0 : i32
    %dma_start3A_458 = arith.constant 512 : i32
    %dma_start3A_459 = arith.constant 0 : i32
    %dma_start3A_460 = tpu.memref_slice %arg8[%dma_start3A_457, %dma_start3A_458, %dma_start3A_459] : memref<2x640x64xf32, #tpu.memory_space<vmem>> -> memref<1x128x64xf32, #tpu.memory_space<vmem>>
    %dma_start3A_461 = tpu.memref_squeeze %dma_start3A_460 : memref<1x128x64xf32, #tpu.memory_space<vmem>> -> memref<128x64xf32, #tpu.memory_space<vmem>>
    %dma_start3A_462 = arith.constant 512 : i32
    %dma_start3A_463 = tpu.memref_slice %arg7[%dma_start3A_462] : memref<3328xi32, #tpu.memory_space<vmem>> -> memref<128xi32, #tpu.memory_space<vmem>>
    %dma_start3A_464 = arith.constant 0 : i32
    %dma_start3A_465 = arith.constant 0 : i32
    %dma_start3A_466 = tpu.memref_slice %arg4[%dma_start3A_464, %dma_start3A_465] : memref<100000x64xf32, #tpu.memory_space<hbm>> -> memref<100000x64xf32, #tpu.memory_space<hbm>>
    tpu.enqueue_indirect_dma source(%dma_start3A_466 : memref<100000x64xf32, #tpu.memory_space<hbm>>) target(%dma_start3A_461 : memref<128x64xf32, #tpu.memory_space<vmem>>) offsets(%dma_start3A_463 : memref<128xi32, #tpu.memory_space<vmem>>) semaphore(%arg10 : memref<!tpu.dma_semaphore, #tpu.memory_space<semaphore_mem>>)
    %dma_wait3A_467 = arith.constant 0 : i32
    %dma_wait3A_468 = arith.constant 0 : i32
    %dma_wait3A_469 = arith.constant 0 : i32
    %dma_wait3A_470 = tpu.memref_slice %arg8[%dma_wait3A_467, %dma_wait3A_468, %dma_wait3A_469] : memref<2x640x64xf32, #tpu.memory_space<vmem>> -> memref<1x128x64xf32, #tpu.memory_space<vmem>>
    %dma_wait3A_471 = tpu.memref_squeeze %dma_wait3A_470 : memref<1x128x64xf32, #tpu.memory_space<vmem>> -> memref<128x64xf32, #tpu.memory_space<vmem>>
    %dma_wait3A_472 = arith.constant 0 : i32
    %dma_wait3A_473 = tpu.memref_slice %arg7[%dma_wait3A_472] : memref<3328xi32, #tpu.memory_space<vmem>> -> memref<128xi32, #tpu.memory_space<vmem>>
    %dma_wait3A_474 = arith.constant 0 : i32
    %dma_wait3A_475 = arith.constant 0 : i32
    %dma_wait3A_476 = tpu.memref_slice %arg4[%dma_wait3A_474, %dma_wait3A_475] : memref<100000x64xf32, #tpu.memory_space<hbm>> -> memref<100000x64xf32, #tpu.memory_space<hbm>>
    tpu.wait_indirect_dma semaphore(%arg10 : memref<!tpu.dma_semaphore, #tpu.memory_space<semaphore_mem>>) src(%dma_wait3A_476 : memref<100000x64xf32, #tpu.memory_space<hbm>>) dst(%dma_wait3A_471 : memref<128x64xf32, #tpu.memory_space<vmem>>)
    %dma_wait3A_477 = arith.constant 0 : i32
    %dma_wait3A_478 = arith.constant 128 : i32
    %dma_wait3A_479 = arith.constant 0 : i32
    %dma_wait3A_480 = tpu.memref_slice %arg8[%dma_wait3A_477, %dma_wait3A_478, %dma_wait3A_479] : memref<2x640x64xf32, #tpu.memory_space<vmem>> -> memref<1x128x64xf32, #tpu.memory_space<vmem>>
    %dma_wait3A_481 = tpu.memref_squeeze %dma_wait3A_480 : memref<1x128x64xf32, #tpu.memory_space<vmem>> -> memref<128x64xf32, #tpu.memory_space<vmem>>
    %dma_wait3A_482 = arith.constant 128 : i32
    %dma_wait3A_483 = tpu.memref_slice %arg7[%dma_wait3A_482] : memref<3328xi32, #tpu.memory_space<vmem>> -> memref<128xi32, #tpu.memory_space<vmem>>
    %dma_wait3A_484 = arith.constant 0 : i32
    %dma_wait3A_485 = arith.constant 0 : i32
    %dma_wait3A_486 = tpu.memref_slice %arg4[%dma_wait3A_484, %dma_wait3A_485] : memref<100000x64xf32, #tpu.memory_space<hbm>> -> memref<100000x64xf32, #tpu.memory_space<hbm>>
    tpu.wait_indirect_dma semaphore(%arg10 : memref<!tpu.dma_semaphore, #tpu.memory_space<semaphore_mem>>) src(%dma_wait3A_486 : memref<100000x64xf32, #tpu.memory_space<hbm>>) dst(%dma_wait3A_481 : memref<128x64xf32, #tpu.memory_space<vmem>>)
    %dma_wait3A_487 = arith.constant 0 : i32
    %dma_wait3A_488 = arith.constant 256 : i32
    %dma_wait3A_489 = arith.constant 0 : i32
    %dma_wait3A_490 = tpu.memref_slice %arg8[%dma_wait3A_487, %dma_wait3A_488, %dma_wait3A_489] : memref<2x640x64xf32, #tpu.memory_space<vmem>> -> memref<1x128x64xf32, #tpu.memory_space<vmem>>
    %dma_wait3A_491 = tpu.memref_squeeze %dma_wait3A_490 : memref<1x128x64xf32, #tpu.memory_space<vmem>> -> memref<128x64xf32, #tpu.memory_space<vmem>>
    %dma_wait3A_492 = arith.constant 256 : i32
    %dma_wait3A_493 = tpu.memref_slice %arg7[%dma_wait3A_492] : memref<3328xi32, #tpu.memory_space<vmem>> -> memref<128xi32, #tpu.memory_space<vmem>>
    %dma_wait3A_494 = arith.constant 0 : i32
    %dma_wait3A_495 = arith.constant 0 : i32
    %dma_wait3A_496 = tpu.memref_slice %arg4[%dma_wait3A_494, %dma_wait3A_495] : memref<100000x64xf32, #tpu.memory_space<hbm>> -> memref<100000x64xf32, #tpu.memory_space<hbm>>
    tpu.wait_indirect_dma semaphore(%arg10 : memref<!tpu.dma_semaphore, #tpu.memory_space<semaphore_mem>>) src(%dma_wait3A_496 : memref<100000x64xf32, #tpu.memory_space<hbm>>) dst(%dma_wait3A_491 : memref<128x64xf32, #tpu.memory_space<vmem>>)
    %dma_wait3A_497 = arith.constant 0 : i32
    %dma_wait3A_498 = arith.constant 384 : i32
    %dma_wait3A_499 = arith.constant 0 : i32
    %dma_wait3A_500 = tpu.memref_slice %arg8[%dma_wait3A_497, %dma_wait3A_498, %dma_wait3A_499] : memref<2x640x64xf32, #tpu.memory_space<vmem>> -> memref<1x128x64xf32, #tpu.memory_space<vmem>>
    %dma_wait3A_501 = tpu.memref_squeeze %dma_wait3A_500 : memref<1x128x64xf32, #tpu.memory_space<vmem>> -> memref<128x64xf32, #tpu.memory_space<vmem>>
    %dma_wait3A_502 = arith.constant 384 : i32
    %dma_wait3A_503 = tpu.memref_slice %arg7[%dma_wait3A_502] : memref<3328xi32, #tpu.memory_space<vmem>> -> memref<128xi32, #tpu.memory_space<vmem>>
    %dma_wait3A_504 = arith.constant 0 : i32
    %dma_wait3A_505 = arith.constant 0 : i32
    %dma_wait3A_506 = tpu.memref_slice %arg4[%dma_wait3A_504, %dma_wait3A_505] : memref<100000x64xf32, #tpu.memory_space<hbm>> -> memref<100000x64xf32, #tpu.memory_space<hbm>>
    tpu.wait_indirect_dma semaphore(%arg10 : memref<!tpu.dma_semaphore, #tpu.memory_space<semaphore_mem>>) src(%dma_wait3A_506 : memref<100000x64xf32, #tpu.memory_space<hbm>>) dst(%dma_wait3A_501 : memref<128x64xf32, #tpu.memory_space<vmem>>)
    %dma_wait3A_507 = arith.constant 0 : i32
    %dma_wait3A_508 = arith.constant 512 : i32
    %dma_wait3A_509 = arith.constant 0 : i32
    %dma_wait3A_510 = tpu.memref_slice %arg8[%dma_wait3A_507, %dma_wait3A_508, %dma_wait3A_509] : memref<2x640x64xf32, #tpu.memory_space<vmem>> -> memref<1x128x64xf32, #tpu.memory_space<vmem>>
    %dma_wait3A_511 = tpu.memref_squeeze %dma_wait3A_510 : memref<1x128x64xf32, #tpu.memory_space<vmem>> -> memref<128x64xf32, #tpu.memory_space<vmem>>
    %dma_wait3A_512 = arith.constant 512 : i32
    %dma_wait3A_513 = tpu.memref_slice %arg7[%dma_wait3A_512] : memref<3328xi32, #tpu.memory_space<vmem>> -> memref<128xi32, #tpu.memory_space<vmem>>
    %dma_wait3A_514 = arith.constant 0 : i32
    %dma_wait3A_515 = arith.constant 0 : i32
    %dma_wait3A_516 = tpu.memref_slice %arg4[%dma_wait3A_514, %dma_wait3A_515] : memref<100000x64xf32, #tpu.memory_space<hbm>> -> memref<100000x64xf32, #tpu.memory_space<hbm>>
    tpu.wait_indirect_dma semaphore(%arg10 : memref<!tpu.dma_semaphore, #tpu.memory_space<semaphore_mem>>) src(%dma_wait3A_516 : memref<100000x64xf32, #tpu.memory_space<hbm>>) dst(%dma_wait3A_511 : memref<128x64xf32, #tpu.memory_space<vmem>>)
    %add3A_517 = arith.constant 0 : i32
    %add3A_518 = arith.addi %mul3A_2, %add3A_517 : i32
    %dma_start3A_519 = arith.constant 0 : i32
    %dma_start3A_520 = arith.constant 0 : i32
    %dma_start3A_521 = arith.constant 0 : i32
    %dma_start3A_522 = tpu.memref_slice %arg8[%dma_start3A_519, %dma_start3A_520, %dma_start3A_521] : memref<2x640x64xf32, #tpu.memory_space<vmem>> -> memref<1x640x64xf32, #tpu.memory_space<vmem>>
    %dma_start3A_523 = tpu.memref_squeeze %dma_start3A_522 : memref<1x640x64xf32, #tpu.memory_space<vmem>> -> memref<640x64xf32, #tpu.memory_space<vmem>>
    %dma_start3A_524 = arith.constant 0 : i32
    %dma_start3A_525 = tpu.memref_slice %arg5[%add3A_518, %dma_start3A_524] : memref<106496x64xf32, #tpu.memory_space<hbm>> -> memref<640x64xf32, #tpu.memory_space<hbm>>
    %dma_start3A_526 = arith.constant 0 : i32
    %dma_start3A_527 = tpu.memref_slice %arg5[%add3A_518, %dma_start3A_526] : memref<106496x64xf32, #tpu.memory_space<hbm>> -> memref<640x64xf32, #tpu.memory_space<hbm>>
    %dma_start3A_528 = arith.constant 0 : i32
    %dma_start3A_529 = arith.constant 0 : i32
    %dma_start3A_530 = tpu.memref_slice %arg8[%dma_start3A_519, %dma_start3A_528, %dma_start3A_529] : memref<2x640x64xf32, #tpu.memory_space<vmem>> -> memref<1x640x64xf32, #tpu.memory_space<vmem>>
    %dma_start3A_531 = tpu.memref_squeeze %dma_start3A_530 : memref<1x640x64xf32, #tpu.memory_space<vmem>> -> memref<640x64xf32, #tpu.memory_space<vmem>>
    tpu.enqueue_dma source(%dma_start3A_531 : memref<640x64xf32, #tpu.memory_space<vmem>>) target(%dma_start3A_527 : memref<640x64xf32, #tpu.memory_space<hbm>>) target_semaphore(%arg11 : memref<!tpu.dma_semaphore, #tpu.memory_space<semaphore_mem>>)
    %dma_start3A_532 = arith.constant 1 : i32
    %dma_start3A_533 = arith.constant 0 : i32
    %dma_start3A_534 = arith.constant 0 : i32
    %dma_start3A_535 = tpu.memref_slice %arg8[%dma_start3A_532, %dma_start3A_533, %dma_start3A_534] : memref<2x640x64xf32, #tpu.memory_space<vmem>> -> memref<1x128x64xf32, #tpu.memory_space<vmem>>
    %dma_start3A_536 = tpu.memref_squeeze %dma_start3A_535 : memref<1x128x64xf32, #tpu.memory_space<vmem>> -> memref<128x64xf32, #tpu.memory_space<vmem>>
    %dma_start3A_537 = arith.constant 640 : i32
    %dma_start3A_538 = tpu.memref_slice %arg7[%dma_start3A_537] : memref<3328xi32, #tpu.memory_space<vmem>> -> memref<128xi32, #tpu.memory_space<vmem>>
    %dma_start3A_539 = arith.constant 0 : i32
    %dma_start3A_540 = arith.constant 0 : i32
    %dma_start3A_541 = tpu.memref_slice %arg4[%dma_start3A_539, %dma_start3A_540] : memref<100000x64xf32, #tpu.memory_space<hbm>> -> memref<100000x64xf32, #tpu.memory_space<hbm>>
    tpu.enqueue_indirect_dma source(%dma_start3A_541 : memref<100000x64xf32, #tpu.memory_space<hbm>>) target(%dma_start3A_536 : memref<128x64xf32, #tpu.memory_space<vmem>>) offsets(%dma_start3A_538 : memref<128xi32, #tpu.memory_space<vmem>>) semaphore(%arg10 : memref<!tpu.dma_semaphore, #tpu.memory_space<semaphore_mem>>)
    %dma_start3A_542 = arith.constant 1 : i32
    %dma_start3A_543 = arith.constant 128 : i32
    %dma_start3A_544 = arith.constant 0 : i32
    %dma_start3A_545 = tpu.memref_slice %arg8[%dma_start3A_542, %dma_start3A_543, %dma_start3A_544] : memref<2x640x64xf32, #tpu.memory_space<vmem>> -> memref<1x128x64xf32, #tpu.memory_space<vmem>>
    %dma_start3A_546 = tpu.memref_squeeze %dma_start3A_545 : memref<1x128x64xf32, #tpu.memory_space<vmem>> -> memref<128x64xf32, #tpu.memory_space<vmem>>
    %dma_start3A_547 = arith.constant 768 : i32
    %dma_start3A_548 = tpu.memref_slice %arg7[%dma_start3A_547] : memref<3328xi32, #tpu.memory_space<vmem>> -> memref<128xi32, #tpu.memory_space<vmem>>
    %dma_start3A_549 = arith.constant 0 : i32
    %dma_start3A_550 = arith.constant 0 : i32
    %dma_start3A_551 = tpu.memref_slice %arg4[%dma_start3A_549, %dma_start3A_550] : memref<100000x64xf32, #tpu.memory_space<hbm>> -> memref<100000x64xf32, #tpu.memory_space<hbm>>
    tpu.enqueue_indirect_dma source(%dma_start3A_551 : memref<100000x64xf32, #tpu.memory_space<hbm>>) target(%dma_start3A_546 : memref<128x64xf32, #tpu.memory_space<vmem>>) offsets(%dma_start3A_548 : memref<128xi32, #tpu.memory_space<vmem>>) semaphore(%arg10 : memref<!tpu.dma_semaphore, #tpu.memory_space<semaphore_mem>>)
    %dma_start3A_552 = arith.constant 1 : i32
    %dma_start3A_553 = arith.constant 256 : i32
    %dma_start3A_554 = arith.constant 0 : i32
    %dma_start3A_555 = tpu.memref_slice %arg8[%dma_start3A_552, %dma_start3A_553, %dma_start3A_554] : memref<2x640x64xf32, #tpu.memory_space<vmem>> -> memref<1x128x64xf32, #tpu.memory_space<vmem>>
    %dma_start3A_556 = tpu.memref_squeeze %dma_start3A_555 : memref<1x128x64xf32, #tpu.memory_space<vmem>> -> memref<128x64xf32, #tpu.memory_space<vmem>>
    %dma_start3A_557 = arith.constant 896 : i32
    %dma_start3A_558 = tpu.memref_slice %arg7[%dma_start3A_557] : memref<3328xi32, #tpu.memory_space<vmem>> -> memref<128xi32, #tpu.memory_space<vmem>>
    %dma_start3A_559 = arith.constant 0 : i32
    %dma_start3A_560 = arith.constant 0 : i32
    %dma_start3A_561 = tpu.memref_slice %arg4[%dma_start3A_559, %dma_start3A_560] : memref<100000x64xf32, #tpu.memory_space<hbm>> -> memref<100000x64xf32, #tpu.memory_space<hbm>>
    tpu.enqueue_indirect_dma source(%dma_start3A_561 : memref<100000x64xf32, #tpu.memory_space<hbm>>) target(%dma_start3A_556 : memref<128x64xf32, #tpu.memory_space<vmem>>) offsets(%dma_start3A_558 : memref<128xi32, #tpu.memory_space<vmem>>) semaphore(%arg10 : memref<!tpu.dma_semaphore, #tpu.memory_space<semaphore_mem>>)
    %dma_start3A_562 = arith.constant 1 : i32
    %dma_start3A_563 = arith.constant 384 : i32
    %dma_start3A_564 = arith.constant 0 : i32
    %dma_start3A_565 = tpu.memref_slice %arg8[%dma_start3A_562, %dma_start3A_563, %dma_start3A_564] : memref<2x640x64xf32, #tpu.memory_space<vmem>> -> memref<1x128x64xf32, #tpu.memory_space<vmem>>
    %dma_start3A_566 = tpu.memref_squeeze %dma_start3A_565 : memref<1x128x64xf32, #tpu.memory_space<vmem>> -> memref<128x64xf32, #tpu.memory_space<vmem>>
    %dma_start3A_567 = arith.constant 1024 : i32
    %dma_start3A_568 = tpu.memref_slice %arg7[%dma_start3A_567] : memref<3328xi32, #tpu.memory_space<vmem>> -> memref<128xi32, #tpu.memory_space<vmem>>
    %dma_start3A_569 = arith.constant 0 : i32
    %dma_start3A_570 = arith.constant 0 : i32
    %dma_start3A_571 = tpu.memref_slice %arg4[%dma_start3A_569, %dma_start3A_570] : memref<100000x64xf32, #tpu.memory_space<hbm>> -> memref<100000x64xf32, #tpu.memory_space<hbm>>
    tpu.enqueue_indirect_dma source(%dma_start3A_571 : memref<100000x64xf32, #tpu.memory_space<hbm>>) target(%dma_start3A_566 : memref<128x64xf32, #tpu.memory_space<vmem>>) offsets(%dma_start3A_568 : memref<128xi32, #tpu.memory_space<vmem>>) semaphore(%arg10 : memref<!tpu.dma_semaphore, #tpu.memory_space<semaphore_mem>>)
    %dma_start3A_572 = arith.constant 1 : i32
    %dma_start3A_573 = arith.constant 512 : i32
    %dma_start3A_574 = arith.constant 0 : i32
    %dma_start3A_575 = tpu.memref_slice %arg8[%dma_start3A_572, %dma_start3A_573, %dma_start3A_574] : memref<2x640x64xf32, #tpu.memory_space<vmem>> -> memref<1x128x64xf32, #tpu.memory_space<vmem>>
    %dma_start3A_576 = tpu.memref_squeeze %dma_start3A_575 : memref<1x128x64xf32, #tpu.memory_space<vmem>> -> memref<128x64xf32, #tpu.memory_space<vmem>>
    %dma_start3A_577 = arith.constant 1152 : i32
    %dma_start3A_578 = tpu.memref_slice %arg7[%dma_start3A_577] : memref<3328xi32, #tpu.memory_space<vmem>> -> memref<128xi32, #tpu.memory_space<vmem>>
    %dma_start3A_579 = arith.constant 0 : i32
    %dma_start3A_580 = arith.constant 0 : i32
    %dma_start3A_581 = tpu.memref_slice %arg4[%dma_start3A_579, %dma_start3A_580] : memref<100000x64xf32, #tpu.memory_space<hbm>> -> memref<100000x64xf32, #tpu.memory_space<hbm>>
    tpu.enqueue_indirect_dma source(%dma_start3A_581 : memref<100000x64xf32, #tpu.memory_space<hbm>>) target(%dma_start3A_576 : memref<128x64xf32, #tpu.memory_space<vmem>>) offsets(%dma_start3A_578 : memref<128xi32, #tpu.memory_space<vmem>>) semaphore(%arg10 : memref<!tpu.dma_semaphore, #tpu.memory_space<semaphore_mem>>)
    %dma_wait3A_582 = arith.constant 1 : i32
    %dma_wait3A_583 = arith.constant 0 : i32
    %dma_wait3A_584 = arith.constant 0 : i32
    %dma_wait3A_585 = tpu.memref_slice %arg8[%dma_wait3A_582, %dma_wait3A_583, %dma_wait3A_584] : memref<2x640x64xf32, #tpu.memory_space<vmem>> -> memref<1x128x64xf32, #tpu.memory_space<vmem>>
    %dma_wait3A_586 = tpu.memref_squeeze %dma_wait3A_585 : memref<1x128x64xf32, #tpu.memory_space<vmem>> -> memref<128x64xf32, #tpu.memory_space<vmem>>
    %dma_wait3A_587 = arith.constant 640 : i32
    %dma_wait3A_588 = tpu.memref_slice %arg7[%dma_wait3A_587] : memref<3328xi32, #tpu.memory_space<vmem>> -> memref<128xi32, #tpu.memory_space<vmem>>
    %dma_wait3A_589 = arith.constant 0 : i32
    %dma_wait3A_590 = arith.constant 0 : i32
    %dma_wait3A_591 = tpu.memref_slice %arg4[%dma_wait3A_589, %dma_wait3A_590] : memref<100000x64xf32, #tpu.memory_space<hbm>> -> memref<100000x64xf32, #tpu.memory_space<hbm>>
    tpu.wait_indirect_dma semaphore(%arg10 : memref<!tpu.dma_semaphore, #tpu.memory_space<semaphore_mem>>) src(%dma_wait3A_591 : memref<100000x64xf32, #tpu.memory_space<hbm>>) dst(%dma_wait3A_586 : memref<128x64xf32, #tpu.memory_space<vmem>>)
    %dma_wait3A_592 = arith.constant 1 : i32
    %dma_wait3A_593 = arith.constant 128 : i32
    %dma_wait3A_594 = arith.constant 0 : i32
    %dma_wait3A_595 = tpu.memref_slice %arg8[%dma_wait3A_592, %dma_wait3A_593, %dma_wait3A_594] : memref<2x640x64xf32, #tpu.memory_space<vmem>> -> memref<1x128x64xf32, #tpu.memory_space<vmem>>
    %dma_wait3A_596 = tpu.memref_squeeze %dma_wait3A_595 : memref<1x128x64xf32, #tpu.memory_space<vmem>> -> memref<128x64xf32, #tpu.memory_space<vmem>>
    %dma_wait3A_597 = arith.constant 768 : i32
    %dma_wait3A_598 = tpu.memref_slice %arg7[%dma_wait3A_597] : memref<3328xi32, #tpu.memory_space<vmem>> -> memref<128xi32, #tpu.memory_space<vmem>>
    %dma_wait3A_599 = arith.constant 0 : i32
    %dma_wait3A_600 = arith.constant 0 : i32
    %dma_wait3A_601 = tpu.memref_slice %arg4[%dma_wait3A_599, %dma_wait3A_600] : memref<100000x64xf32, #tpu.memory_space<hbm>> -> memref<100000x64xf32, #tpu.memory_space<hbm>>
    tpu.wait_indirect_dma semaphore(%arg10 : memref<!tpu.dma_semaphore, #tpu.memory_space<semaphore_mem>>) src(%dma_wait3A_601 : memref<100000x64xf32, #tpu.memory_space<hbm>>) dst(%dma_wait3A_596 : memref<128x64xf32, #tpu.memory_space<vmem>>)
    %dma_wait3A_602 = arith.constant 1 : i32
    %dma_wait3A_603 = arith.constant 256 : i32
    %dma_wait3A_604 = arith.constant 0 : i32
    %dma_wait3A_605 = tpu.memref_slice %arg8[%dma_wait3A_602, %dma_wait3A_603, %dma_wait3A_604] : memref<2x640x64xf32, #tpu.memory_space<vmem>> -> memref<1x128x64xf32, #tpu.memory_space<vmem>>
    %dma_wait3A_606 = tpu.memref_squeeze %dma_wait3A_605 : memref<1x128x64xf32, #tpu.memory_space<vmem>> -> memref<128x64xf32, #tpu.memory_space<vmem>>
    %dma_wait3A_607 = arith.constant 896 : i32
    %dma_wait3A_608 = tpu.memref_slice %arg7[%dma_wait3A_607] : memref<3328xi32, #tpu.memory_space<vmem>> -> memref<128xi32, #tpu.memory_space<vmem>>
    %dma_wait3A_609 = arith.constant 0 : i32
    %dma_wait3A_610 = arith.constant 0 : i32
    %dma_wait3A_611 = tpu.memref_slice %arg4[%dma_wait3A_609, %dma_wait3A_610] : memref<100000x64xf32, #tpu.memory_space<hbm>> -> memref<100000x64xf32, #tpu.memory_space<hbm>>
    tpu.wait_indirect_dma semaphore(%arg10 : memref<!tpu.dma_semaphore, #tpu.memory_space<semaphore_mem>>) src(%dma_wait3A_611 : memref<100000x64xf32, #tpu.memory_space<hbm>>) dst(%dma_wait3A_606 : memref<128x64xf32, #tpu.memory_space<vmem>>)
    %dma_wait3A_612 = arith.constant 1 : i32
    %dma_wait3A_613 = arith.constant 384 : i32
    %dma_wait3A_614 = arith.constant 0 : i32
    %dma_wait3A_615 = tpu.memref_slice %arg8[%dma_wait3A_612, %dma_wait3A_613, %dma_wait3A_614] : memref<2x640x64xf32, #tpu.memory_space<vmem>> -> memref<1x128x64xf32, #tpu.memory_space<vmem>>
    %dma_wait3A_616 = tpu.memref_squeeze %dma_wait3A_615 : memref<1x128x64xf32, #tpu.memory_space<vmem>> -> memref<128x64xf32, #tpu.memory_space<vmem>>
    %dma_wait3A_617 = arith.constant 1024 : i32
    %dma_wait3A_618 = tpu.memref_slice %arg7[%dma_wait3A_617] : memref<3328xi32, #tpu.memory_space<vmem>> -> memref<128xi32, #tpu.memory_space<vmem>>
    %dma_wait3A_619 = arith.constant 0 : i32
    %dma_wait3A_620 = arith.constant 0 : i32
    %dma_wait3A_621 = tpu.memref_slice %arg4[%dma_wait3A_619, %dma_wait3A_620] : memref<100000x64xf32, #tpu.memory_space<hbm>> -> memref<100000x64xf32, #tpu.memory_space<hbm>>
    tpu.wait_indirect_dma semaphore(%arg10 : memref<!tpu.dma_semaphore, #tpu.memory_space<semaphore_mem>>) src(%dma_wait3A_621 : memref<100000x64xf32, #tpu.memory_space<hbm>>) dst(%dma_wait3A_616 : memref<128x64xf32, #tpu.memory_space<vmem>>)
    %dma_wait3A_622 = arith.constant 1 : i32
    %dma_wait3A_623 = arith.constant 512 : i32
    %dma_wait3A_624 = arith.constant 0 : i32
    %dma_wait3A_625 = tpu.memref_slice %arg8[%dma_wait3A_622, %dma_wait3A_623, %dma_wait3A_624] : memref<2x640x64xf32, #tpu.memory_space<vmem>> -> memref<1x128x64xf32, #tpu.memory_space<vmem>>
    %dma_wait3A_626 = tpu.memref_squeeze %dma_wait3A_625 : memref<1x128x64xf32, #tpu.memory_space<vmem>> -> memref<128x64xf32, #tpu.memory_space<vmem>>
    %dma_wait3A_627 = arith.constant 1152 : i32
    %dma_wait3A_628 = tpu.memref_slice %arg7[%dma_wait3A_627] : memref<3328xi32, #tpu.memory_space<vmem>> -> memref<128xi32, #tpu.memory_space<vmem>>
    %dma_wait3A_629 = arith.constant 0 : i32
    %dma_wait3A_630 = arith.constant 0 : i32
    %dma_wait3A_631 = tpu.memref_slice %arg4[%dma_wait3A_629, %dma_wait3A_630] : memref<100000x64xf32, #tpu.memory_space<hbm>> -> memref<100000x64xf32, #tpu.memory_space<hbm>>
    tpu.wait_indirect_dma semaphore(%arg10 : memref<!tpu.dma_semaphore, #tpu.memory_space<semaphore_mem>>) src(%dma_wait3A_631 : memref<100000x64xf32, #tpu.memory_space<hbm>>) dst(%dma_wait3A_626 : memref<128x64xf32, #tpu.memory_space<vmem>>)
    %add3A_632 = arith.constant 640 : i32
    %add3A_633 = arith.addi %mul3A_2, %add3A_632 : i32
    %dma_start3A_634 = arith.constant 1 : i32
    %dma_start3A_635 = arith.constant 0 : i32
    %dma_start3A_636 = arith.constant 0 : i32
    %dma_start3A_637 = tpu.memref_slice %arg8[%dma_start3A_634, %dma_start3A_635, %dma_start3A_636] : memref<2x640x64xf32, #tpu.memory_space<vmem>> -> memref<1x640x64xf32, #tpu.memory_space<vmem>>
    %dma_start3A_638 = tpu.memref_squeeze %dma_start3A_637 : memref<1x640x64xf32, #tpu.memory_space<vmem>> -> memref<640x64xf32, #tpu.memory_space<vmem>>
    %dma_start3A_639 = arith.constant 0 : i32
    %dma_start3A_640 = tpu.memref_slice %arg5[%add3A_633, %dma_start3A_639] : memref<106496x64xf32, #tpu.memory_space<hbm>> -> memref<640x64xf32, #tpu.memory_space<hbm>>
    %dma_start3A_641 = arith.constant 0 : i32
    %dma_start3A_642 = tpu.memref_slice %arg5[%add3A_633, %dma_start3A_641] : memref<106496x64xf32, #tpu.memory_space<hbm>> -> memref<640x64xf32, #tpu.memory_space<hbm>>
    %dma_start3A_643 = arith.constant 0 : i32
    %dma_start3A_644 = arith.constant 0 : i32
    %dma_start3A_645 = tpu.memref_slice %arg8[%dma_start3A_634, %dma_start3A_643, %dma_start3A_644] : memref<2x640x64xf32, #tpu.memory_space<vmem>> -> memref<1x640x64xf32, #tpu.memory_space<vmem>>
    %dma_start3A_646 = tpu.memref_squeeze %dma_start3A_645 : memref<1x640x64xf32, #tpu.memory_space<vmem>> -> memref<640x64xf32, #tpu.memory_space<vmem>>
    tpu.enqueue_dma source(%dma_start3A_646 : memref<640x64xf32, #tpu.memory_space<vmem>>) target(%dma_start3A_642 : memref<640x64xf32, #tpu.memory_space<hbm>>) target_semaphore(%arg11 : memref<!tpu.dma_semaphore, #tpu.memory_space<semaphore_mem>>)
    %dma_wait3A_647 = arith.constant 0 : i32
    %dma_wait3A_648 = arith.constant 0 : i32
    %dma_wait3A_649 = arith.constant 0 : i32
    %dma_wait3A_650 = tpu.memref_slice %arg8[%dma_wait3A_647, %dma_wait3A_648, %dma_wait3A_649] : memref<2x640x64xf32, #tpu.memory_space<vmem>> -> memref<1x640x64xf32, #tpu.memory_space<vmem>>
    %dma_wait3A_651 = tpu.memref_squeeze %dma_wait3A_650 : memref<1x640x64xf32, #tpu.memory_space<vmem>> -> memref<640x64xf32, #tpu.memory_space<vmem>>
    %dma_wait3A_652 = arith.constant 0 : i32
    %dma_wait3A_653 = tpu.memref_slice %arg5[%add3A_518, %dma_wait3A_652] : memref<106496x64xf32, #tpu.memory_space<hbm>> -> memref<640x64xf32, #tpu.memory_space<hbm>>
    %dma_wait3A_654 = arith.constant 0 : i32
    %dma_wait3A_655 = tpu.memref_slice %arg5[%add3A_518, %dma_wait3A_654] : memref<106496x64xf32, #tpu.memory_space<hbm>> -> memref<640x64xf32, #tpu.memory_space<hbm>>
    %dma_wait3A_656 = arith.constant 0 : i32
    %dma_wait3A_657 = arith.constant 0 : i32
    %dma_wait3A_658 = tpu.memref_slice %arg8[%dma_wait3A_647, %dma_wait3A_656, %dma_wait3A_657] : memref<2x640x64xf32, #tpu.memory_space<vmem>> -> memref<1x640x64xf32, #tpu.memory_space<vmem>>
    %dma_wait3A_659 = tpu.memref_squeeze %dma_wait3A_658 : memref<1x640x64xf32, #tpu.memory_space<vmem>> -> memref<640x64xf32, #tpu.memory_space<vmem>>
    tpu.wait_dma2 semaphore(%arg11 : memref<!tpu.dma_semaphore, #tpu.memory_space<semaphore_mem>>) src(%dma_wait3A_659 : memref<640x64xf32, #tpu.memory_space<vmem>>) dst(%dma_wait3A_655 : memref<640x64xf32, #tpu.memory_space<hbm>>)
    %dma_start3A_660 = arith.constant 0 : i32
    %dma_start3A_661 = arith.constant 0 : i32
    %dma_start3A_662 = arith.constant 0 : i32
    %dma_start3A_663 = tpu.memref_slice %arg8[%dma_start3A_660, %dma_start3A_661, %dma_start3A_662] : memref<2x640x64xf32, #tpu.memory_space<vmem>> -> memref<1x128x64xf32, #tpu.memory_space<vmem>>
    %dma_start3A_664 = tpu.memref_squeeze %dma_start3A_663 : memref<1x128x64xf32, #tpu.memory_space<vmem>> -> memref<128x64xf32, #tpu.memory_space<vmem>>
    %dma_start3A_665 = arith.constant 1280 : i32
    %dma_start3A_666 = tpu.memref_slice %arg7[%dma_start3A_665] : memref<3328xi32, #tpu.memory_space<vmem>> -> memref<128xi32, #tpu.memory_space<vmem>>
    %dma_start3A_667 = arith.constant 0 : i32
    %dma_start3A_668 = arith.constant 0 : i32
    %dma_start3A_669 = tpu.memref_slice %arg4[%dma_start3A_667, %dma_start3A_668] : memref<100000x64xf32, #tpu.memory_space<hbm>> -> memref<100000x64xf32, #tpu.memory_space<hbm>>
    tpu.enqueue_indirect_dma source(%dma_start3A_669 : memref<100000x64xf32, #tpu.memory_space<hbm>>) target(%dma_start3A_664 : memref<128x64xf32, #tpu.memory_space<vmem>>) offsets(%dma_start3A_666 : memref<128xi32, #tpu.memory_space<vmem>>) semaphore(%arg10 : memref<!tpu.dma_semaphore, #tpu.memory_space<semaphore_mem>>)
    %dma_start3A_670 = arith.constant 0 : i32
    %dma_start3A_671 = arith.constant 128 : i32
    %dma_start3A_672 = arith.constant 0 : i32
    %dma_start3A_673 = tpu.memref_slice %arg8[%dma_start3A_670, %dma_start3A_671, %dma_start3A_672] : memref<2x640x64xf32, #tpu.memory_space<vmem>> -> memref<1x128x64xf32, #tpu.memory_space<vmem>>
    %dma_start3A_674 = tpu.memref_squeeze %dma_start3A_673 : memref<1x128x64xf32, #tpu.memory_space<vmem>> -> memref<128x64xf32, #tpu.memory_space<vmem>>
    %dma_start3A_675 = arith.constant 1408 : i32
    %dma_start3A_676 = tpu.memref_slice %arg7[%dma_start3A_675] : memref<3328xi32, #tpu.memory_space<vmem>> -> memref<128xi32, #tpu.memory_space<vmem>>
    %dma_start3A_677 = arith.constant 0 : i32
    %dma_start3A_678 = arith.constant 0 : i32
    %dma_start3A_679 = tpu.memref_slice %arg4[%dma_start3A_677, %dma_start3A_678] : memref<100000x64xf32, #tpu.memory_space<hbm>> -> memref<100000x64xf32, #tpu.memory_space<hbm>>
    tpu.enqueue_indirect_dma source(%dma_start3A_679 : memref<100000x64xf32, #tpu.memory_space<hbm>>) target(%dma_start3A_674 : memref<128x64xf32, #tpu.memory_space<vmem>>) offsets(%dma_start3A_676 : memref<128xi32, #tpu.memory_space<vmem>>) semaphore(%arg10 : memref<!tpu.dma_semaphore, #tpu.memory_space<semaphore_mem>>)
    %dma_start3A_680 = arith.constant 0 : i32
    %dma_start3A_681 = arith.constant 256 : i32
    %dma_start3A_682 = arith.constant 0 : i32
    %dma_start3A_683 = tpu.memref_slice %arg8[%dma_start3A_680, %dma_start3A_681, %dma_start3A_682] : memref<2x640x64xf32, #tpu.memory_space<vmem>> -> memref<1x128x64xf32, #tpu.memory_space<vmem>>
    %dma_start3A_684 = tpu.memref_squeeze %dma_start3A_683 : memref<1x128x64xf32, #tpu.memory_space<vmem>> -> memref<128x64xf32, #tpu.memory_space<vmem>>
    %dma_start3A_685 = arith.constant 1536 : i32
    %dma_start3A_686 = tpu.memref_slice %arg7[%dma_start3A_685] : memref<3328xi32, #tpu.memory_space<vmem>> -> memref<128xi32, #tpu.memory_space<vmem>>
    %dma_start3A_687 = arith.constant 0 : i32
    %dma_start3A_688 = arith.constant 0 : i32
    %dma_start3A_689 = tpu.memref_slice %arg4[%dma_start3A_687, %dma_start3A_688] : memref<100000x64xf32, #tpu.memory_space<hbm>> -> memref<100000x64xf32, #tpu.memory_space<hbm>>
    tpu.enqueue_indirect_dma source(%dma_start3A_689 : memref<100000x64xf32, #tpu.memory_space<hbm>>) target(%dma_start3A_684 : memref<128x64xf32, #tpu.memory_space<vmem>>) offsets(%dma_start3A_686 : memref<128xi32, #tpu.memory_space<vmem>>) semaphore(%arg10 : memref<!tpu.dma_semaphore, #tpu.memory_space<semaphore_mem>>)
    %dma_start3A_690 = arith.constant 0 : i32
    %dma_start3A_691 = arith.constant 384 : i32
    %dma_start3A_692 = arith.constant 0 : i32
    %dma_start3A_693 = tpu.memref_slice %arg8[%dma_start3A_690, %dma_start3A_691, %dma_start3A_692] : memref<2x640x64xf32, #tpu.memory_space<vmem>> -> memref<1x128x64xf32, #tpu.memory_space<vmem>>
    %dma_start3A_694 = tpu.memref_squeeze %dma_start3A_693 : memref<1x128x64xf32, #tpu.memory_space<vmem>> -> memref<128x64xf32, #tpu.memory_space<vmem>>
    %dma_start3A_695 = arith.constant 1664 : i32
    %dma_start3A_696 = tpu.memref_slice %arg7[%dma_start3A_695] : memref<3328xi32, #tpu.memory_space<vmem>> -> memref<128xi32, #tpu.memory_space<vmem>>
    %dma_start3A_697 = arith.constant 0 : i32
    %dma_start3A_698 = arith.constant 0 : i32
    %dma_start3A_699 = tpu.memref_slice %arg4[%dma_start3A_697, %dma_start3A_698] : memref<100000x64xf32, #tpu.memory_space<hbm>> -> memref<100000x64xf32, #tpu.memory_space<hbm>>
    tpu.enqueue_indirect_dma source(%dma_start3A_699 : memref<100000x64xf32, #tpu.memory_space<hbm>>) target(%dma_start3A_694 : memref<128x64xf32, #tpu.memory_space<vmem>>) offsets(%dma_start3A_696 : memref<128xi32, #tpu.memory_space<vmem>>) semaphore(%arg10 : memref<!tpu.dma_semaphore, #tpu.memory_space<semaphore_mem>>)
    %dma_start3A_700 = arith.constant 0 : i32
    %dma_start3A_701 = arith.constant 512 : i32
    %dma_start3A_702 = arith.constant 0 : i32
    %dma_start3A_703 = tpu.memref_slice %arg8[%dma_start3A_700, %dma_start3A_701, %dma_start3A_702] : memref<2x640x64xf32, #tpu.memory_space<vmem>> -> memref<1x128x64xf32, #tpu.memory_space<vmem>>
    %dma_start3A_704 = tpu.memref_squeeze %dma_start3A_703 : memref<1x128x64xf32, #tpu.memory_space<vmem>> -> memref<128x64xf32, #tpu.memory_space<vmem>>
    %dma_start3A_705 = arith.constant 1792 : i32
    %dma_start3A_706 = tpu.memref_slice %arg7[%dma_start3A_705] : memref<3328xi32, #tpu.memory_space<vmem>> -> memref<128xi32, #tpu.memory_space<vmem>>
    %dma_start3A_707 = arith.constant 0 : i32
    %dma_start3A_708 = arith.constant 0 : i32
    %dma_start3A_709 = tpu.memref_slice %arg4[%dma_start3A_707, %dma_start3A_708] : memref<100000x64xf32, #tpu.memory_space<hbm>> -> memref<100000x64xf32, #tpu.memory_space<hbm>>
    tpu.enqueue_indirect_dma source(%dma_start3A_709 : memref<100000x64xf32, #tpu.memory_space<hbm>>) target(%dma_start3A_704 : memref<128x64xf32, #tpu.memory_space<vmem>>) offsets(%dma_start3A_706 : memref<128xi32, #tpu.memory_space<vmem>>) semaphore(%arg10 : memref<!tpu.dma_semaphore, #tpu.memory_space<semaphore_mem>>)
    %dma_wait3A_710 = arith.constant 0 : i32
    %dma_wait3A_711 = arith.constant 0 : i32
    %dma_wait3A_712 = arith.constant 0 : i32
    %dma_wait3A_713 = tpu.memref_slice %arg8[%dma_wait3A_710, %dma_wait3A_711, %dma_wait3A_712] : memref<2x640x64xf32, #tpu.memory_space<vmem>> -> memref<1x128x64xf32, #tpu.memory_space<vmem>>
    %dma_wait3A_714 = tpu.memref_squeeze %dma_wait3A_713 : memref<1x128x64xf32, #tpu.memory_space<vmem>> -> memref<128x64xf32, #tpu.memory_space<vmem>>
    %dma_wait3A_715 = arith.constant 1280 : i32
    %dma_wait3A_716 = tpu.memref_slice %arg7[%dma_wait3A_715] : memref<3328xi32, #tpu.memory_space<vmem>> -> memref<128xi32, #tpu.memory_space<vmem>>
    %dma_wait3A_717 = arith.constant 0 : i32
    %dma_wait3A_718 = arith.constant 0 : i32
    %dma_wait3A_719 = tpu.memref_slice %arg4[%dma_wait3A_717, %dma_wait3A_718] : memref<100000x64xf32, #tpu.memory_space<hbm>> -> memref<100000x64xf32, #tpu.memory_space<hbm>>
    tpu.wait_indirect_dma semaphore(%arg10 : memref<!tpu.dma_semaphore, #tpu.memory_space<semaphore_mem>>) src(%dma_wait3A_719 : memref<100000x64xf32, #tpu.memory_space<hbm>>) dst(%dma_wait3A_714 : memref<128x64xf32, #tpu.memory_space<vmem>>)
    %dma_wait3A_720 = arith.constant 0 : i32
    %dma_wait3A_721 = arith.constant 128 : i32
    %dma_wait3A_722 = arith.constant 0 : i32
    %dma_wait3A_723 = tpu.memref_slice %arg8[%dma_wait3A_720, %dma_wait3A_721, %dma_wait3A_722] : memref<2x640x64xf32, #tpu.memory_space<vmem>> -> memref<1x128x64xf32, #tpu.memory_space<vmem>>
    %dma_wait3A_724 = tpu.memref_squeeze %dma_wait3A_723 : memref<1x128x64xf32, #tpu.memory_space<vmem>> -> memref<128x64xf32, #tpu.memory_space<vmem>>
    %dma_wait3A_725 = arith.constant 1408 : i32
    %dma_wait3A_726 = tpu.memref_slice %arg7[%dma_wait3A_725] : memref<3328xi32, #tpu.memory_space<vmem>> -> memref<128xi32, #tpu.memory_space<vmem>>
    %dma_wait3A_727 = arith.constant 0 : i32
    %dma_wait3A_728 = arith.constant 0 : i32
    %dma_wait3A_729 = tpu.memref_slice %arg4[%dma_wait3A_727, %dma_wait3A_728] : memref<100000x64xf32, #tpu.memory_space<hbm>> -> memref<100000x64xf32, #tpu.memory_space<hbm>>
    tpu.wait_indirect_dma semaphore(%arg10 : memref<!tpu.dma_semaphore, #tpu.memory_space<semaphore_mem>>) src(%dma_wait3A_729 : memref<100000x64xf32, #tpu.memory_space<hbm>>) dst(%dma_wait3A_724 : memref<128x64xf32, #tpu.memory_space<vmem>>)
    %dma_wait3A_730 = arith.constant 0 : i32
    %dma_wait3A_731 = arith.constant 256 : i32
    %dma_wait3A_732 = arith.constant 0 : i32
    %dma_wait3A_733 = tpu.memref_slice %arg8[%dma_wait3A_730, %dma_wait3A_731, %dma_wait3A_732] : memref<2x640x64xf32, #tpu.memory_space<vmem>> -> memref<1x128x64xf32, #tpu.memory_space<vmem>>
    %dma_wait3A_734 = tpu.memref_squeeze %dma_wait3A_733 : memref<1x128x64xf32, #tpu.memory_space<vmem>> -> memref<128x64xf32, #tpu.memory_space<vmem>>
    %dma_wait3A_735 = arith.constant 1536 : i32
    %dma_wait3A_736 = tpu.memref_slice %arg7[%dma_wait3A_735] : memref<3328xi32, #tpu.memory_space<vmem>> -> memref<128xi32, #tpu.memory_space<vmem>>
    %dma_wait3A_737 = arith.constant 0 : i32
    %dma_wait3A_738 = arith.constant 0 : i32
    %dma_wait3A_739 = tpu.memref_slice %arg4[%dma_wait3A_737, %dma_wait3A_738] : memref<100000x64xf32, #tpu.memory_space<hbm>> -> memref<100000x64xf32, #tpu.memory_space<hbm>>
    tpu.wait_indirect_dma semaphore(%arg10 : memref<!tpu.dma_semaphore, #tpu.memory_space<semaphore_mem>>) src(%dma_wait3A_739 : memref<100000x64xf32, #tpu.memory_space<hbm>>) dst(%dma_wait3A_734 : memref<128x64xf32, #tpu.memory_space<vmem>>)
    %dma_wait3A_740 = arith.constant 0 : i32
    %dma_wait3A_741 = arith.constant 384 : i32
    %dma_wait3A_742 = arith.constant 0 : i32
    %dma_wait3A_743 = tpu.memref_slice %arg8[%dma_wait3A_740, %dma_wait3A_741, %dma_wait3A_742] : memref<2x640x64xf32, #tpu.memory_space<vmem>> -> memref<1x128x64xf32, #tpu.memory_space<vmem>>
    %dma_wait3A_744 = tpu.memref_squeeze %dma_wait3A_743 : memref<1x128x64xf32, #tpu.memory_space<vmem>> -> memref<128x64xf32, #tpu.memory_space<vmem>>
    %dma_wait3A_745 = arith.constant 1664 : i32
    %dma_wait3A_746 = tpu.memref_slice %arg7[%dma_wait3A_745] : memref<3328xi32, #tpu.memory_space<vmem>> -> memref<128xi32, #tpu.memory_space<vmem>>
    %dma_wait3A_747 = arith.constant 0 : i32
    %dma_wait3A_748 = arith.constant 0 : i32
    %dma_wait3A_749 = tpu.memref_slice %arg4[%dma_wait3A_747, %dma_wait3A_748] : memref<100000x64xf32, #tpu.memory_space<hbm>> -> memref<100000x64xf32, #tpu.memory_space<hbm>>
    tpu.wait_indirect_dma semaphore(%arg10 : memref<!tpu.dma_semaphore, #tpu.memory_space<semaphore_mem>>) src(%dma_wait3A_749 : memref<100000x64xf32, #tpu.memory_space<hbm>>) dst(%dma_wait3A_744 : memref<128x64xf32, #tpu.memory_space<vmem>>)
    %dma_wait3A_750 = arith.constant 0 : i32
    %dma_wait3A_751 = arith.constant 512 : i32
    %dma_wait3A_752 = arith.constant 0 : i32
    %dma_wait3A_753 = tpu.memref_slice %arg8[%dma_wait3A_750, %dma_wait3A_751, %dma_wait3A_752] : memref<2x640x64xf32, #tpu.memory_space<vmem>> -> memref<1x128x64xf32, #tpu.memory_space<vmem>>
    %dma_wait3A_754 = tpu.memref_squeeze %dma_wait3A_753 : memref<1x128x64xf32, #tpu.memory_space<vmem>> -> memref<128x64xf32, #tpu.memory_space<vmem>>
    %dma_wait3A_755 = arith.constant 1792 : i32
    %dma_wait3A_756 = tpu.memref_slice %arg7[%dma_wait3A_755] : memref<3328xi32, #tpu.memory_space<vmem>> -> memref<128xi32, #tpu.memory_space<vmem>>
    %dma_wait3A_757 = arith.constant 0 : i32
    %dma_wait3A_758 = arith.constant 0 : i32
    %dma_wait3A_759 = tpu.memref_slice %arg4[%dma_wait3A_757, %dma_wait3A_758] : memref<100000x64xf32, #tpu.memory_space<hbm>> -> memref<100000x64xf32, #tpu.memory_space<hbm>>
    tpu.wait_indirect_dma semaphore(%arg10 : memref<!tpu.dma_semaphore, #tpu.memory_space<semaphore_mem>>) src(%dma_wait3A_759 : memref<100000x64xf32, #tpu.memory_space<hbm>>) dst(%dma_wait3A_754 : memref<128x64xf32, #tpu.memory_space<vmem>>)
    %add3A_760 = arith.constant 1280 : i32
    %add3A_761 = arith.addi %mul3A_2, %add3A_760 : i32
    %dma_start3A_762 = arith.constant 0 : i32
    %dma_start3A_763 = arith.constant 0 : i32
    %dma_start3A_764 = arith.constant 0 : i32
    %dma_start3A_765 = tpu.memref_slice %arg8[%dma_start3A_762, %dma_start3A_763, %dma_start3A_764] : memref<2x640x64xf32, #tpu.memory_space<vmem>> -> memref<1x640x64xf32, #tpu.memory_space<vmem>>
    %dma_start3A_766 = tpu.memref_squeeze %dma_start3A_765 : memref<1x640x64xf32, #tpu.memory_space<vmem>> -> memref<640x64xf32, #tpu.memory_space<vmem>>
    %dma_start3A_767 = arith.constant 0 : i32
    %dma_start3A_768 = tpu.memref_slice %arg5[%add3A_761, %dma_start3A_767] : memref<106496x64xf32, #tpu.memory_space<hbm>> -> memref<640x64xf32, #tpu.memory_space<hbm>>
    %dma_start3A_769 = arith.constant 0 : i32
    %dma_start3A_770 = tpu.memref_slice %arg5[%add3A_761, %dma_start3A_769] : memref<106496x64xf32, #tpu.memory_space<hbm>> -> memref<640x64xf32, #tpu.memory_space<hbm>>
    %dma_start3A_771 = arith.constant 0 : i32
    %dma_start3A_772 = arith.constant 0 : i32
    %dma_start3A_773 = tpu.memref_slice %arg8[%dma_start3A_762, %dma_start3A_771, %dma_start3A_772] : memref<2x640x64xf32, #tpu.memory_space<vmem>> -> memref<1x640x64xf32, #tpu.memory_space<vmem>>
    %dma_start3A_774 = tpu.memref_squeeze %dma_start3A_773 : memref<1x640x64xf32, #tpu.memory_space<vmem>> -> memref<640x64xf32, #tpu.memory_space<vmem>>
    tpu.enqueue_dma source(%dma_start3A_774 : memref<640x64xf32, #tpu.memory_space<vmem>>) target(%dma_start3A_770 : memref<640x64xf32, #tpu.memory_space<hbm>>) target_semaphore(%arg11 : memref<!tpu.dma_semaphore, #tpu.memory_space<semaphore_mem>>)
    %dma_wait3A_775 = arith.constant 1 : i32
    %dma_wait3A_776 = arith.constant 0 : i32
    %dma_wait3A_777 = arith.constant 0 : i32
    %dma_wait3A_778 = tpu.memref_slice %arg8[%dma_wait3A_775, %dma_wait3A_776, %dma_wait3A_777] : memref<2x640x64xf32, #tpu.memory_space<vmem>> -> memref<1x640x64xf32, #tpu.memory_space<vmem>>
    %dma_wait3A_779 = tpu.memref_squeeze %dma_wait3A_778 : memref<1x640x64xf32, #tpu.memory_space<vmem>> -> memref<640x64xf32, #tpu.memory_space<vmem>>
    %dma_wait3A_780 = arith.constant 0 : i32
    %dma_wait3A_781 = tpu.memref_slice %arg5[%add3A_633, %dma_wait3A_780] : memref<106496x64xf32, #tpu.memory_space<hbm>> -> memref<640x64xf32, #tpu.memory_space<hbm>>
    %dma_wait3A_782 = arith.constant 0 : i32
    %dma_wait3A_783 = tpu.memref_slice %arg5[%add3A_633, %dma_wait3A_782] : memref<106496x64xf32, #tpu.memory_space<hbm>> -> memref<640x64xf32, #tpu.memory_space<hbm>>
    %dma_wait3A_784 = arith.constant 0 : i32
    %dma_wait3A_785 = arith.constant 0 : i32
    %dma_wait3A_786 = tpu.memref_slice %arg8[%dma_wait3A_775, %dma_wait3A_784, %dma_wait3A_785] : memref<2x640x64xf32, #tpu.memory_space<vmem>> -> memref<1x640x64xf32, #tpu.memory_space<vmem>>
    %dma_wait3A_787 = tpu.memref_squeeze %dma_wait3A_786 : memref<1x640x64xf32, #tpu.memory_space<vmem>> -> memref<640x64xf32, #tpu.memory_space<vmem>>
    tpu.wait_dma2 semaphore(%arg11 : memref<!tpu.dma_semaphore, #tpu.memory_space<semaphore_mem>>) src(%dma_wait3A_787 : memref<640x64xf32, #tpu.memory_space<vmem>>) dst(%dma_wait3A_783 : memref<640x64xf32, #tpu.memory_space<hbm>>)
    %dma_start3A_788 = arith.constant 1 : i32
    %dma_start3A_789 = arith.constant 0 : i32
    %dma_start3A_790 = arith.constant 0 : i32
    %dma_start3A_791 = tpu.memref_slice %arg8[%dma_start3A_788, %dma_start3A_789, %dma_start3A_790] : memref<2x640x64xf32, #tpu.memory_space<vmem>> -> memref<1x128x64xf32, #tpu.memory_space<vmem>>
    %dma_start3A_792 = tpu.memref_squeeze %dma_start3A_791 : memref<1x128x64xf32, #tpu.memory_space<vmem>> -> memref<128x64xf32, #tpu.memory_space<vmem>>
    %dma_start3A_793 = arith.constant 1920 : i32
    %dma_start3A_794 = tpu.memref_slice %arg7[%dma_start3A_793] : memref<3328xi32, #tpu.memory_space<vmem>> -> memref<128xi32, #tpu.memory_space<vmem>>
    %dma_start3A_795 = arith.constant 0 : i32
    %dma_start3A_796 = arith.constant 0 : i32
    %dma_start3A_797 = tpu.memref_slice %arg4[%dma_start3A_795, %dma_start3A_796] : memref<100000x64xf32, #tpu.memory_space<hbm>> -> memref<100000x64xf32, #tpu.memory_space<hbm>>
    tpu.enqueue_indirect_dma source(%dma_start3A_797 : memref<100000x64xf32, #tpu.memory_space<hbm>>) target(%dma_start3A_792 : memref<128x64xf32, #tpu.memory_space<vmem>>) offsets(%dma_start3A_794 : memref<128xi32, #tpu.memory_space<vmem>>) semaphore(%arg10 : memref<!tpu.dma_semaphore, #tpu.memory_space<semaphore_mem>>)
    %dma_start3A_798 = arith.constant 1 : i32
    %dma_start3A_799 = arith.constant 128 : i32
    %dma_start3A_800 = arith.constant 0 : i32
    %dma_start3A_801 = tpu.memref_slice %arg8[%dma_start3A_798, %dma_start3A_799, %dma_start3A_800] : memref<2x640x64xf32, #tpu.memory_space<vmem>> -> memref<1x128x64xf32, #tpu.memory_space<vmem>>
    %dma_start3A_802 = tpu.memref_squeeze %dma_start3A_801 : memref<1x128x64xf32, #tpu.memory_space<vmem>> -> memref<128x64xf32, #tpu.memory_space<vmem>>
    %dma_start3A_803 = arith.constant 2048 : i32
    %dma_start3A_804 = tpu.memref_slice %arg7[%dma_start3A_803] : memref<3328xi32, #tpu.memory_space<vmem>> -> memref<128xi32, #tpu.memory_space<vmem>>
    %dma_start3A_805 = arith.constant 0 : i32
    %dma_start3A_806 = arith.constant 0 : i32
    %dma_start3A_807 = tpu.memref_slice %arg4[%dma_start3A_805, %dma_start3A_806] : memref<100000x64xf32, #tpu.memory_space<hbm>> -> memref<100000x64xf32, #tpu.memory_space<hbm>>
    tpu.enqueue_indirect_dma source(%dma_start3A_807 : memref<100000x64xf32, #tpu.memory_space<hbm>>) target(%dma_start3A_802 : memref<128x64xf32, #tpu.memory_space<vmem>>) offsets(%dma_start3A_804 : memref<128xi32, #tpu.memory_space<vmem>>) semaphore(%arg10 : memref<!tpu.dma_semaphore, #tpu.memory_space<semaphore_mem>>)
    %dma_start3A_808 = arith.constant 1 : i32
    %dma_start3A_809 = arith.constant 256 : i32
    %dma_start3A_810 = arith.constant 0 : i32
    %dma_start3A_811 = tpu.memref_slice %arg8[%dma_start3A_808, %dma_start3A_809, %dma_start3A_810] : memref<2x640x64xf32, #tpu.memory_space<vmem>> -> memref<1x128x64xf32, #tpu.memory_space<vmem>>
    %dma_start3A_812 = tpu.memref_squeeze %dma_start3A_811 : memref<1x128x64xf32, #tpu.memory_space<vmem>> -> memref<128x64xf32, #tpu.memory_space<vmem>>
    %dma_start3A_813 = arith.constant 2176 : i32
    %dma_start3A_814 = tpu.memref_slice %arg7[%dma_start3A_813] : memref<3328xi32, #tpu.memory_space<vmem>> -> memref<128xi32, #tpu.memory_space<vmem>>
    %dma_start3A_815 = arith.constant 0 : i32
    %dma_start3A_816 = arith.constant 0 : i32
    %dma_start3A_817 = tpu.memref_slice %arg4[%dma_start3A_815, %dma_start3A_816] : memref<100000x64xf32, #tpu.memory_space<hbm>> -> memref<100000x64xf32, #tpu.memory_space<hbm>>
    tpu.enqueue_indirect_dma source(%dma_start3A_817 : memref<100000x64xf32, #tpu.memory_space<hbm>>) target(%dma_start3A_812 : memref<128x64xf32, #tpu.memory_space<vmem>>) offsets(%dma_start3A_814 : memref<128xi32, #tpu.memory_space<vmem>>) semaphore(%arg10 : memref<!tpu.dma_semaphore, #tpu.memory_space<semaphore_mem>>)
    %dma_start3A_818 = arith.constant 1 : i32
    %dma_start3A_819 = arith.constant 384 : i32
    %dma_start3A_820 = arith.constant 0 : i32
    %dma_start3A_821 = tpu.memref_slice %arg8[%dma_start3A_818, %dma_start3A_819, %dma_start3A_820] : memref<2x640x64xf32, #tpu.memory_space<vmem>> -> memref<1x128x64xf32, #tpu.memory_space<vmem>>
    %dma_start3A_822 = tpu.memref_squeeze %dma_start3A_821 : memref<1x128x64xf32, #tpu.memory_space<vmem>> -> memref<128x64xf32, #tpu.memory_space<vmem>>
    %dma_start3A_823 = arith.constant 2304 : i32
    %dma_start3A_824 = tpu.memref_slice %arg7[%dma_start3A_823] : memref<3328xi32, #tpu.memory_space<vmem>> -> memref<128xi32, #tpu.memory_space<vmem>>
    %dma_start3A_825 = arith.constant 0 : i32
    %dma_start3A_826 = arith.constant 0 : i32
    %dma_start3A_827 = tpu.memref_slice %arg4[%dma_start3A_825, %dma_start3A_826] : memref<100000x64xf32, #tpu.memory_space<hbm>> -> memref<100000x64xf32, #tpu.memory_space<hbm>>
    tpu.enqueue_indirect_dma source(%dma_start3A_827 : memref<100000x64xf32, #tpu.memory_space<hbm>>) target(%dma_start3A_822 : memref<128x64xf32, #tpu.memory_space<vmem>>) offsets(%dma_start3A_824 : memref<128xi32, #tpu.memory_space<vmem>>) semaphore(%arg10 : memref<!tpu.dma_semaphore, #tpu.memory_space<semaphore_mem>>)
    %dma_start3A_828 = arith.constant 1 : i32
    %dma_start3A_829 = arith.constant 512 : i32
    %dma_start3A_830 = arith.constant 0 : i32
    %dma_start3A_831 = tpu.memref_slice %arg8[%dma_start3A_828, %dma_start3A_829, %dma_start3A_830] : memref<2x640x64xf32, #tpu.memory_space<vmem>> -> memref<1x128x64xf32, #tpu.memory_space<vmem>>
    %dma_start3A_832 = tpu.memref_squeeze %dma_start3A_831 : memref<1x128x64xf32, #tpu.memory_space<vmem>> -> memref<128x64xf32, #tpu.memory_space<vmem>>
    %dma_start3A_833 = arith.constant 2432 : i32
    %dma_start3A_834 = tpu.memref_slice %arg7[%dma_start3A_833] : memref<3328xi32, #tpu.memory_space<vmem>> -> memref<128xi32, #tpu.memory_space<vmem>>
    %dma_start3A_835 = arith.constant 0 : i32
    %dma_start3A_836 = arith.constant 0 : i32
    %dma_start3A_837 = tpu.memref_slice %arg4[%dma_start3A_835, %dma_start3A_836] : memref<100000x64xf32, #tpu.memory_space<hbm>> -> memref<100000x64xf32, #tpu.memory_space<hbm>>
    tpu.enqueue_indirect_dma source(%dma_start3A_837 : memref<100000x64xf32, #tpu.memory_space<hbm>>) target(%dma_start3A_832 : memref<128x64xf32, #tpu.memory_space<vmem>>) offsets(%dma_start3A_834 : memref<128xi32, #tpu.memory_space<vmem>>) semaphore(%arg10 : memref<!tpu.dma_semaphore, #tpu.memory_space<semaphore_mem>>)
    %dma_wait3A_838 = arith.constant 1 : i32
    %dma_wait3A_839 = arith.constant 0 : i32
    %dma_wait3A_840 = arith.constant 0 : i32
    %dma_wait3A_841 = tpu.memref_slice %arg8[%dma_wait3A_838, %dma_wait3A_839, %dma_wait3A_840] : memref<2x640x64xf32, #tpu.memory_space<vmem>> -> memref<1x128x64xf32, #tpu.memory_space<vmem>>
    %dma_wait3A_842 = tpu.memref_squeeze %dma_wait3A_841 : memref<1x128x64xf32, #tpu.memory_space<vmem>> -> memref<128x64xf32, #tpu.memory_space<vmem>>
    %dma_wait3A_843 = arith.constant 1920 : i32
    %dma_wait3A_844 = tpu.memref_slice %arg7[%dma_wait3A_843] : memref<3328xi32, #tpu.memory_space<vmem>> -> memref<128xi32, #tpu.memory_space<vmem>>
    %dma_wait3A_845 = arith.constant 0 : i32
    %dma_wait3A_846 = arith.constant 0 : i32
    %dma_wait3A_847 = tpu.memref_slice %arg4[%dma_wait3A_845, %dma_wait3A_846] : memref<100000x64xf32, #tpu.memory_space<hbm>> -> memref<100000x64xf32, #tpu.memory_space<hbm>>
    tpu.wait_indirect_dma semaphore(%arg10 : memref<!tpu.dma_semaphore, #tpu.memory_space<semaphore_mem>>) src(%dma_wait3A_847 : memref<100000x64xf32, #tpu.memory_space<hbm>>) dst(%dma_wait3A_842 : memref<128x64xf32, #tpu.memory_space<vmem>>)
    %dma_wait3A_848 = arith.constant 1 : i32
    %dma_wait3A_849 = arith.constant 128 : i32
    %dma_wait3A_850 = arith.constant 0 : i32
    %dma_wait3A_851 = tpu.memref_slice %arg8[%dma_wait3A_848, %dma_wait3A_849, %dma_wait3A_850] : memref<2x640x64xf32, #tpu.memory_space<vmem>> -> memref<1x128x64xf32, #tpu.memory_space<vmem>>
    %dma_wait3A_852 = tpu.memref_squeeze %dma_wait3A_851 : memref<1x128x64xf32, #tpu.memory_space<vmem>> -> memref<128x64xf32, #tpu.memory_space<vmem>>
    %dma_wait3A_853 = arith.constant 2048 : i32
    %dma_wait3A_854 = tpu.memref_slice %arg7[%dma_wait3A_853] : memref<3328xi32, #tpu.memory_space<vmem>> -> memref<128xi32, #tpu.memory_space<vmem>>
    %dma_wait3A_855 = arith.constant 0 : i32
    %dma_wait3A_856 = arith.constant 0 : i32
    %dma_wait3A_857 = tpu.memref_slice %arg4[%dma_wait3A_855, %dma_wait3A_856] : memref<100000x64xf32, #tpu.memory_space<hbm>> -> memref<100000x64xf32, #tpu.memory_space<hbm>>
    tpu.wait_indirect_dma semaphore(%arg10 : memref<!tpu.dma_semaphore, #tpu.memory_space<semaphore_mem>>) src(%dma_wait3A_857 : memref<100000x64xf32, #tpu.memory_space<hbm>>) dst(%dma_wait3A_852 : memref<128x64xf32, #tpu.memory_space<vmem>>)
    %dma_wait3A_858 = arith.constant 1 : i32
    %dma_wait3A_859 = arith.constant 256 : i32
    %dma_wait3A_860 = arith.constant 0 : i32
    %dma_wait3A_861 = tpu.memref_slice %arg8[%dma_wait3A_858, %dma_wait3A_859, %dma_wait3A_860] : memref<2x640x64xf32, #tpu.memory_space<vmem>> -> memref<1x128x64xf32, #tpu.memory_space<vmem>>
    %dma_wait3A_862 = tpu.memref_squeeze %dma_wait3A_861 : memref<1x128x64xf32, #tpu.memory_space<vmem>> -> memref<128x64xf32, #tpu.memory_space<vmem>>
    %dma_wait3A_863 = arith.constant 2176 : i32
    %dma_wait3A_864 = tpu.memref_slice %arg7[%dma_wait3A_863] : memref<3328xi32, #tpu.memory_space<vmem>> -> memref<128xi32, #tpu.memory_space<vmem>>
    %dma_wait3A_865 = arith.constant 0 : i32
    %dma_wait3A_866 = arith.constant 0 : i32
    %dma_wait3A_867 = tpu.memref_slice %arg4[%dma_wait3A_865, %dma_wait3A_866] : memref<100000x64xf32, #tpu.memory_space<hbm>> -> memref<100000x64xf32, #tpu.memory_space<hbm>>
    tpu.wait_indirect_dma semaphore(%arg10 : memref<!tpu.dma_semaphore, #tpu.memory_space<semaphore_mem>>) src(%dma_wait3A_867 : memref<100000x64xf32, #tpu.memory_space<hbm>>) dst(%dma_wait3A_862 : memref<128x64xf32, #tpu.memory_space<vmem>>)
    %dma_wait3A_868 = arith.constant 1 : i32
    %dma_wait3A_869 = arith.constant 384 : i32
    %dma_wait3A_870 = arith.constant 0 : i32
    %dma_wait3A_871 = tpu.memref_slice %arg8[%dma_wait3A_868, %dma_wait3A_869, %dma_wait3A_870] : memref<2x640x64xf32, #tpu.memory_space<vmem>> -> memref<1x128x64xf32, #tpu.memory_space<vmem>>
    %dma_wait3A_872 = tpu.memref_squeeze %dma_wait3A_871 : memref<1x128x64xf32, #tpu.memory_space<vmem>> -> memref<128x64xf32, #tpu.memory_space<vmem>>
    %dma_wait3A_873 = arith.constant 2304 : i32
    %dma_wait3A_874 = tpu.memref_slice %arg7[%dma_wait3A_873] : memref<3328xi32, #tpu.memory_space<vmem>> -> memref<128xi32, #tpu.memory_space<vmem>>
    %dma_wait3A_875 = arith.constant 0 : i32
    %dma_wait3A_876 = arith.constant 0 : i32
    %dma_wait3A_877 = tpu.memref_slice %arg4[%dma_wait3A_875, %dma_wait3A_876] : memref<100000x64xf32, #tpu.memory_space<hbm>> -> memref<100000x64xf32, #tpu.memory_space<hbm>>
    tpu.wait_indirect_dma semaphore(%arg10 : memref<!tpu.dma_semaphore, #tpu.memory_space<semaphore_mem>>) src(%dma_wait3A_877 : memref<100000x64xf32, #tpu.memory_space<hbm>>) dst(%dma_wait3A_872 : memref<128x64xf32, #tpu.memory_space<vmem>>)
    %dma_wait3A_878 = arith.constant 1 : i32
    %dma_wait3A_879 = arith.constant 512 : i32
    %dma_wait3A_880 = arith.constant 0 : i32
    %dma_wait3A_881 = tpu.memref_slice %arg8[%dma_wait3A_878, %dma_wait3A_879, %dma_wait3A_880] : memref<2x640x64xf32, #tpu.memory_space<vmem>> -> memref<1x128x64xf32, #tpu.memory_space<vmem>>
    %dma_wait3A_882 = tpu.memref_squeeze %dma_wait3A_881 : memref<1x128x64xf32, #tpu.memory_space<vmem>> -> memref<128x64xf32, #tpu.memory_space<vmem>>
    %dma_wait3A_883 = arith.constant 2432 : i32
    %dma_wait3A_884 = tpu.memref_slice %arg7[%dma_wait3A_883] : memref<3328xi32, #tpu.memory_space<vmem>> -> memref<128xi32, #tpu.memory_space<vmem>>
    %dma_wait3A_885 = arith.constant 0 : i32
    %dma_wait3A_886 = arith.constant 0 : i32
    %dma_wait3A_887 = tpu.memref_slice %arg4[%dma_wait3A_885, %dma_wait3A_886] : memref<100000x64xf32, #tpu.memory_space<hbm>> -> memref<100000x64xf32, #tpu.memory_space<hbm>>
    tpu.wait_indirect_dma semaphore(%arg10 : memref<!tpu.dma_semaphore, #tpu.memory_space<semaphore_mem>>) src(%dma_wait3A_887 : memref<100000x64xf32, #tpu.memory_space<hbm>>) dst(%dma_wait3A_882 : memref<128x64xf32, #tpu.memory_space<vmem>>)
    %add3A_888 = arith.constant 1920 : i32
    %add3A_889 = arith.addi %mul3A_2, %add3A_888 : i32
    %dma_start3A_890 = arith.constant 1 : i32
    %dma_start3A_891 = arith.constant 0 : i32
    %dma_start3A_892 = arith.constant 0 : i32
    %dma_start3A_893 = tpu.memref_slice %arg8[%dma_start3A_890, %dma_start3A_891, %dma_start3A_892] : memref<2x640x64xf32, #tpu.memory_space<vmem>> -> memref<1x640x64xf32, #tpu.memory_space<vmem>>
    %dma_start3A_894 = tpu.memref_squeeze %dma_start3A_893 : memref<1x640x64xf32, #tpu.memory_space<vmem>> -> memref<640x64xf32, #tpu.memory_space<vmem>>
    %dma_start3A_895 = arith.constant 0 : i32
    %dma_start3A_896 = tpu.memref_slice %arg5[%add3A_889, %dma_start3A_895] : memref<106496x64xf32, #tpu.memory_space<hbm>> -> memref<640x64xf32, #tpu.memory_space<hbm>>
    %dma_start3A_897 = arith.constant 0 : i32
    %dma_start3A_898 = tpu.memref_slice %arg5[%add3A_889, %dma_start3A_897] : memref<106496x64xf32, #tpu.memory_space<hbm>> -> memref<640x64xf32, #tpu.memory_space<hbm>>
    %dma_start3A_899 = arith.constant 0 : i32
    %dma_start3A_900 = arith.constant 0 : i32
    %dma_start3A_901 = tpu.memref_slice %arg8[%dma_start3A_890, %dma_start3A_899, %dma_start3A_900] : memref<2x640x64xf32, #tpu.memory_space<vmem>> -> memref<1x640x64xf32, #tpu.memory_space<vmem>>
    %dma_start3A_902 = tpu.memref_squeeze %dma_start3A_901 : memref<1x640x64xf32, #tpu.memory_space<vmem>> -> memref<640x64xf32, #tpu.memory_space<vmem>>
    tpu.enqueue_dma source(%dma_start3A_902 : memref<640x64xf32, #tpu.memory_space<vmem>>) target(%dma_start3A_898 : memref<640x64xf32, #tpu.memory_space<hbm>>) target_semaphore(%arg11 : memref<!tpu.dma_semaphore, #tpu.memory_space<semaphore_mem>>)
    %dma_wait3A_903 = arith.constant 0 : i32
    %dma_wait3A_904 = arith.constant 0 : i32
    %dma_wait3A_905 = arith.constant 0 : i32
    %dma_wait3A_906 = tpu.memref_slice %arg8[%dma_wait3A_903, %dma_wait3A_904, %dma_wait3A_905] : memref<2x640x64xf32, #tpu.memory_space<vmem>> -> memref<1x640x64xf32, #tpu.memory_space<vmem>>
    %dma_wait3A_907 = tpu.memref_squeeze %dma_wait3A_906 : memref<1x640x64xf32, #tpu.memory_space<vmem>> -> memref<640x64xf32, #tpu.memory_space<vmem>>
    %dma_wait3A_908 = arith.constant 0 : i32
    %dma_wait3A_909 = tpu.memref_slice %arg5[%add3A_761, %dma_wait3A_908] : memref<106496x64xf32, #tpu.memory_space<hbm>> -> memref<640x64xf32, #tpu.memory_space<hbm>>
    %dma_wait3A_910 = arith.constant 0 : i32
    %dma_wait3A_911 = tpu.memref_slice %arg5[%add3A_761, %dma_wait3A_910] : memref<106496x64xf32, #tpu.memory_space<hbm>> -> memref<640x64xf32, #tpu.memory_space<hbm>>
    %dma_wait3A_912 = arith.constant 0 : i32
    %dma_wait3A_913 = arith.constant 0 : i32
    %dma_wait3A_914 = tpu.memref_slice %arg8[%dma_wait3A_903, %dma_wait3A_912, %dma_wait3A_913] : memref<2x640x64xf32, #tpu.memory_space<vmem>> -> memref<1x640x64xf32, #tpu.memory_space<vmem>>
    %dma_wait3A_915 = tpu.memref_squeeze %dma_wait3A_914 : memref<1x640x64xf32, #tpu.memory_space<vmem>> -> memref<640x64xf32, #tpu.memory_space<vmem>>
    tpu.wait_dma2 semaphore(%arg11 : memref<!tpu.dma_semaphore, #tpu.memory_space<semaphore_mem>>) src(%dma_wait3A_915 : memref<640x64xf32, #tpu.memory_space<vmem>>) dst(%dma_wait3A_911 : memref<640x64xf32, #tpu.memory_space<hbm>>)
    %dma_start3A_916 = arith.constant 0 : i32
    %dma_start3A_917 = arith.constant 0 : i32
    %dma_start3A_918 = arith.constant 0 : i32
    %dma_start3A_919 = tpu.memref_slice %arg8[%dma_start3A_916, %dma_start3A_917, %dma_start3A_918] : memref<2x640x64xf32, #tpu.memory_space<vmem>> -> memref<1x128x64xf32, #tpu.memory_space<vmem>>
    %dma_start3A_920 = tpu.memref_squeeze %dma_start3A_919 : memref<1x128x64xf32, #tpu.memory_space<vmem>> -> memref<128x64xf32, #tpu.memory_space<vmem>>
    %dma_start3A_921 = arith.constant 2560 : i32
    %dma_start3A_922 = tpu.memref_slice %arg7[%dma_start3A_921] : memref<3328xi32, #tpu.memory_space<vmem>> -> memref<128xi32, #tpu.memory_space<vmem>>
    %dma_start3A_923 = arith.constant 0 : i32
    %dma_start3A_924 = arith.constant 0 : i32
    %dma_start3A_925 = tpu.memref_slice %arg4[%dma_start3A_923, %dma_start3A_924] : memref<100000x64xf32, #tpu.memory_space<hbm>> -> memref<100000x64xf32, #tpu.memory_space<hbm>>
    tpu.enqueue_indirect_dma source(%dma_start3A_925 : memref<100000x64xf32, #tpu.memory_space<hbm>>) target(%dma_start3A_920 : memref<128x64xf32, #tpu.memory_space<vmem>>) offsets(%dma_start3A_922 : memref<128xi32, #tpu.memory_space<vmem>>) semaphore(%arg10 : memref<!tpu.dma_semaphore, #tpu.memory_space<semaphore_mem>>)
    %dma_start3A_926 = arith.constant 0 : i32
    %dma_start3A_927 = arith.constant 128 : i32
    %dma_start3A_928 = arith.constant 0 : i32
    %dma_start3A_929 = tpu.memref_slice %arg8[%dma_start3A_926, %dma_start3A_927, %dma_start3A_928] : memref<2x640x64xf32, #tpu.memory_space<vmem>> -> memref<1x128x64xf32, #tpu.memory_space<vmem>>
    %dma_start3A_930 = tpu.memref_squeeze %dma_start3A_929 : memref<1x128x64xf32, #tpu.memory_space<vmem>> -> memref<128x64xf32, #tpu.memory_space<vmem>>
    %dma_start3A_931 = arith.constant 2688 : i32
    %dma_start3A_932 = tpu.memref_slice %arg7[%dma_start3A_931] : memref<3328xi32, #tpu.memory_space<vmem>> -> memref<128xi32, #tpu.memory_space<vmem>>
    %dma_start3A_933 = arith.constant 0 : i32
    %dma_start3A_934 = arith.constant 0 : i32
    %dma_start3A_935 = tpu.memref_slice %arg4[%dma_start3A_933, %dma_start3A_934] : memref<100000x64xf32, #tpu.memory_space<hbm>> -> memref<100000x64xf32, #tpu.memory_space<hbm>>
    tpu.enqueue_indirect_dma source(%dma_start3A_935 : memref<100000x64xf32, #tpu.memory_space<hbm>>) target(%dma_start3A_930 : memref<128x64xf32, #tpu.memory_space<vmem>>) offsets(%dma_start3A_932 : memref<128xi32, #tpu.memory_space<vmem>>) semaphore(%arg10 : memref<!tpu.dma_semaphore, #tpu.memory_space<semaphore_mem>>)
    %dma_start3A_936 = arith.constant 0 : i32
    %dma_start3A_937 = arith.constant 256 : i32
    %dma_start3A_938 = arith.constant 0 : i32
    %dma_start3A_939 = tpu.memref_slice %arg8[%dma_start3A_936, %dma_start3A_937, %dma_start3A_938] : memref<2x640x64xf32, #tpu.memory_space<vmem>> -> memref<1x128x64xf32, #tpu.memory_space<vmem>>
    %dma_start3A_940 = tpu.memref_squeeze %dma_start3A_939 : memref<1x128x64xf32, #tpu.memory_space<vmem>> -> memref<128x64xf32, #tpu.memory_space<vmem>>
    %dma_start3A_941 = arith.constant 2816 : i32
    %dma_start3A_942 = tpu.memref_slice %arg7[%dma_start3A_941] : memref<3328xi32, #tpu.memory_space<vmem>> -> memref<128xi32, #tpu.memory_space<vmem>>
    %dma_start3A_943 = arith.constant 0 : i32
    %dma_start3A_944 = arith.constant 0 : i32
    %dma_start3A_945 = tpu.memref_slice %arg4[%dma_start3A_943, %dma_start3A_944] : memref<100000x64xf32, #tpu.memory_space<hbm>> -> memref<100000x64xf32, #tpu.memory_space<hbm>>
    tpu.enqueue_indirect_dma source(%dma_start3A_945 : memref<100000x64xf32, #tpu.memory_space<hbm>>) target(%dma_start3A_940 : memref<128x64xf32, #tpu.memory_space<vmem>>) offsets(%dma_start3A_942 : memref<128xi32, #tpu.memory_space<vmem>>) semaphore(%arg10 : memref<!tpu.dma_semaphore, #tpu.memory_space<semaphore_mem>>)
    %dma_start3A_946 = arith.constant 0 : i32
    %dma_start3A_947 = arith.constant 384 : i32
    %dma_start3A_948 = arith.constant 0 : i32
    %dma_start3A_949 = tpu.memref_slice %arg8[%dma_start3A_946, %dma_start3A_947, %dma_start3A_948] : memref<2x640x64xf32, #tpu.memory_space<vmem>> -> memref<1x128x64xf32, #tpu.memory_space<vmem>>
    %dma_start3A_950 = tpu.memref_squeeze %dma_start3A_949 : memref<1x128x64xf32, #tpu.memory_space<vmem>> -> memref<128x64xf32, #tpu.memory_space<vmem>>
    %dma_start3A_951 = arith.constant 2944 : i32
    %dma_start3A_952 = tpu.memref_slice %arg7[%dma_start3A_951] : memref<3328xi32, #tpu.memory_space<vmem>> -> memref<128xi32, #tpu.memory_space<vmem>>
    %dma_start3A_953 = arith.constant 0 : i32
    %dma_start3A_954 = arith.constant 0 : i32
    %dma_start3A_955 = tpu.memref_slice %arg4[%dma_start3A_953, %dma_start3A_954] : memref<100000x64xf32, #tpu.memory_space<hbm>> -> memref<100000x64xf32, #tpu.memory_space<hbm>>
    tpu.enqueue_indirect_dma source(%dma_start3A_955 : memref<100000x64xf32, #tpu.memory_space<hbm>>) target(%dma_start3A_950 : memref<128x64xf32, #tpu.memory_space<vmem>>) offsets(%dma_start3A_952 : memref<128xi32, #tpu.memory_space<vmem>>) semaphore(%arg10 : memref<!tpu.dma_semaphore, #tpu.memory_space<semaphore_mem>>)
    %dma_start3A_956 = arith.constant 0 : i32
    %dma_start3A_957 = arith.constant 512 : i32
    %dma_start3A_958 = arith.constant 0 : i32
    %dma_start3A_959 = tpu.memref_slice %arg8[%dma_start3A_956, %dma_start3A_957, %dma_start3A_958] : memref<2x640x64xf32, #tpu.memory_space<vmem>> -> memref<1x128x64xf32, #tpu.memory_space<vmem>>
    %dma_start3A_960 = tpu.memref_squeeze %dma_start3A_959 : memref<1x128x64xf32, #tpu.memory_space<vmem>> -> memref<128x64xf32, #tpu.memory_space<vmem>>
    %dma_start3A_961 = arith.constant 3072 : i32
    %dma_start3A_962 = tpu.memref_slice %arg7[%dma_start3A_961] : memref<3328xi32, #tpu.memory_space<vmem>> -> memref<128xi32, #tpu.memory_space<vmem>>
    %dma_start3A_963 = arith.constant 0 : i32
    %dma_start3A_964 = arith.constant 0 : i32
    %dma_start3A_965 = tpu.memref_slice %arg4[%dma_start3A_963, %dma_start3A_964] : memref<100000x64xf32, #tpu.memory_space<hbm>> -> memref<100000x64xf32, #tpu.memory_space<hbm>>
    tpu.enqueue_indirect_dma source(%dma_start3A_965 : memref<100000x64xf32, #tpu.memory_space<hbm>>) target(%dma_start3A_960 : memref<128x64xf32, #tpu.memory_space<vmem>>) offsets(%dma_start3A_962 : memref<128xi32, #tpu.memory_space<vmem>>) semaphore(%arg10 : memref<!tpu.dma_semaphore, #tpu.memory_space<semaphore_mem>>)
    %dma_wait3A_966 = arith.constant 0 : i32
    %dma_wait3A_967 = arith.constant 0 : i32
    %dma_wait3A_968 = arith.constant 0 : i32
    %dma_wait3A_969 = tpu.memref_slice %arg8[%dma_wait3A_966, %dma_wait3A_967, %dma_wait3A_968] : memref<2x640x64xf32, #tpu.memory_space<vmem>> -> memref<1x128x64xf32, #tpu.memory_space<vmem>>
    %dma_wait3A_970 = tpu.memref_squeeze %dma_wait3A_969 : memref<1x128x64xf32, #tpu.memory_space<vmem>> -> memref<128x64xf32, #tpu.memory_space<vmem>>
    %dma_wait3A_971 = arith.constant 2560 : i32
    %dma_wait3A_972 = tpu.memref_slice %arg7[%dma_wait3A_971] : memref<3328xi32, #tpu.memory_space<vmem>> -> memref<128xi32, #tpu.memory_space<vmem>>
    %dma_wait3A_973 = arith.constant 0 : i32
    %dma_wait3A_974 = arith.constant 0 : i32
    %dma_wait3A_975 = tpu.memref_slice %arg4[%dma_wait3A_973, %dma_wait3A_974] : memref<100000x64xf32, #tpu.memory_space<hbm>> -> memref<100000x64xf32, #tpu.memory_space<hbm>>
    tpu.wait_indirect_dma semaphore(%arg10 : memref<!tpu.dma_semaphore, #tpu.memory_space<semaphore_mem>>) src(%dma_wait3A_975 : memref<100000x64xf32, #tpu.memory_space<hbm>>) dst(%dma_wait3A_970 : memref<128x64xf32, #tpu.memory_space<vmem>>)
    %dma_wait3A_976 = arith.constant 0 : i32
    %dma_wait3A_977 = arith.constant 128 : i32
    %dma_wait3A_978 = arith.constant 0 : i32
    %dma_wait3A_979 = tpu.memref_slice %arg8[%dma_wait3A_976, %dma_wait3A_977, %dma_wait3A_978] : memref<2x640x64xf32, #tpu.memory_space<vmem>> -> memref<1x128x64xf32, #tpu.memory_space<vmem>>
    %dma_wait3A_980 = tpu.memref_squeeze %dma_wait3A_979 : memref<1x128x64xf32, #tpu.memory_space<vmem>> -> memref<128x64xf32, #tpu.memory_space<vmem>>
    %dma_wait3A_981 = arith.constant 2688 : i32
    %dma_wait3A_982 = tpu.memref_slice %arg7[%dma_wait3A_981] : memref<3328xi32, #tpu.memory_space<vmem>> -> memref<128xi32, #tpu.memory_space<vmem>>
    %dma_wait3A_983 = arith.constant 0 : i32
    %dma_wait3A_984 = arith.constant 0 : i32
    %dma_wait3A_985 = tpu.memref_slice %arg4[%dma_wait3A_983, %dma_wait3A_984] : memref<100000x64xf32, #tpu.memory_space<hbm>> -> memref<100000x64xf32, #tpu.memory_space<hbm>>
    tpu.wait_indirect_dma semaphore(%arg10 : memref<!tpu.dma_semaphore, #tpu.memory_space<semaphore_mem>>) src(%dma_wait3A_985 : memref<100000x64xf32, #tpu.memory_space<hbm>>) dst(%dma_wait3A_980 : memref<128x64xf32, #tpu.memory_space<vmem>>)
    %dma_wait3A_986 = arith.constant 0 : i32
    %dma_wait3A_987 = arith.constant 256 : i32
    %dma_wait3A_988 = arith.constant 0 : i32
    %dma_wait3A_989 = tpu.memref_slice %arg8[%dma_wait3A_986, %dma_wait3A_987, %dma_wait3A_988] : memref<2x640x64xf32, #tpu.memory_space<vmem>> -> memref<1x128x64xf32, #tpu.memory_space<vmem>>
    %dma_wait3A_990 = tpu.memref_squeeze %dma_wait3A_989 : memref<1x128x64xf32, #tpu.memory_space<vmem>> -> memref<128x64xf32, #tpu.memory_space<vmem>>
    %dma_wait3A_991 = arith.constant 2816 : i32
    %dma_wait3A_992 = tpu.memref_slice %arg7[%dma_wait3A_991] : memref<3328xi32, #tpu.memory_space<vmem>> -> memref<128xi32, #tpu.memory_space<vmem>>
    %dma_wait3A_993 = arith.constant 0 : i32
    %dma_wait3A_994 = arith.constant 0 : i32
    %dma_wait3A_995 = tpu.memref_slice %arg4[%dma_wait3A_993, %dma_wait3A_994] : memref<100000x64xf32, #tpu.memory_space<hbm>> -> memref<100000x64xf32, #tpu.memory_space<hbm>>
    tpu.wait_indirect_dma semaphore(%arg10 : memref<!tpu.dma_semaphore, #tpu.memory_space<semaphore_mem>>) src(%dma_wait3A_995 : memref<100000x64xf32, #tpu.memory_space<hbm>>) dst(%dma_wait3A_990 : memref<128x64xf32, #tpu.memory_space<vmem>>)
    %dma_wait3A_996 = arith.constant 0 : i32
    %dma_wait3A_997 = arith.constant 384 : i32
    %dma_wait3A_998 = arith.constant 0 : i32
    %dma_wait3A_999 = tpu.memref_slice %arg8[%dma_wait3A_996, %dma_wait3A_997, %dma_wait3A_998] : memref<2x640x64xf32, #tpu.memory_space<vmem>> -> memref<1x128x64xf32, #tpu.memory_space<vmem>>
    %dma_wait3A_1000 = tpu.memref_squeeze %dma_wait3A_999 : memref<1x128x64xf32, #tpu.memory_space<vmem>> -> memref<128x64xf32, #tpu.memory_space<vmem>>
    %dma_wait3A_1001 = arith.constant 2944 : i32
    %dma_wait3A_1002 = tpu.memref_slice %arg7[%dma_wait3A_1001] : memref<3328xi32, #tpu.memory_space<vmem>> -> memref<128xi32, #tpu.memory_space<vmem>>
    %dma_wait3A_1003 = arith.constant 0 : i32
    %dma_wait3A_1004 = arith.constant 0 : i32
    %dma_wait3A_1005 = tpu.memref_slice %arg4[%dma_wait3A_1003, %dma_wait3A_1004] : memref<100000x64xf32, #tpu.memory_space<hbm>> -> memref<100000x64xf32, #tpu.memory_space<hbm>>
    tpu.wait_indirect_dma semaphore(%arg10 : memref<!tpu.dma_semaphore, #tpu.memory_space<semaphore_mem>>) src(%dma_wait3A_1005 : memref<100000x64xf32, #tpu.memory_space<hbm>>) dst(%dma_wait3A_1000 : memref<128x64xf32, #tpu.memory_space<vmem>>)
    %dma_wait3A_1006 = arith.constant 0 : i32
    %dma_wait3A_1007 = arith.constant 512 : i32
    %dma_wait3A_1008 = arith.constant 0 : i32
    %dma_wait3A_1009 = tpu.memref_slice %arg8[%dma_wait3A_1006, %dma_wait3A_1007, %dma_wait3A_1008] : memref<2x640x64xf32, #tpu.memory_space<vmem>> -> memref<1x128x64xf32, #tpu.memory_space<vmem>>
    %dma_wait3A_1010 = tpu.memref_squeeze %dma_wait3A_1009 : memref<1x128x64xf32, #tpu.memory_space<vmem>> -> memref<128x64xf32, #tpu.memory_space<vmem>>
    %dma_wait3A_1011 = arith.constant 3072 : i32
    %dma_wait3A_1012 = tpu.memref_slice %arg7[%dma_wait3A_1011] : memref<3328xi32, #tpu.memory_space<vmem>> -> memref<128xi32, #tpu.memory_space<vmem>>
    %dma_wait3A_1013 = arith.constant 0 : i32
    %dma_wait3A_1014 = arith.constant 0 : i32
    %dma_wait3A_1015 = tpu.memref_slice %arg4[%dma_wait3A_1013, %dma_wait3A_1014] : memref<100000x64xf32, #tpu.memory_space<hbm>> -> memref<100000x64xf32, #tpu.memory_space<hbm>>
    tpu.wait_indirect_dma semaphore(%arg10 : memref<!tpu.dma_semaphore, #tpu.memory_space<semaphore_mem>>) src(%dma_wait3A_1015 : memref<100000x64xf32, #tpu.memory_space<hbm>>) dst(%dma_wait3A_1010 : memref<128x64xf32, #tpu.memory_space<vmem>>)
    %add3A_1016 = arith.constant 2560 : i32
    %add3A_1017 = arith.addi %mul3A_2, %add3A_1016 : i32
    %dma_start3A_1018 = arith.constant 0 : i32
    %dma_start3A_1019 = arith.constant 0 : i32
    %dma_start3A_1020 = arith.constant 0 : i32
    %dma_start3A_1021 = tpu.memref_slice %arg8[%dma_start3A_1018, %dma_start3A_1019, %dma_start3A_1020] : memref<2x640x64xf32, #tpu.memory_space<vmem>> -> memref<1x640x64xf32, #tpu.memory_space<vmem>>
    %dma_start3A_1022 = tpu.memref_squeeze %dma_start3A_1021 : memref<1x640x64xf32, #tpu.memory_space<vmem>> -> memref<640x64xf32, #tpu.memory_space<vmem>>
    %dma_start3A_1023 = arith.constant 0 : i32
    %dma_start3A_1024 = tpu.memref_slice %arg5[%add3A_1017, %dma_start3A_1023] : memref<106496x64xf32, #tpu.memory_space<hbm>> -> memref<640x64xf32, #tpu.memory_space<hbm>>
    %dma_start3A_1025 = arith.constant 0 : i32
    %dma_start3A_1026 = tpu.memref_slice %arg5[%add3A_1017, %dma_start3A_1025] : memref<106496x64xf32, #tpu.memory_space<hbm>> -> memref<640x64xf32, #tpu.memory_space<hbm>>
    %dma_start3A_1027 = arith.constant 0 : i32
    %dma_start3A_1028 = arith.constant 0 : i32
    %dma_start3A_1029 = tpu.memref_slice %arg8[%dma_start3A_1018, %dma_start3A_1027, %dma_start3A_1028] : memref<2x640x64xf32, #tpu.memory_space<vmem>> -> memref<1x640x64xf32, #tpu.memory_space<vmem>>
    %dma_start3A_1030 = tpu.memref_squeeze %dma_start3A_1029 : memref<1x640x64xf32, #tpu.memory_space<vmem>> -> memref<640x64xf32, #tpu.memory_space<vmem>>
    tpu.enqueue_dma source(%dma_start3A_1030 : memref<640x64xf32, #tpu.memory_space<vmem>>) target(%dma_start3A_1026 : memref<640x64xf32, #tpu.memory_space<hbm>>) target_semaphore(%arg11 : memref<!tpu.dma_semaphore, #tpu.memory_space<semaphore_mem>>)
    %dma_wait3A_1031 = arith.constant 1 : i32
    %dma_wait3A_1032 = arith.constant 0 : i32
    %dma_wait3A_1033 = arith.constant 0 : i32
    %dma_wait3A_1034 = tpu.memref_slice %arg8[%dma_wait3A_1031, %dma_wait3A_1032, %dma_wait3A_1033] : memref<2x640x64xf32, #tpu.memory_space<vmem>> -> memref<1x640x64xf32, #tpu.memory_space<vmem>>
    %dma_wait3A_1035 = tpu.memref_squeeze %dma_wait3A_1034 : memref<1x640x64xf32, #tpu.memory_space<vmem>> -> memref<640x64xf32, #tpu.memory_space<vmem>>
    %dma_wait3A_1036 = arith.constant 0 : i32
    %dma_wait3A_1037 = tpu.memref_slice %arg5[%add3A_889, %dma_wait3A_1036] : memref<106496x64xf32, #tpu.memory_space<hbm>> -> memref<640x64xf32, #tpu.memory_space<hbm>>
    %dma_wait3A_1038 = arith.constant 0 : i32
    %dma_wait3A_1039 = tpu.memref_slice %arg5[%add3A_889, %dma_wait3A_1038] : memref<106496x64xf32, #tpu.memory_space<hbm>> -> memref<640x64xf32, #tpu.memory_space<hbm>>
    %dma_wait3A_1040 = arith.constant 0 : i32
    %dma_wait3A_1041 = arith.constant 0 : i32
    %dma_wait3A_1042 = tpu.memref_slice %arg8[%dma_wait3A_1031, %dma_wait3A_1040, %dma_wait3A_1041] : memref<2x640x64xf32, #tpu.memory_space<vmem>> -> memref<1x640x64xf32, #tpu.memory_space<vmem>>
    %dma_wait3A_1043 = tpu.memref_squeeze %dma_wait3A_1042 : memref<1x640x64xf32, #tpu.memory_space<vmem>> -> memref<640x64xf32, #tpu.memory_space<vmem>>
    tpu.wait_dma2 semaphore(%arg11 : memref<!tpu.dma_semaphore, #tpu.memory_space<semaphore_mem>>) src(%dma_wait3A_1043 : memref<640x64xf32, #tpu.memory_space<vmem>>) dst(%dma_wait3A_1039 : memref<640x64xf32, #tpu.memory_space<hbm>>)
    %dma_start3A_1044 = arith.constant 1 : i32
    %dma_start3A_1045 = arith.constant 0 : i32
    %dma_start3A_1046 = arith.constant 0 : i32
    %dma_start3A_1047 = tpu.memref_slice %arg8[%dma_start3A_1044, %dma_start3A_1045, %dma_start3A_1046] : memref<2x640x64xf32, #tpu.memory_space<vmem>> -> memref<1x128x64xf32, #tpu.memory_space<vmem>>
    %dma_start3A_1048 = tpu.memref_squeeze %dma_start3A_1047 : memref<1x128x64xf32, #tpu.memory_space<vmem>> -> memref<128x64xf32, #tpu.memory_space<vmem>>
    %dma_start3A_1049 = arith.constant 3200 : i32
    %dma_start3A_1050 = tpu.memref_slice %arg7[%dma_start3A_1049] : memref<3328xi32, #tpu.memory_space<vmem>> -> memref<128xi32, #tpu.memory_space<vmem>>
    %dma_start3A_1051 = arith.constant 0 : i32
    %dma_start3A_1052 = arith.constant 0 : i32
    %dma_start3A_1053 = tpu.memref_slice %arg4[%dma_start3A_1051, %dma_start3A_1052] : memref<100000x64xf32, #tpu.memory_space<hbm>> -> memref<100000x64xf32, #tpu.memory_space<hbm>>
    tpu.enqueue_indirect_dma source(%dma_start3A_1053 : memref<100000x64xf32, #tpu.memory_space<hbm>>) target(%dma_start3A_1048 : memref<128x64xf32, #tpu.memory_space<vmem>>) offsets(%dma_start3A_1050 : memref<128xi32, #tpu.memory_space<vmem>>) semaphore(%arg10 : memref<!tpu.dma_semaphore, #tpu.memory_space<semaphore_mem>>)
    %dma_wait3A_1054 = arith.constant 1 : i32
    %dma_wait3A_1055 = arith.constant 0 : i32
    %dma_wait3A_1056 = arith.constant 0 : i32
    %dma_wait3A_1057 = tpu.memref_slice %arg8[%dma_wait3A_1054, %dma_wait3A_1055, %dma_wait3A_1056] : memref<2x640x64xf32, #tpu.memory_space<vmem>> -> memref<1x128x64xf32, #tpu.memory_space<vmem>>
    %dma_wait3A_1058 = tpu.memref_squeeze %dma_wait3A_1057 : memref<1x128x64xf32, #tpu.memory_space<vmem>> -> memref<128x64xf32, #tpu.memory_space<vmem>>
    %dma_wait3A_1059 = arith.constant 3200 : i32
    %dma_wait3A_1060 = tpu.memref_slice %arg7[%dma_wait3A_1059] : memref<3328xi32, #tpu.memory_space<vmem>> -> memref<128xi32, #tpu.memory_space<vmem>>
    %dma_wait3A_1061 = arith.constant 0 : i32
    %dma_wait3A_1062 = arith.constant 0 : i32
    %dma_wait3A_1063 = tpu.memref_slice %arg4[%dma_wait3A_1061, %dma_wait3A_1062] : memref<100000x64xf32, #tpu.memory_space<hbm>> -> memref<100000x64xf32, #tpu.memory_space<hbm>>
    tpu.wait_indirect_dma semaphore(%arg10 : memref<!tpu.dma_semaphore, #tpu.memory_space<semaphore_mem>>) src(%dma_wait3A_1063 : memref<100000x64xf32, #tpu.memory_space<hbm>>) dst(%dma_wait3A_1058 : memref<128x64xf32, #tpu.memory_space<vmem>>)
    %add3A_1064 = arith.constant 3200 : i32
    %add3A_1065 = arith.addi %mul3A_2, %add3A_1064 : i32
    %dma_start3A_1066 = arith.constant 1 : i32
    %dma_start3A_1067 = arith.constant 0 : i32
    %dma_start3A_1068 = arith.constant 0 : i32
    %dma_start3A_1069 = tpu.memref_slice %arg8[%dma_start3A_1066, %dma_start3A_1067, %dma_start3A_1068] : memref<2x640x64xf32, #tpu.memory_space<vmem>> -> memref<1x128x64xf32, #tpu.memory_space<vmem>>
    %dma_start3A_1070 = tpu.memref_squeeze %dma_start3A_1069 : memref<1x128x64xf32, #tpu.memory_space<vmem>> -> memref<128x64xf32, #tpu.memory_space<vmem>>
    %dma_start3A_1071 = arith.constant 0 : i32
    %dma_start3A_1072 = tpu.memref_slice %arg5[%add3A_1065, %dma_start3A_1071] : memref<106496x64xf32, #tpu.memory_space<hbm>> -> memref<128x64xf32, #tpu.memory_space<hbm>>
    %dma_start3A_1073 = arith.constant 0 : i32
    %dma_start3A_1074 = tpu.memref_slice %arg5[%add3A_1065, %dma_start3A_1073] : memref<106496x64xf32, #tpu.memory_space<hbm>> -> memref<128x64xf32, #tpu.memory_space<hbm>>
    %dma_start3A_1075 = arith.constant 0 : i32
    %dma_start3A_1076 = arith.constant 0 : i32
    %dma_start3A_1077 = tpu.memref_slice %arg8[%dma_start3A_1066, %dma_start3A_1075, %dma_start3A_1076] : memref<2x640x64xf32, #tpu.memory_space<vmem>> -> memref<1x128x64xf32, #tpu.memory_space<vmem>>
    %dma_start3A_1078 = tpu.memref_squeeze %dma_start3A_1077 : memref<1x128x64xf32, #tpu.memory_space<vmem>> -> memref<128x64xf32, #tpu.memory_space<vmem>>
    tpu.enqueue_dma source(%dma_start3A_1078 : memref<128x64xf32, #tpu.memory_space<vmem>>) target(%dma_start3A_1074 : memref<128x64xf32, #tpu.memory_space<hbm>>) target_semaphore(%arg11 : memref<!tpu.dma_semaphore, #tpu.memory_space<semaphore_mem>>)
    %dma_wait3A_1079 = arith.constant 0 : i32
    %dma_wait3A_1080 = arith.constant 0 : i32
    %dma_wait3A_1081 = arith.constant 0 : i32
    %dma_wait3A_1082 = tpu.memref_slice %arg8[%dma_wait3A_1079, %dma_wait3A_1080, %dma_wait3A_1081] : memref<2x640x64xf32, #tpu.memory_space<vmem>> -> memref<1x640x64xf32, #tpu.memory_space<vmem>>
    %dma_wait3A_1083 = tpu.memref_squeeze %dma_wait3A_1082 : memref<1x640x64xf32, #tpu.memory_space<vmem>> -> memref<640x64xf32, #tpu.memory_space<vmem>>
    %dma_wait3A_1084 = arith.constant 0 : i32
    %dma_wait3A_1085 = tpu.memref_slice %arg5[%add3A_1017, %dma_wait3A_1084] : memref<106496x64xf32, #tpu.memory_space<hbm>> -> memref<640x64xf32, #tpu.memory_space<hbm>>
    %dma_wait3A_1086 = arith.constant 0 : i32
    %dma_wait3A_1087 = tpu.memref_slice %arg5[%add3A_1017, %dma_wait3A_1086] : memref<106496x64xf32, #tpu.memory_space<hbm>> -> memref<640x64xf32, #tpu.memory_space<hbm>>
    %dma_wait3A_1088 = arith.constant 0 : i32
    %dma_wait3A_1089 = arith.constant 0 : i32
    %dma_wait3A_1090 = tpu.memref_slice %arg8[%dma_wait3A_1079, %dma_wait3A_1088, %dma_wait3A_1089] : memref<2x640x64xf32, #tpu.memory_space<vmem>> -> memref<1x640x64xf32, #tpu.memory_space<vmem>>
    %dma_wait3A_1091 = tpu.memref_squeeze %dma_wait3A_1090 : memref<1x640x64xf32, #tpu.memory_space<vmem>> -> memref<640x64xf32, #tpu.memory_space<vmem>>
    tpu.wait_dma2 semaphore(%arg11 : memref<!tpu.dma_semaphore, #tpu.memory_space<semaphore_mem>>) src(%dma_wait3A_1091 : memref<640x64xf32, #tpu.memory_space<vmem>>) dst(%dma_wait3A_1087 : memref<640x64xf32, #tpu.memory_space<hbm>>)
    %dma_wait3A_1092 = arith.constant 1 : i32
    %dma_wait3A_1093 = arith.constant 0 : i32
    %dma_wait3A_1094 = arith.constant 0 : i32
    %dma_wait3A_1095 = tpu.memref_slice %arg8[%dma_wait3A_1092, %dma_wait3A_1093, %dma_wait3A_1094] : memref<2x640x64xf32, #tpu.memory_space<vmem>> -> memref<1x128x64xf32, #tpu.memory_space<vmem>>
    %dma_wait3A_1096 = tpu.memref_squeeze %dma_wait3A_1095 : memref<1x128x64xf32, #tpu.memory_space<vmem>> -> memref<128x64xf32, #tpu.memory_space<vmem>>
    %dma_wait3A_1097 = arith.constant 0 : i32
    %dma_wait3A_1098 = tpu.memref_slice %arg5[%add3A_1065, %dma_wait3A_1097] : memref<106496x64xf32, #tpu.memory_space<hbm>> -> memref<128x64xf32, #tpu.memory_space<hbm>>
    %dma_wait3A_1099 = arith.constant 0 : i32
    %dma_wait3A_1100 = tpu.memref_slice %arg5[%add3A_1065, %dma_wait3A_1099] : memref<106496x64xf32, #tpu.memory_space<hbm>> -> memref<128x64xf32, #tpu.memory_space<hbm>>
    %dma_wait3A_1101 = arith.constant 0 : i32
    %dma_wait3A_1102 = arith.constant 0 : i32
    %dma_wait3A_1103 = tpu.memref_slice %arg8[%dma_wait3A_1092, %dma_wait3A_1101, %dma_wait3A_1102] : memref<2x640x64xf32, #tpu.memory_space<vmem>> -> memref<1x128x64xf32, #tpu.memory_space<vmem>>
    %dma_wait3A_1104 = tpu.memref_squeeze %dma_wait3A_1103 : memref<1x128x64xf32, #tpu.memory_space<vmem>> -> memref<128x64xf32, #tpu.memory_space<vmem>>
    tpu.wait_dma2 semaphore(%arg11 : memref<!tpu.dma_semaphore, #tpu.memory_space<semaphore_mem>>) src(%dma_wait3A_1104 : memref<128x64xf32, #tpu.memory_space<vmem>>) dst(%dma_wait3A_1100 : memref<128x64xf32, #tpu.memory_space<hbm>>)
    return
  }
}

module attributes {stable_mosaic.version = 14 : i64} {
  func.func @body(%arg0: i32, %arg1: memref<128x13x8x128xf32, #tpu.memory_space<vmem>>, %arg2: memref<1664x1000xf32, #tpu.memory_space<vmem>>, %arg3: memref<1000x1xf32, #tpu.memory_space<vmem>>, %arg4: memref<1000x1024xf32, #tpu.memory_space<vmem>>) attributes {dimension_semantics = [#tpu.dimension_semantics<arbitrary>], iteration_bounds = array<i64: 4>, scalar_prefetch = 0 : i64, scratch_operands = 0 : i64, tpu.core_type = #tpu.core_type<tc>, window_params = [{transform_indices = @transform_0, window_bounds = array<i64: 128, 13, 8, 128>}, {pipeline_mode = #tpu.pipeline_mode<synchronous>, transform_indices = @transform_1, window_bounds = array<i64: 1664, 1000>}, {pipeline_mode = #tpu.pipeline_mode<synchronous>, transform_indices = @transform_2, window_bounds = array<i64: 1000, 1>}, {transform_indices = @transform_3, window_bounds = array<i64: 1000, 1024>}]} {
    %get3A = arith.constant 0 : index
    %get3A_0 = arith.constant 0 : index
    %get3A_1 = arith.constant 0 : index
    %get3A_2 = arith.constant 0 : index
    %get3A_3 = vector.load %arg1[%get3A, %get3A_0, %get3A_1, %get3A_2] : memref<128x13x8x128xf32, #tpu.memory_space<vmem>>, vector<128x1x8x128xf32>
    %get3A_4 = vector.shape_cast %get3A_3 : vector<128x1x8x128xf32> to vector<128x8x128xf32>
    %reshape3A = vector.shape_cast %get3A_4 : vector<128x8x128xf32> to vector<1024x128xf32>
    %get3A_5 = arith.constant 0 : index
    %get3A_6 = arith.constant 0 : index
    %get3A_7 = vector.load %arg2[%get3A_5, %get3A_6] : memref<1664x1000xf32, #tpu.memory_space<vmem>>, vector<128x1000xf32>
    %dot_general3A = arith.constant dense<0.000000e+00> : vector<1000x1024xf32>
    %dot_general3A_8 = tpu.matmul %get3A_7, %reshape3A, %dot_general3A {dimension_numbers = #tpu.dot_dimension_numbers<[0], [1], [1], [0], [0, 1, 1, 0], [], []>, transpose_lhs_hint = false} : vector<128x1000xf32>, vector<1024x128xf32>, vector<1000x1024xf32> -> vector<1000x1024xf32>
    %get3A_9 = arith.constant 0 : index
    %get3A_10 = arith.constant 1 : index
    %get3A_11 = arith.constant 0 : index
    %get3A_12 = arith.constant 0 : index
    %get3A_13 = vector.load %arg1[%get3A_9, %get3A_10, %get3A_11, %get3A_12] : memref<128x13x8x128xf32, #tpu.memory_space<vmem>>, vector<128x1x8x128xf32>
    %get3A_14 = vector.shape_cast %get3A_13 : vector<128x1x8x128xf32> to vector<128x8x128xf32>
    %reshape3A_15 = vector.shape_cast %get3A_14 : vector<128x8x128xf32> to vector<1024x128xf32>
    %get3A_16 = arith.constant 128 : index
    %get3A_17 = arith.constant 0 : index
    %get3A_18 = vector.load %arg2[%get3A_16, %get3A_17] : memref<1664x1000xf32, #tpu.memory_space<vmem>>, vector<128x1000xf32>
    %dot_general3A_19 = arith.constant dense<0.000000e+00> : vector<1000x1024xf32>
    %dot_general3A_20 = tpu.matmul %get3A_18, %reshape3A_15, %dot_general3A_19 {dimension_numbers = #tpu.dot_dimension_numbers<[0], [1], [1], [0], [0, 1, 1, 0], [], []>, transpose_lhs_hint = false} : vector<128x1000xf32>, vector<1024x128xf32>, vector<1000x1024xf32> -> vector<1000x1024xf32>
    %add3A = arith.addf %dot_general3A_8, %dot_general3A_20 : vector<1000x1024xf32>
    %get3A_21 = arith.constant 0 : index
    %get3A_22 = arith.constant 2 : index
    %get3A_23 = arith.constant 0 : index
    %get3A_24 = arith.constant 0 : index
    %get3A_25 = vector.load %arg1[%get3A_21, %get3A_22, %get3A_23, %get3A_24] : memref<128x13x8x128xf32, #tpu.memory_space<vmem>>, vector<128x1x8x128xf32>
    %get3A_26 = vector.shape_cast %get3A_25 : vector<128x1x8x128xf32> to vector<128x8x128xf32>
    %reshape3A_27 = vector.shape_cast %get3A_26 : vector<128x8x128xf32> to vector<1024x128xf32>
    %get3A_28 = arith.constant 256 : index
    %get3A_29 = arith.constant 0 : index
    %get3A_30 = vector.load %arg2[%get3A_28, %get3A_29] : memref<1664x1000xf32, #tpu.memory_space<vmem>>, vector<128x1000xf32>
    %dot_general3A_31 = arith.constant dense<0.000000e+00> : vector<1000x1024xf32>
    %dot_general3A_32 = tpu.matmul %get3A_30, %reshape3A_27, %dot_general3A_31 {dimension_numbers = #tpu.dot_dimension_numbers<[0], [1], [1], [0], [0, 1, 1, 0], [], []>, transpose_lhs_hint = false} : vector<128x1000xf32>, vector<1024x128xf32>, vector<1000x1024xf32> -> vector<1000x1024xf32>
    %add3A_33 = arith.addf %add3A, %dot_general3A_32 : vector<1000x1024xf32>
    %get3A_34 = arith.constant 0 : index
    %get3A_35 = arith.constant 3 : index
    %get3A_36 = arith.constant 0 : index
    %get3A_37 = arith.constant 0 : index
    %get3A_38 = vector.load %arg1[%get3A_34, %get3A_35, %get3A_36, %get3A_37] : memref<128x13x8x128xf32, #tpu.memory_space<vmem>>, vector<128x1x8x128xf32>
    %get3A_39 = vector.shape_cast %get3A_38 : vector<128x1x8x128xf32> to vector<128x8x128xf32>
    %reshape3A_40 = vector.shape_cast %get3A_39 : vector<128x8x128xf32> to vector<1024x128xf32>
    %get3A_41 = arith.constant 384 : index
    %get3A_42 = arith.constant 0 : index
    %get3A_43 = vector.load %arg2[%get3A_41, %get3A_42] : memref<1664x1000xf32, #tpu.memory_space<vmem>>, vector<128x1000xf32>
    %dot_general3A_44 = arith.constant dense<0.000000e+00> : vector<1000x1024xf32>
    %dot_general3A_45 = tpu.matmul %get3A_43, %reshape3A_40, %dot_general3A_44 {dimension_numbers = #tpu.dot_dimension_numbers<[0], [1], [1], [0], [0, 1, 1, 0], [], []>, transpose_lhs_hint = false} : vector<128x1000xf32>, vector<1024x128xf32>, vector<1000x1024xf32> -> vector<1000x1024xf32>
    %add3A_46 = arith.addf %add3A_33, %dot_general3A_45 : vector<1000x1024xf32>
    %get3A_47 = arith.constant 0 : index
    %get3A_48 = arith.constant 4 : index
    %get3A_49 = arith.constant 0 : index
    %get3A_50 = arith.constant 0 : index
    %get3A_51 = vector.load %arg1[%get3A_47, %get3A_48, %get3A_49, %get3A_50] : memref<128x13x8x128xf32, #tpu.memory_space<vmem>>, vector<128x1x8x128xf32>
    %get3A_52 = vector.shape_cast %get3A_51 : vector<128x1x8x128xf32> to vector<128x8x128xf32>
    %reshape3A_53 = vector.shape_cast %get3A_52 : vector<128x8x128xf32> to vector<1024x128xf32>
    %get3A_54 = arith.constant 512 : index
    %get3A_55 = arith.constant 0 : index
    %get3A_56 = vector.load %arg2[%get3A_54, %get3A_55] : memref<1664x1000xf32, #tpu.memory_space<vmem>>, vector<128x1000xf32>
    %dot_general3A_57 = arith.constant dense<0.000000e+00> : vector<1000x1024xf32>
    %dot_general3A_58 = tpu.matmul %get3A_56, %reshape3A_53, %dot_general3A_57 {dimension_numbers = #tpu.dot_dimension_numbers<[0], [1], [1], [0], [0, 1, 1, 0], [], []>, transpose_lhs_hint = false} : vector<128x1000xf32>, vector<1024x128xf32>, vector<1000x1024xf32> -> vector<1000x1024xf32>
    %add3A_59 = arith.addf %add3A_46, %dot_general3A_58 : vector<1000x1024xf32>
    %get3A_60 = arith.constant 0 : index
    %get3A_61 = arith.constant 5 : index
    %get3A_62 = arith.constant 0 : index
    %get3A_63 = arith.constant 0 : index
    %get3A_64 = vector.load %arg1[%get3A_60, %get3A_61, %get3A_62, %get3A_63] : memref<128x13x8x128xf32, #tpu.memory_space<vmem>>, vector<128x1x8x128xf32>
    %get3A_65 = vector.shape_cast %get3A_64 : vector<128x1x8x128xf32> to vector<128x8x128xf32>
    %reshape3A_66 = vector.shape_cast %get3A_65 : vector<128x8x128xf32> to vector<1024x128xf32>
    %get3A_67 = arith.constant 640 : index
    %get3A_68 = arith.constant 0 : index
    %get3A_69 = vector.load %arg2[%get3A_67, %get3A_68] : memref<1664x1000xf32, #tpu.memory_space<vmem>>, vector<128x1000xf32>
    %dot_general3A_70 = arith.constant dense<0.000000e+00> : vector<1000x1024xf32>
    %dot_general3A_71 = tpu.matmul %get3A_69, %reshape3A_66, %dot_general3A_70 {dimension_numbers = #tpu.dot_dimension_numbers<[0], [1], [1], [0], [0, 1, 1, 0], [], []>, transpose_lhs_hint = false} : vector<128x1000xf32>, vector<1024x128xf32>, vector<1000x1024xf32> -> vector<1000x1024xf32>
    %add3A_72 = arith.addf %add3A_59, %dot_general3A_71 : vector<1000x1024xf32>
    %get3A_73 = arith.constant 0 : index
    %get3A_74 = arith.constant 6 : index
    %get3A_75 = arith.constant 0 : index
    %get3A_76 = arith.constant 0 : index
    %get3A_77 = vector.load %arg1[%get3A_73, %get3A_74, %get3A_75, %get3A_76] : memref<128x13x8x128xf32, #tpu.memory_space<vmem>>, vector<128x1x8x128xf32>
    %get3A_78 = vector.shape_cast %get3A_77 : vector<128x1x8x128xf32> to vector<128x8x128xf32>
    %reshape3A_79 = vector.shape_cast %get3A_78 : vector<128x8x128xf32> to vector<1024x128xf32>
    %get3A_80 = arith.constant 768 : index
    %get3A_81 = arith.constant 0 : index
    %get3A_82 = vector.load %arg2[%get3A_80, %get3A_81] : memref<1664x1000xf32, #tpu.memory_space<vmem>>, vector<128x1000xf32>
    %dot_general3A_83 = arith.constant dense<0.000000e+00> : vector<1000x1024xf32>
    %dot_general3A_84 = tpu.matmul %get3A_82, %reshape3A_79, %dot_general3A_83 {dimension_numbers = #tpu.dot_dimension_numbers<[0], [1], [1], [0], [0, 1, 1, 0], [], []>, transpose_lhs_hint = false} : vector<128x1000xf32>, vector<1024x128xf32>, vector<1000x1024xf32> -> vector<1000x1024xf32>
    %add3A_85 = arith.addf %add3A_72, %dot_general3A_84 : vector<1000x1024xf32>
    %get3A_86 = arith.constant 0 : index
    %get3A_87 = arith.constant 7 : index
    %get3A_88 = arith.constant 0 : index
    %get3A_89 = arith.constant 0 : index
    %get3A_90 = vector.load %arg1[%get3A_86, %get3A_87, %get3A_88, %get3A_89] : memref<128x13x8x128xf32, #tpu.memory_space<vmem>>, vector<128x1x8x128xf32>
    %get3A_91 = vector.shape_cast %get3A_90 : vector<128x1x8x128xf32> to vector<128x8x128xf32>
    %reshape3A_92 = vector.shape_cast %get3A_91 : vector<128x8x128xf32> to vector<1024x128xf32>
    %get3A_93 = arith.constant 896 : index
    %get3A_94 = arith.constant 0 : index
    %get3A_95 = vector.load %arg2[%get3A_93, %get3A_94] : memref<1664x1000xf32, #tpu.memory_space<vmem>>, vector<128x1000xf32>
    %dot_general3A_96 = arith.constant dense<0.000000e+00> : vector<1000x1024xf32>
    %dot_general3A_97 = tpu.matmul %get3A_95, %reshape3A_92, %dot_general3A_96 {dimension_numbers = #tpu.dot_dimension_numbers<[0], [1], [1], [0], [0, 1, 1, 0], [], []>, transpose_lhs_hint = false} : vector<128x1000xf32>, vector<1024x128xf32>, vector<1000x1024xf32> -> vector<1000x1024xf32>
    %add3A_98 = arith.addf %add3A_85, %dot_general3A_97 : vector<1000x1024xf32>
    %get3A_99 = arith.constant 0 : index
    %get3A_100 = arith.constant 8 : index
    %get3A_101 = arith.constant 0 : index
    %get3A_102 = arith.constant 0 : index
    %get3A_103 = vector.load %arg1[%get3A_99, %get3A_100, %get3A_101, %get3A_102] : memref<128x13x8x128xf32, #tpu.memory_space<vmem>>, vector<128x1x8x128xf32>
    %get3A_104 = vector.shape_cast %get3A_103 : vector<128x1x8x128xf32> to vector<128x8x128xf32>
    %reshape3A_105 = vector.shape_cast %get3A_104 : vector<128x8x128xf32> to vector<1024x128xf32>
    %get3A_106 = arith.constant 1024 : index
    %get3A_107 = arith.constant 0 : index
    %get3A_108 = vector.load %arg2[%get3A_106, %get3A_107] : memref<1664x1000xf32, #tpu.memory_space<vmem>>, vector<128x1000xf32>
    %dot_general3A_109 = arith.constant dense<0.000000e+00> : vector<1000x1024xf32>
    %dot_general3A_110 = tpu.matmul %get3A_108, %reshape3A_105, %dot_general3A_109 {dimension_numbers = #tpu.dot_dimension_numbers<[0], [1], [1], [0], [0, 1, 1, 0], [], []>, transpose_lhs_hint = false} : vector<128x1000xf32>, vector<1024x128xf32>, vector<1000x1024xf32> -> vector<1000x1024xf32>
    %add3A_111 = arith.addf %add3A_98, %dot_general3A_110 : vector<1000x1024xf32>
    %get3A_112 = arith.constant 0 : index
    %get3A_113 = arith.constant 9 : index
    %get3A_114 = arith.constant 0 : index
    %get3A_115 = arith.constant 0 : index
    %get3A_116 = vector.load %arg1[%get3A_112, %get3A_113, %get3A_114, %get3A_115] : memref<128x13x8x128xf32, #tpu.memory_space<vmem>>, vector<128x1x8x128xf32>
    %get3A_117 = vector.shape_cast %get3A_116 : vector<128x1x8x128xf32> to vector<128x8x128xf32>
    %reshape3A_118 = vector.shape_cast %get3A_117 : vector<128x8x128xf32> to vector<1024x128xf32>
    %get3A_119 = arith.constant 1152 : index
    %get3A_120 = arith.constant 0 : index
    %get3A_121 = vector.load %arg2[%get3A_119, %get3A_120] : memref<1664x1000xf32, #tpu.memory_space<vmem>>, vector<128x1000xf32>
    %dot_general3A_122 = arith.constant dense<0.000000e+00> : vector<1000x1024xf32>
    %dot_general3A_123 = tpu.matmul %get3A_121, %reshape3A_118, %dot_general3A_122 {dimension_numbers = #tpu.dot_dimension_numbers<[0], [1], [1], [0], [0, 1, 1, 0], [], []>, transpose_lhs_hint = false} : vector<128x1000xf32>, vector<1024x128xf32>, vector<1000x1024xf32> -> vector<1000x1024xf32>
    %add3A_124 = arith.addf %add3A_111, %dot_general3A_123 : vector<1000x1024xf32>
    %get3A_125 = arith.constant 0 : index
    %get3A_126 = arith.constant 10 : index
    %get3A_127 = arith.constant 0 : index
    %get3A_128 = arith.constant 0 : index
    %get3A_129 = vector.load %arg1[%get3A_125, %get3A_126, %get3A_127, %get3A_128] : memref<128x13x8x128xf32, #tpu.memory_space<vmem>>, vector<128x1x8x128xf32>
    %get3A_130 = vector.shape_cast %get3A_129 : vector<128x1x8x128xf32> to vector<128x8x128xf32>
    %reshape3A_131 = vector.shape_cast %get3A_130 : vector<128x8x128xf32> to vector<1024x128xf32>
    %get3A_132 = arith.constant 1280 : index
    %get3A_133 = arith.constant 0 : index
    %get3A_134 = vector.load %arg2[%get3A_132, %get3A_133] : memref<1664x1000xf32, #tpu.memory_space<vmem>>, vector<128x1000xf32>
    %dot_general3A_135 = arith.constant dense<0.000000e+00> : vector<1000x1024xf32>
    %dot_general3A_136 = tpu.matmul %get3A_134, %reshape3A_131, %dot_general3A_135 {dimension_numbers = #tpu.dot_dimension_numbers<[0], [1], [1], [0], [0, 1, 1, 0], [], []>, transpose_lhs_hint = false} : vector<128x1000xf32>, vector<1024x128xf32>, vector<1000x1024xf32> -> vector<1000x1024xf32>
    %add3A_137 = arith.addf %add3A_124, %dot_general3A_136 : vector<1000x1024xf32>
    %get3A_138 = arith.constant 0 : index
    %get3A_139 = arith.constant 11 : index
    %get3A_140 = arith.constant 0 : index
    %get3A_141 = arith.constant 0 : index
    %get3A_142 = vector.load %arg1[%get3A_138, %get3A_139, %get3A_140, %get3A_141] : memref<128x13x8x128xf32, #tpu.memory_space<vmem>>, vector<128x1x8x128xf32>
    %get3A_143 = vector.shape_cast %get3A_142 : vector<128x1x8x128xf32> to vector<128x8x128xf32>
    %reshape3A_144 = vector.shape_cast %get3A_143 : vector<128x8x128xf32> to vector<1024x128xf32>
    %get3A_145 = arith.constant 1408 : index
    %get3A_146 = arith.constant 0 : index
    %get3A_147 = vector.load %arg2[%get3A_145, %get3A_146] : memref<1664x1000xf32, #tpu.memory_space<vmem>>, vector<128x1000xf32>
    %dot_general3A_148 = arith.constant dense<0.000000e+00> : vector<1000x1024xf32>
    %dot_general3A_149 = tpu.matmul %get3A_147, %reshape3A_144, %dot_general3A_148 {dimension_numbers = #tpu.dot_dimension_numbers<[0], [1], [1], [0], [0, 1, 1, 0], [], []>, transpose_lhs_hint = false} : vector<128x1000xf32>, vector<1024x128xf32>, vector<1000x1024xf32> -> vector<1000x1024xf32>
    %add3A_150 = arith.addf %add3A_137, %dot_general3A_149 : vector<1000x1024xf32>
    %get3A_151 = arith.constant 0 : index
    %get3A_152 = arith.constant 12 : index
    %get3A_153 = arith.constant 0 : index
    %get3A_154 = arith.constant 0 : index
    %get3A_155 = vector.load %arg1[%get3A_151, %get3A_152, %get3A_153, %get3A_154] : memref<128x13x8x128xf32, #tpu.memory_space<vmem>>, vector<128x1x8x128xf32>
    %get3A_156 = vector.shape_cast %get3A_155 : vector<128x1x8x128xf32> to vector<128x8x128xf32>
    %reshape3A_157 = vector.shape_cast %get3A_156 : vector<128x8x128xf32> to vector<1024x128xf32>
    %get3A_158 = arith.constant 1536 : index
    %get3A_159 = arith.constant 0 : index
    %get3A_160 = vector.load %arg2[%get3A_158, %get3A_159] : memref<1664x1000xf32, #tpu.memory_space<vmem>>, vector<128x1000xf32>
    %dot_general3A_161 = arith.constant dense<0.000000e+00> : vector<1000x1024xf32>
    %dot_general3A_162 = tpu.matmul %get3A_160, %reshape3A_157, %dot_general3A_161 {dimension_numbers = #tpu.dot_dimension_numbers<[0], [1], [1], [0], [0, 1, 1, 0], [], []>, transpose_lhs_hint = false} : vector<128x1000xf32>, vector<1024x128xf32>, vector<1000x1024xf32> -> vector<1000x1024xf32>
    %add3A_163 = arith.addf %add3A_150, %dot_general3A_162 : vector<1000x1024xf32>
    %get3A_164 = arith.constant 0 : index
    %get3A_165 = arith.constant 0 : index
    %get3A_166 = vector.load %arg3[%get3A_164, %get3A_165] : memref<1000x1xf32, #tpu.memory_space<vmem>>, vector<1000x1xf32>
    %add3A_167 = vector.broadcast %get3A_166 : vector<1000x1xf32> to vector<1000x1024xf32>
    %add3A_168 = arith.addf %add3A_163, %add3A_167 : vector<1000x1024xf32>
    %swap3A = arith.constant 0 : index
    %swap3A_169 = arith.constant 0 : index
    %swap3A_170 = vector.load %arg4[%swap3A, %swap3A_169] : memref<1000x1024xf32, #tpu.memory_space<vmem>>, vector<1000x1024xf32>
    tpu.vector_store %arg4[%swap3A, %swap3A_169], %add3A_168 {strides = array<i32>} : memref<1000x1024xf32, #tpu.memory_space<vmem>>, vector<1000x1024xf32>,
    return
  }
  func.func @transform_0(%arg0: i32) -> (i32, i32, i32, i32) {
    %c0_i32 = arith.constant 0 : i32
    %c0_i32_0 = arith.constant 0 : i32
    %c0_i32_1 = arith.constant 0 : i32
    %c0_i32_2 = arith.constant 0 : i32
    return %arg0, %c0_i32, %c0_i32_0, %c0_i32_1 : i32, i32, i32, i32
  }
  func.func @transform_1(%arg0: i32) -> (i32, i32) {
    %c0_i32 = arith.constant 0 : i32
    %c0_i32_0 = arith.constant 0 : i32
    %c0_i32_1 = arith.constant 0 : i32
    return %c0_i32, %c0_i32_0 : i32, i32
  }
  func.func @transform_2(%arg0: i32) -> (i32, i32) {
    %c0_i32 = arith.constant 0 : i32
    %c0_i32_0 = arith.constant 0 : i32
    %c0_i32_1 = arith.constant 0 : i32
    return %c0_i32, %c0_i32_0 : i32, i32
  }
  func.func @transform_3(%arg0: i32) -> (i32, i32) {
    %c0_i32 = arith.constant 0 : i32
    %c0_i32_0 = arith.constant 0 : i32
    return %c0_i32, %arg0 : i32, i32
  }
}

</mosaic_0001>

<sc_bundles>
// kernel: kernel.4.cloned.1.call-start
scs
__scs_entry_jumppad:
0x0: {  	(pc) =	sbr.rel $0x88, $3  }
0x1: {  	(tag) =	ssettag $0x0;
	lr =	simm.s32 $0x1  }
0x2: {  	[smem:$0x3F9D] =	sst lr;
	_ =	strace $0xD0000000  }
0x3: {  	_ = 	snop  }
0x4: {  	_ = 	snop  }
0x5: {  	_ = 	snop  }
0x6: {  	_ = 	snop  }
0x7: {  	_ = 	snop  }
__scs_overlays_trampoline_lowered:
0x8: {  	[smem:$0x3FAC] =	sst s0  }
0x9: {  	[smem:$0x3FAD] =	sst s1  }
0xa: {  	[smem:$0x3FAE] =	sst s2  }
0xb: {  	[smem:$0x3FAF] =	sst s3  }
0xc: {  	[smem:$0x3FB0] =	sst s4  }
0xd: {  	[smem:$0x3FB1] =	sst s5  }
0xe: {  	[smem:$0x3FB2] =	sst s6  }
0xf: {  	[smem:$0x3FB3] =	sst s7  }
0x10: {  	[smem:$0x3FB4] =	sst s8  }
0x11: {  	[smem:$0x3FB5] =	sst s9;
	s0 =	simm.s32 @!p0 $0x0  }
0x12: {  	s1 =	sld [smem:$0x3F9B];
	s0 =	simm.s32 @p0 $0x1  }
0x13: {  	[smem:$0x3FB6] =	sst s0;
	s0 =	simm.s32 @!p1 $0x0  }
0x14: {  	s2 =	sld [smem:$0x3F9A];
	s0 =	simm.s32 @p1 $0x1  }
0x15: {  	[smem:$0x3FB7] =	sst s0;
	s0 =	simm.s32 @!p2 $0x0  }
0x16: {  	s3 =	sld [smem:$0x3FDB];
	s0 =	simm.s32 @p2 $0x1  }
0x17: {  	s4 =	simm.s32 $0x1BF5;
	[smem:$0x3FB9] =	sst s0  }
0x18: {  	s0 =	sld [smem:$0x3F9C];
	_ =	swait.ge [sflag:s4], $0x0  }
0x19: {  	s7 =	sld [smem:$0x3F9D]  }
0x1a: {  	s8 =	sadd.s32 $0xFFFFE003, lr  }
0x1b: {  	s9 =	sadd.s32 $0xFFFFFEF7, lr;
	s5 =	simm.s32 $0xFFFFFFFF;
	p2 =	slt.u32 s8, $0xFFFFF086  }
0x1c: {  	p1 =	slt.u32 s9, $0xF7A;
	s5 =	simm.s32 @!p2 $0x0  }
0x1d: {  	s5 =	simm.s32 @p1 $0x1;
	p0 =	seq.s32 s7, s2  }
0x1e: {  	s7 =	smul.u32 @!p0 $0xF7A, s2;
	p2 =	seq.s32 @!p0 s5, $0x0  }
0x1f: {  	s9 =	smul.u32 $0xF7A, s1;
	s8 =	simm.s32 @!p0 $0x1BF5;
	p2 =	por !p2, p0  }
0x20: {  	[sflag:s8] =	ssyncset.s32 @!p0 $0xFFFFF086;
	s6 =	sadd.s32 @!p0 s3, s7;
	s7 =	simm.s32 @!p0 $0x108  }
0x21: {  	s3 =	sadd.s32 s3, s9;
	s6 =	sadd.s32 @!p0 $0x88, s6;
	s7 =	simm.s32 @p2 $0x1082  }
0x22: {  	[simem:s7], [sflag:s8] =	dma.local @!p0 [hbm:s6], $0xF7A  }
0x23: {  	s9 =	sor.u32 $0xD0000000, s2;
	s6 =	simm.s32 $0x108;
	_ =	swait.ge @!p0 [sflag:s8], $0x0  }
0x24: {  	s3 =	sadd.s32 $0x88, s3;
	s6 =	simm.s32 @!p1 $0x1082;
	[sflag:s4] =	ssyncset.s32 $0xFFFFF086  }
0x25: {  	[simem:s6], [sflag:s4] =	dma.local [hbm:s3], $0xF7A  }
0x26: {  	[smem:$0x3F9D] =	sst s1;
	(tag) =	ssettag s2;
	_ =	strace s9  }
0x27: {  	s1 =	sld [smem:$0x3FAD]  }
0x28: {  	s2 =	sld [smem:$0x3FAE]  }
0x29: {  	s4 =	sld [smem:$0x3FB0]  }
0x2a: {  	p0 =	seq.s32 s5, $0x0;
	s5 =	sld [smem:$0x3FB1]  }
0x2b: {  	s6 =	sld [smem:$0x3FB2]  }
0x2c: {  	s7 =	sld [smem:$0x3FB3]  }
0x2d: {  	s3 =	simm.s32 $0x108;
	s8 =	sld [smem:$0x3FB4]  }
0x2e: {  	s3 =	simm.s32 @!p0 $0x1082;
	s9 =	sld [smem:$0x3FB5]  }
0x2f: {  	lr =	sadd.s32 s0, s3;
	s0 =	sld [smem:$0x3FAC]  }
0x30: {  	s3 =	sld [smem:$0x3FAF]  }
0x31: {  	[smem:$0x3FB8] =	sst s10  }
0x32: {  	s10 =	sld [smem:$0x3FB6];
	_ =	sdelay $0x3  }
0x33: {  	p0 =	seq.s32 s10, $0x1;
	s10 =	sld [smem:$0x3FB8];
	_ =	sdelay $0x3  }
0x34: {  	[smem:$0x3FB8] =	sst s10  }
0x35: {  	s10 =	sld [smem:$0x3FB7];
	_ =	sdelay $0x3  }
0x36: {  	p1 =	seq.s32 s10, $0x1;
	s10 =	sld [smem:$0x3FB8];
	_ =	sdelay $0x3  }
0x37: {  	[smem:$0x3FB8] =	sst s10  }
0x38: {  	s10 =	sld [smem:$0x3FB9]  }
0x39: {  	_ = 	snop;
	(pc) =	sbr.ind lr, $3  }
0x3a: {  	_ = 	snop  }
0x3b: {  	_ = 	snop  }
0x3c: {  	p2 =	seq.s32 s10, $0x1;
	s10 =	sld [smem:$0x3FB8]  }
0x3d: {  	_ =	shalt  }
0x3e: {  	_ =	shalt  }
0x3f: {  	_ =	shalt  }
0x40: {  	_ =	shalt  }
0x41: {  	_ =	shalt  }
0x42: {  	_ =	shalt  }
0x43: {  	_ =	shalt  }
0x44: {  	_ =	shalt  }
0x45: {  	_ =	shalt  }
0x46: {  	_ =	shalt  }
0x47: {  	_ =	shalt  }
0x48: {  	_ =	shalt  }
0x49: {  	_ =	shalt  }
0x4a: {  	_ =	shalt  }
0x4b: {  	_ =	shalt  }
0x4c: {  	_ =	shalt  }
0x4d: {  	_ =	shalt  }
0x4e: {  	_ =	shalt  }
0x4f: {  	_ =	shalt  }
0x50: {  	_ =	shalt  }
0x51: {  	_ =	shalt  }
0x52: {  	_ =	shalt  }
0x53: {  	_ =	shalt  }
0x54: {  	_ =	shalt  }
0x55: {  	_ =	shalt  }
0x56: {  	_ =	shalt  }
0x57: {  	_ =	shalt  }
0x58: {  	_ =	shalt  }
0x59: {  	_ =	shalt  }
0x5a: {  	_ =	shalt  }
0x5b: {  	_ =	shalt  }
0x5c: {  	_ =	shalt  }
0x5d: {  	_ =	shalt  }
0x5e: {  	_ =	shalt  }
0x5f: {  	_ =	shalt  }
0x60: {  	_ =	shalt  }
0x61: {  	_ =	shalt  }
0x62: {  	_ =	shalt  }
0x63: {  	_ =	shalt  }
0x64: {  	_ =	shalt  }
0x65: {  	_ =	shalt  }
0x66: {  	_ =	shalt  }
0x67: {  	_ =	shalt  }
0x68: {  	_ =	shalt  }
0x69: {  	_ =	shalt  }
0x6a: {  	_ =	shalt  }
0x6b: {  	_ =	shalt  }
0x6c: {  	_ =	shalt  }
0x6d: {  	_ =	shalt  }
0x6e: {  	_ =	shalt  }
0x6f: {  	_ =	shalt  }
0x70: {  	_ =	shalt  }
0x71: {  	_ =	shalt  }
0x72: {  	_ =	shalt  }
0x73: {  	_ =	shalt  }
0x74: {  	_ =	shalt  }
0x75: {  	_ =	shalt  }
0x76: {  	_ =	shalt  }
0x77: {  	_ =	shalt  }
0x78: {  	_ =	shalt  }
0x79: {  	_ =	shalt  }
0x7a: {  	_ =	shalt  }
0x7b: {  	_ =	shalt  }
0x7c: {  	_ =	shalt  }
0x7d: {  	_ =	shalt  }
0x7e: {  	_ =	shalt  }
0x7f: {  	_ =	shalt  }
0x80: {  	_ =	shalt  }
0x81: {  	_ =	shalt  }
0x82: {  	_ =	shalt  }
0x83: {  	_ =	shalt  }
0x84: {  	_ =	shalt  }
0x85: {  	_ =	shalt  }
0x86: {  	_ =	shalt  }
0x87: {  	_ =	shalt  }
.Lfunc_end0:
.L_simem_size_0:
called_computation_lowered:
.L_overlay_start_0:
0x88: {  	s2 =	sld [smem:$0x3FD9]  }
0x89: {  	s3 =	sld [smem:$0x3FFE];
	_ =	sdelay $0x1  }
0x8a: {  	s1 =	srdreg.scid  }
0x8b: {  	s0 =	sand.u32 $0x1, s1  }
0x8c: {  	s17 =	sshll.u32 s0, $0xA;
	s2 =	sadd.s32 s3, s2  }
0x8d: {  	s2 =	sadd.s32 s2, s17  }
0x8e: {  	[smem:$0x3FC4] =	sst s2  }
0x8f: {  	_ = 	snop  }
0x90: {  	s2 =	sld [smem:$0x3FD0];
	(tm) =	ssettm $0x1  }
0x91: {  	s18 =	sld [smem:$0x3FFB];
	_ =	sdelay $0x3  }
0x92: {  	_ =	strace s18  }
0x93: {  	s3 =	sld [smem:$0x3FFC];
	_ =	sdelay $0x3  }
0x94: {  	_ =	strace s3  }
0x95: {  	s3 =	sld [smem:$0x3FFD];
	_ =	sdelay $0x3  }
0x96: {  	_ =	strace s3  }
0x97: {  	_ =	strace $0x8FFFFFFF  }
0x98: {  	s19 =	sld [smem:$0x3FDB];
	_ =	sdelay $0x1  }
0x99: {  	s4 =	simm.s32 $_scs_section_size  }
0x9a: {  	s5 =	simm.s32 $_size__tile_overlayer_lowered;
	s6 =	simm.s32 $_tile_overlayer_lowered  }
0x9b: {  	s22 =	simm.s32 $0x1BFF;
	s21 =	sshll.u32 s6, $0x1;
	s3 =	sadd.s32 s4, s19  }
0x9c: {  	s7 =	simm.s32 $0x0;
	s20 =	sshll.u32 s5, $0x1;
	s5 =	sadd.s32 s21, s3  }
0x9d: {  	[timem:s7], [sflag:s22] =	dma.local [hbm:s5], s20  }
0x9e: {  	_ =	swait.ge [sflag:s22], s20  }
0x9f: {  	s4 =	ssub.s32 $0x0, s20;
	[sflag:s22] =	ssyncset.done $0x0  }
0xa0: {  	[sflag:s22] =	ssyncadd.s32 s4;
	_ =	sdelay $0x1  }
0xa1: {  	s23 =	simm.s32 $0x1B8B  }
0xa2: {  	_ =	swait.ge [sflag:s23], $0x1  }
0xa3: {  	[sflag:s23] =	ssyncset.done $0x0  }
0xa4: {  	s25 =	simm.s32 $0x1B8E;
	s24 =	sld [smem:$0x3FFE];
	[sflag:s23] =	ssyncadd.s32 $0xFFFFFFFF  }
0xa5: {  	s26 =	simm.s32 $execute0_lowered;
	[smem:$0x3FD2] =	sst s25  }
0xa6: {  	s5 =	sshll.u32 s26, $0x1;
	_ =	strace $0x80000046;
	[dreg:$0x1] =	wrdreg $0xFFFFFFFF  }
0xa7: {  	s28 =	simm.s32 $_size_execute0_lowered;
	s3 =	sadd.s32 s3, s5;
	[dreg:$0x0] =	wrdreg $0x0  }
0xa8: {  	s5 =	sshll.u32 s28, $0x1;
	[dreg:$0x2] =	wrdreg s3  }
0xa9: {  	[dreg:$0x3] =	wrdreg s5  }
0xaa: {  	[dreg:$0x4] =	wrdreg $0xC0  }
0xab: {  	_ =	task [dreg:s7], $0x5FFFF  }
0xac: {  	[dreg:$0x1] =	wrdreg $0xFFFFFFFF  }
0xad: {  	[dreg:$0x0] =	wrdreg $0x60  }
0xae: {  	[dreg:$0x2] =	wrdreg s24  }
0xaf: {  	[dreg:$0x3] =	wrdreg s2  }
0xb0: {  	[dreg:$0x4] =	wrdreg $0x9  }
0xb1: {  	_ =	task.clear_ibuf [dreg:s7], $0x5FFFF;
	_ =	strace $0x90000046  }
0xb2: {  	s29 =	simm.s32 $0x9;
	_ =	strace $0x80000048  }
0xb3: {  	_ =	swait.ge [sflag:s29], $0x1  }
0xb4: {  	[sflag:s29] =	ssyncadd.s32 $0xFFFFFFFF  }
0xb5: {  	_ =	strace $0x90000048  }
0xb6: {  	_ =	sfence  }
0xb7: {  	s30 =	sld [smem:$0x0];
	_ =	sdelay $0x2  }
0xb8: {  	s31 =	sshll.u32 s1, $0xD;
	s1 =	sshrl.u32 s1, $0x2  }
0xb9: {  	s3 =	sand.u32 $0x4000, s31;
	s1 =	sadd.s32 s1, s30  }
0xba: {  	s0 =	sor.u32 s3, s0;
	s1 =	sshll.u32 s1, $0x11  }
0xbb: {  	s0 =	sor.u32 s1, s0  }
0xbc: {  	s0 =	sadd.s32 $0x8F2B, s0  }
0xbd: {  	[sflag:s0] =	ssyncadd.remote.s32 $0x1  }
0xbe: {  	_ =	sfence.sel $0xFFFF  }
0xbf: {  	[dreg:$0x0] =	wrdreg $0xFFFFFFFF;
	(pc) =	sbr.abs _section_cstart, $3  }
0xc0: {  	[dreg:$0x1] =	wrdreg $0xFFFFFFFF  }
0xc1: {  	_ =	task.clear_ibuf [dreg:s7], $0x2FFFF;
	_ =	strace $0x9FFFFFFF  }
0xc2: {  	(tm) =	ssettm $0x7FFFFFFF  }
0xc3: {  	_ =	shalt  }
tec
execute0_lowered:
.L_overlay_start_1:
0x0: {  	(tag) =	ssettag $0x1  }
0x1: {  	s1 =	rddreg [dreg:$0x0]  }
0x2: {  	s3 =	rddreg [dreg:$0x1];
	s9 =	simm.s32 $0x0  }
0x3: {  	s20 =	simm.s32 $0x100;
	[smem:$0x7FF] =	sst s9  }
0x4: {  	s21 =	simm.s32 $0x180;
	_ =	strace $0x80000047;
	[dreg:$0xa] =	wrdreg s20  }
0x5: {  	s0 =	srdreg.scid;
	s24 =	simm.s32 $0x200;
	[dreg:$0xb] =	wrdreg s21  }
0x6: {  	s29 =	stileid.u32;
	s25 =	simm.s32 $0x280;
	[dreg:$0xc] =	wrdreg s24  }
0x7: {  	s26 =	simm.s32 $0x300;
	s10 =	simm.s32 $0x4;
	[dreg:$0xd] =	wrdreg s25  }
0x8: {  	s30 =	simm.s32 $0x380;
	s8 =	simm.s32 $0x600;
	[dreg:$0xe] =	wrdreg s26  }
0x9: {  	s31 =	simm.s32 $0xF00;
	s11 =	simm.s32 $0x680;
	[dreg:$0xf] =	wrdreg s30  }
0xa: {  	s0 =	sand.u32 $0x1, s0;
	s2 =	sshll.u32 s29, $0x1;
	[dreg:$0x14] =	wrdreg s8  }
0xb: {  	s12 =	simm.s32 $0x700;
	s4 =	sor.u32 s0, s2;
	[dreg:$0x15] =	wrdreg s11  }
0xc: {  	s0 =	ssub.s32 $0x2, s0;
	s2 =	simm.s32 $0x480;
	[dreg:$0x16] =	wrdreg s12  }
0xd: {  	s20 =	simm.s32 $0xA80;
	s24 =	simm.s32 $0xB80;
	[dreg:$0x11] =	wrdreg s2  }
0xe: {  	s25 =	simm.s32 $0xC00;
	s5 =	smul.u32 $0x1A0, s4;
	[dreg:$0x1d] =	wrdreg s20  }
0xf: {  	s30 =	simm.s32 $0xC80;
	s6 =	smul.u32 $0x34000, s4;
	[dreg:$0x1f] =	wrdreg s24  }
0x10: {  	s4 =	smul.u32 $0x6800, s4;
	s22 =	sshrl.u32 s0, $0x1;
	[smem:$0x7FC] =	sst s25  }
0x11: {  	[smem:$0x7FD] =	sst s30;
	s0 =	ssub.s32 s0, s22;
	s22 =	simm.s32 $0xB00  }
0x12: {  	s7 =	sadd.s32 $0x4400, s1;
	s3 =	sadd.s32 s3, s5;
	[dreg:$0x1e] =	wrdreg s22  }
0x13: {  	s23 =	sadd.s32 $0x1200, s1;
	s14 =	sadd.s32 s7, s4;
	[dreg:$0x3] =	wrdreg s3  }
0x14: {  	s13 =	sshrl.u32 s6, $0x3;
	s6 =	simm.s32 $0x500;
	[dreg:$0x4] =	wrdreg s14  }
0x15: {  	s3 =	sadd.s32 $0x187C00, s1;
	s1 =	simm.s32 $0x400;
	[dreg:$0x12] =	wrdreg s6  }
0x16: {  	s15 =	sadd.s32 s7, s13;
	s7 =	simm.s32 $0x580;
	[dreg:$0x10] =	wrdreg s1  }
0x17: {  	p0 =	por $0x0, $0x0;
	s14 =	simm.s32 $0x780;
	[dreg:$0x13] =	wrdreg s7  }
0x18: {  	s21 =	simm.s32 $0xD00;
	s26 =	simm.s32 $0xD80;
	[dreg:$0x17] =	wrdreg s14  }
0x19: {  	s24 =	simm.s32 $0x1;
	s16 =	sadd.s32 $0x1400, s15;
	s28 =	rddreg [dreg:$0x3]  }
0x1a: {  	s2 =	simm.s32 $0x1A00;
	s17 =	sadd.s32 $0x2800, s15;
	[dreg:$0x5] =	wrdreg s16  }
0x1b: {  	s5 =	smax.u32 s0, $0x1;
	s18 =	sadd.s32 $0x3C00, s15;
	[dreg:$0x6] =	wrdreg s17  }
0x1c: {  	s13 =	simm.s32 $0xE00;
	s19 =	sadd.s32 $0x5000, s15;
	[dreg:$0x7] =	wrdreg s18  }
0x1d: {  	p1 =	sne.s32 s5, $0x1;
	s4 =	sadd.s32 $0x6400, s15;
	[dreg:$0x8] =	wrdreg s19  }
0x1e: {  	s0 =	sadd.s32 $0xFFFFFFFF, s5;
	s15 =	simm.s32 $0x800;
	[dreg:$0x9] =	wrdreg s4  }
0x1f: {  	s6 =	simm.s32 $0x3;
	[dreg:$0x18] =	wrdreg s15;
	s16 =	simm.s32 $0x880  }
.Ltmp0:
0x20: {  	s17 =	simm.s32 $0x900;
	[dreg:$0x19] =	wrdreg s16;
	(pc) =	sbr.rel @!p1 .LBB2_5-.Ltmp0, $4  }
0x21: {  	s1 =	simm.s32 $0xE80;
	s18 =	simm.s32 $0x980;
	[dreg:$0x1a] =	wrdreg s17  }
0x22: {  	s7 =	simm.s32 $0x2;
	s19 =	simm.s32 $0xA00;
	[dreg:$0x1b] =	wrdreg s18  }
0x23: {  	s4 =	simm.s32 $0x80;
	s15 =	simm.s32 $0x3A00;
	[dreg:$0x1c] =	wrdreg s19  }
0x24: {  	s16 =	simm.s32 $0x5A00;
	s17 =	simm.s32 $0x7A00;
	s18 =	simm.s32 $0x9A00  }
0x25: {  	[tilespmem:s9], [sflag:$0x4] =	stream.linear.gather [hbm4b:s28+s9], $0xD00, $0x38;
	[tilespmem:$0x15A00] =	vst v63  }
0x26: {  	_ =	swait.ge [sflag:s10], $0xD00  }
0x27: {  	[sflag:s10] =	ssyncset.done $0x0  }
0x28: {  	[sflag:s10] =	ssyncadd.s32 $0xFFFFF300  }
0x29: {  	[tilespmem:s21], [sflag:$0x1] =	stream.indirect.gather [hbm4b:s23+s4], $0x1, s9, s4, $0xb8;
	[tilespmem:$0x15A00] =	vst v63  }
0x2a: {  	s28 =	rddreg [dreg:$0xa]  }
0x2b: {  	[tilespmem:s26], [sflag:$0x1] =	stream.indirect.gather [hbm4b:s23+s4], $0x1, s4, s4, $0xb8;
	[tilespmem:$0x15A00] =	vst v63  }
0x2c: {  	s8 =	simm.s32 $0xE00;
	s30 =	rddreg [dreg:$0xb]  }
0x2d: {  	[tilespmem:s8], [sflag:$0x1] =	stream.indirect.gather [hbm4b:s23+s4], $0x1, s28, s4, $0xb8;
	[tilespmem:$0x15A00] =	vst v63  }
0x2e: {  	s2 =	smov.u32 s0;
	s0 =	simm.s32 $0xE80;
	s31 =	rddreg [dreg:$0xd]  }
0x2f: {  	[tilespmem:s0], [sflag:$0x1] =	stream.indirect.gather [hbm4b:s23+s4], $0x1, s30, s4, $0xb8;
	[tilespmem:$0x15A00] =	vst v63  }
0x30: {  	s5 =	simm.s32 $0xF00;
	s28 =	rddreg [dreg:$0xc]  }
0x31: {  	[tilespmem:s5], [sflag:$0x1] =	stream.indirect.gather [hbm4b:s23+s4], $0x1, s28, s4, $0xb8;
	[tilespmem:$0x15A00] =	vst v63  }
0x32: {  	s29 =	simm.s32 $0xF80;
	s1 =	rddreg [dreg:$0xf]  }
0x33: {  	[tilespmem:s29], [sflag:$0x1] =	stream.indirect.gather [hbm4b:s23+s4], $0x1, s31, s4, $0xb8;
	[tilespmem:$0x15A00] =	vst v63  }
0x34: {  	s12 =	simm.s32 $0x1000;
	s28 =	rddreg [dreg:$0xe]  }
0x35: {  	[tilespmem:s12], [sflag:$0x1] =	stream.indirect.gather [hbm4b:s23+s4], $0x1, s28, s4, $0xb8;
	[tilespmem:$0x15A00] =	vst v63  }
0x36: {  	s14 =	simm.s32 $0x1080;
	s13 =	rddreg [dreg:$0x13]  }
0x37: {  	[tilespmem:s14], [sflag:$0x1] =	stream.indirect.gather [hbm4b:s23+s4], $0x1, s1, s4, $0xb8;
	[tilespmem:$0x15A00] =	vst v63  }
0x38: {  	s10 =	simm.s32 $0x1100;
	s28 =	rddreg [dreg:$0x10]  }
0x39: {  	[tilespmem:s10], [sflag:$0x1] =	stream.indirect.gather [hbm4b:s23+s4], $0x1, s28, s4, $0xb8;
	[tilespmem:$0x15A00] =	vst v63  }
0x3a: {  	s11 =	simm.s32 $0x1180;
	s9 =	rddreg [dreg:$0x11]  }
0x3b: {  	[tilespmem:s11], [sflag:$0x1] =	stream.indirect.gather [hbm4b:s23+s4], $0x1, s9, s4, $0xb8;
	[tilespmem:$0x15A00] =	vst v63  }
0x3c: {  	s19 =	simm.s32 $0x1200;
	s28 =	rddreg [dreg:$0x12]  }
0x3d: {  	[tilespmem:s19], [sflag:$0x1] =	stream.indirect.gather [hbm4b:s23+s4], $0x1, s28, s4, $0xb8;
	[tilespmem:$0x15A00] =	vst v63  }
0x3e: {  	s22 =	simm.s32 $0x1280;
	s15 =	rddreg [dreg:$0x15]  }
0x3f: {  	[tilespmem:s22], [sflag:$0x1] =	stream.indirect.gather [hbm4b:s23+s4], $0x1, s13, s4, $0xb8;
	[tilespmem:$0x15A00] =	vst v63  }
0x40: {  	s20 =	simm.s32 $0x1300;
	s28 =	rddreg [dreg:$0x14]  }
0x41: {  	[tilespmem:s20], [sflag:$0x1] =	stream.indirect.gather [hbm4b:s23+s4], $0x1, s28, s4, $0xb8;
	[tilespmem:$0x15A00] =	vst v63  }
0x42: {  	s16 =	rddreg [dreg:$0x17];
	s13 =	simm.s32 $0x1380  }
0x43: {  	[tilespmem:s13], [sflag:$0x1] =	stream.indirect.gather [hbm4b:s23+s4], $0x1, s15, s4, $0xb8;
	[tilespmem:$0x15A00] =	vst v63  }
0x44: {  	s21 =	simm.s32 $0x1400;
	s28 =	rddreg [dreg:$0x16]  }
0x45: {  	[tilespmem:s21], [sflag:$0x1] =	stream.indirect.gather [hbm4b:s23+s4], $0x1, s28, s4, $0xb8;
	[tilespmem:$0x15A00] =	vst v63  }
0x46: {  	s17 =	rddreg [dreg:$0x19];
	s15 =	simm.s32 $0x1480  }
0x47: {  	[tilespmem:s15], [sflag:$0x1] =	stream.indirect.gather [hbm4b:s23+s4], $0x1, s16, s4, $0xb8;
	[tilespmem:$0x15A00] =	vst v63  }
0x48: {  	s18 =	simm.s32 $0x1500;
	s28 =	rddreg [dreg:$0x18]  }
0x49: {  	[tilespmem:s18], [sflag:$0x1] =	stream.indirect.gather [hbm4b:s23+s4], $0x1, s28, s4, $0xb8;
	[tilespmem:$0x15A00] =	vst v63  }
0x4a: {  	s25 =	simm.s32 $0x1580;
	s26 =	rddreg [dreg:$0x1d]  }
0x4b: {  	[tilespmem:s25], [sflag:$0x1] =	stream.indirect.gather [hbm4b:s23+s4], $0x1, s17, s4, $0xb8;
	[tilespmem:$0x15A00] =	vst v63  }
0x4c: {  	s28 =	rddreg [dreg:$0x1a];
	s18 =	simm.s32 $0x1600  }
0x4d: {  	[tilespmem:s18], [sflag:$0x1] =	stream.indirect.gather [hbm4b:s23+s4], $0x1, s28, s4, $0xb8;
	[tilespmem:$0x15A00] =	vst v63  }
0x4e: {  	s30 =	rddreg [dreg:$0x1b];
	s15 =	simm.s32 $0x1680  }
0x4f: {  	[tilespmem:s15], [sflag:$0x1] =	stream.indirect.gather [hbm4b:s23+s4], $0x1, s30, s4, $0xb8;
	[tilespmem:$0x15A00] =	vst v63  }
0x50: {  	s28 =	rddreg [dreg:$0x1c];
	s30 =	simm.s32 $0x1700  }
0x51: {  	[tilespmem:s30], [sflag:$0x1] =	stream.indirect.gather [hbm4b:s23+s4], $0x1, s28, s4, $0xb8;
	[tilespmem:$0x15A00] =	vst v63  }
0x52: {  	s28 =	rddreg [dreg:$0x1e];
	s30 =	simm.s32 $0x1780  }
0x53: {  	[tilespmem:s30], [sflag:$0x1] =	stream.indirect.gather [hbm4b:s23+s4], $0x1, s26, s4, $0xb8;
	[tilespmem:$0x15A00] =	vst v63  }
0x54: {  	s26 =	rddreg [dreg:$0x1f];
	s30 =	simm.s32 $0x1800  }
0x55: {  	[tilespmem:s30], [sflag:$0x1] =	stream.indirect.gather [hbm4b:s23+s4], $0x1, s28, s4, $0xb8;
	[tilespmem:$0x15A00] =	vst v63  }
0x56: {  	s28 =	sld [smem:$0x7FC];
	s30 =	simm.s32 $0x1880  }
0x57: {  	[tilespmem:s30], [sflag:$0x1] =	stream.indirect.gather [hbm4b:s23+s4], $0x1, s26, s4, $0xb8;
	[tilespmem:$0x15A00] =	vst v63  }
0x58: {  	s26 =	sld [smem:$0x7FD];
	s30 =	simm.s32 $0x1900  }
0x59: {  	[tilespmem:s30], [sflag:$0x1] =	stream.indirect.gather [hbm4b:s23+s4], $0x1, s28, s4, $0xb8;
	[tilespmem:$0x15A00] =	vst v63  }
0x5a: {  	s28 =	simm.s32 $0x1980  }
0x5b: {  	[tilespmem:s28], [sflag:$0x1] =	stream.indirect.gather [hbm4b:s23+s4], $0x1, s26, s4, $0xb8;
	[tilespmem:$0x15A00] =	vst v63  }
0x5c: {  	_ =	swait.ge [sflag:s24], $0x80  }
0x5d: {  	[sflag:s24] =	ssyncset.done $0x0  }
0x5e: {  	[sflag:s24] =	ssyncadd.s32 $0xFFFFFF80  }
0x5f: {  	_ =	swait.ge [sflag:s24], $0x80  }
0x60: {  	[sflag:s24] =	ssyncset.done $0x0  }
0x61: {  	[sflag:s24] =	ssyncadd.s32 $0xFFFFFF80  }
0x62: {  	_ =	swait.ge [sflag:s24], $0x80  }
0x63: {  	[sflag:s24] =	ssyncset.done $0x0  }
0x64: {  	[sflag:s24] =	ssyncadd.s32 $0xFFFFFF80  }
0x65: {  	_ =	swait.ge [sflag:s24], $0x80  }
0x66: {  	[sflag:s24] =	ssyncset.done $0x0  }
0x67: {  	[sflag:s24] =	ssyncadd.s32 $0xFFFFFF80  }
0x68: {  	_ =	swait.ge [sflag:s24], $0x80  }
0x69: {  	[sflag:s24] =	ssyncset.done $0x0  }
0x6a: {  	[sflag:s24] =	ssyncadd.s32 $0xFFFFFF80  }
0x6b: {  	_ =	swait.ge [sflag:s24], $0x80  }
0x6c: {  	[sflag:s24] =	ssyncset.done $0x0  }
0x6d: {  	[sflag:s24] =	ssyncadd.s32 $0xFFFFFF80  }
0x6e: {  	_ =	swait.ge [sflag:s24], $0x80  }
0x6f: {  	[sflag:s24] =	ssyncset.done $0x0  }
0x70: {  	[sflag:s24] =	ssyncadd.s32 $0xFFFFFF80  }
0x71: {  	_ =	swait.ge [sflag:s24], $0x80  }
0x72: {  	[sflag:s24] =	ssyncset.done $0x0  }
0x73: {  	[sflag:s24] =	ssyncadd.s32 $0xFFFFFF80  }
0x74: {  	_ =	swait.ge [sflag:s24], $0x80  }
0x75: {  	[sflag:s24] =	ssyncset.done $0x0  }
0x76: {  	[sflag:s24] =	ssyncadd.s32 $0xFFFFFF80  }
0x77: {  	_ =	swait.ge [sflag:s24], $0x80  }
0x78: {  	[sflag:s24] =	ssyncset.done $0x0  }
0x79: {  	[sflag:s24] =	ssyncadd.s32 $0xFFFFFF80  }
0x7a: {  	_ =	swait.ge [sflag:s24], $0x80  }
0x7b: {  	[sflag:s24] =	ssyncset.done $0x0  }
0x7c: {  	[sflag:s24] =	ssyncadd.s32 $0xFFFFFF80  }
0x7d: {  	_ =	swait.ge [sflag:s24], $0x80  }
0x7e: {  	[sflag:s24] =	ssyncset.done $0x0  }
0x7f: {  	[sflag:s24] =	ssyncadd.s32 $0xFFFFFF80  }
0x80: {  	_ =	swait.ge [sflag:s24], $0x80  }
0x81: {  	[sflag:s24] =	ssyncset.done $0x0  }
0x82: {  	[sflag:s24] =	ssyncadd.s32 $0xFFFFFF80  }
0x83: {  	_ =	swait.ge [sflag:s24], $0x80  }
0x84: {  	[sflag:s24] =	ssyncset.done $0x0  }
0x85: {  	[sflag:s24] =	ssyncadd.s32 $0xFFFFFF80  }
0x86: {  	_ =	swait.ge [sflag:s24], $0x80  }
0x87: {  	[sflag:s24] =	ssyncset.done $0x0  }
0x88: {  	[sflag:s24] =	ssyncadd.s32 $0xFFFFFF80  }
0x89: {  	_ =	swait.ge [sflag:s24], $0x80  }
0x8a: {  	[sflag:s24] =	ssyncset.done $0x0  }
0x8b: {  	[sflag:s24] =	ssyncadd.s32 $0xFFFFFF80  }
0x8c: {  	_ =	swait.ge [sflag:s24], $0x80  }
0x8d: {  	[sflag:s24] =	ssyncset.done $0x0  }
0x8e: {  	[sflag:s24] =	ssyncadd.s32 $0xFFFFFF80  }
0x8f: {  	_ =	swait.ge [sflag:s24], $0x80  }
0x90: {  	[sflag:s24] =	ssyncset.done $0x0  }
0x91: {  	[sflag:s24] =	ssyncadd.s32 $0xFFFFFF80  }
0x92: {  	_ =	swait.ge [sflag:s24], $0x80  }
0x93: {  	[sflag:s24] =	ssyncset.done $0x0  }
0x94: {  	[sflag:s24] =	ssyncadd.s32 $0xFFFFFF80  }
0x95: {  	_ =	swait.ge [sflag:s24], $0x80  }
0x96: {  	[sflag:s24] =	ssyncset.done $0x0  }
0x97: {  	[sflag:s24] =	ssyncadd.s32 $0xFFFFFF80  }
0x98: {  	_ =	swait.ge [sflag:s24], $0x80  }
0x99: {  	[sflag:s24] =	ssyncset.done $0x0  }
0x9a: {  	[sflag:s24] =	ssyncadd.s32 $0xFFFFFF80  }
0x9b: {  	_ =	swait.ge [sflag:s24], $0x80  }
0x9c: {  	[sflag:s24] =	ssyncset.done $0x0  }
0x9d: {  	[sflag:s24] =	ssyncadd.s32 $0xFFFFFF80  }
0x9e: {  	_ =	swait.ge [sflag:s24], $0x80  }
0x9f: {  	[sflag:s24] =	ssyncset.done $0x0  }
0xa0: {  	[sflag:s24] =	ssyncadd.s32 $0xFFFFFF80  }
0xa1: {  	_ =	swait.ge [sflag:s24], $0x80  }
0xa2: {  	[sflag:s24] =	ssyncset.done $0x0  }
0xa3: {  	[sflag:s24] =	ssyncadd.s32 $0xFFFFFF80  }
0xa4: {  	_ =	swait.ge [sflag:s24], $0x80  }
0xa5: {  	[sflag:s24] =	ssyncset.done $0x0  }
0xa6: {  	[sflag:s24] =	ssyncadd.s32 $0xFFFFFF80  }
0xa7: {  	_ =	swait.ge [sflag:s24], $0x80  }
0xa8: {  	[sflag:s24] =	ssyncset.done $0x0  }
0xa9: {  	s1 =	simm.s32 $0x1A00;
	s26 =	simm.s32 $0xD00;
	[sflag:s24] =	ssyncadd.s32 $0xFFFFFF80  }
0xaa: {  	[tilespmem:s1], [sflag:$0x2] =	stream.indirect.gather [hbm4b:s3+s4], $0x40, s26, s4, $0xb8;
	[tilespmem:$0x15A00] =	vst v63  }
0xab: {  	s16 =	simm.s32 $0x3A00;
	s26 =	simm.s32 $0xD80  }
0xac: {  	[tilespmem:s16], [sflag:$0x2] =	stream.indirect.gather [hbm4b:s3+s4], $0x40, s26, s4, $0xb8;
	[tilespmem:$0x15A00] =	vst v63  }
0xad: {  	s17 =	simm.s32 $0x5A00  }
0xae: {  	[tilespmem:s17], [sflag:$0x2] =	stream.indirect.gather [hbm4b:s3+s4], $0x40, s8, s4, $0xb8;
	[tilespmem:$0x15A00] =	vst v63  }
0xaf: {  	s17 =	simm.s32 $0x7A00  }
0xb0: {  	[tilespmem:s17], [sflag:$0x2] =	stream.indirect.gather [hbm4b:s3+s4], $0x40, s0, s4, $0xb8;
	[tilespmem:$0x15A00] =	vst v63  }
0xb1: {  	s25 =	simm.s32 $0x9A00  }
0xb2: {  	[tilespmem:s25], [sflag:$0x2] =	stream.indirect.gather [hbm4b:s3+s4], $0x40, s5, s4, $0xb8;
	[tilespmem:$0x15A00] =	vst v63  }
0xb3: {  	_ =	swait.ge [sflag:s7], $0x2000  }
0xb4: {  	[sflag:s7] =	ssyncset.done $0x0  }
0xb5: {  	[sflag:s7] =	ssyncadd.s32 $0xFFFFE000  }
0xb6: {  	_ =	swait.ge [sflag:s7], $0x2000  }
0xb7: {  	[sflag:s7] =	ssyncset.done $0x0  }
0xb8: {  	[sflag:s7] =	ssyncadd.s32 $0xFFFFE000  }
0xb9: {  	_ =	swait.ge [sflag:s7], $0x2000  }
0xba: {  	[sflag:s7] =	ssyncset.done $0x0  }
0xbb: {  	[sflag:s7] =	ssyncadd.s32 $0xFFFFE000  }
0xbc: {  	_ =	swait.ge [sflag:s7], $0x2000  }
0xbd: {  	[sflag:s7] =	ssyncset.done $0x0  }
0xbe: {  	[sflag:s7] =	ssyncadd.s32 $0xFFFFE000  }
0xbf: {  	_ =	swait.ge [sflag:s7], $0x2000  }
0xc0: {  	[sflag:s7] =	ssyncset.done $0x0  }
0xc1: {  	s31 =	simm.s32 $0x0;
	s5 =	rddreg [dreg:$0x4];
	[sflag:s7] =	ssyncadd.s32 $0xFFFFE000  }
0xc2: {  	[hbm4b:s5+s31] =	stream.linear.scatter [tilespmem:s1], [sflag:$0x3], $0xA000, $0x38;
	[tilespmem:$0x15A00] =	vst v63  }
0xc3: {  	s9 =	simm.s32 $0xBA00  }
0xc4: {  	[tilespmem:s9], [sflag:$0x2] =	stream.indirect.gather [hbm4b:s3+s4], $0x40, s29, s4, $0xb8;
	[tilespmem:$0x15A00] =	vst v63  }
0xc5: {  	s29 =	simm.s32 $0xDA00  }
0xc6: {  	[tilespmem:s29], [sflag:$0x2] =	stream.indirect.gather [hbm4b:s3+s4], $0x40, s12, s4, $0xb8;
	[tilespmem:$0x15A00] =	vst v63  }
0xc7: {  	s0 =	simm.s32 $0xFA00  }
0xc8: {  	[tilespmem:s0], [sflag:$0x2] =	stream.indirect.gather [hbm4b:s3+s4], $0x40, s14, s4, $0xb8;
	[tilespmem:$0x15A00] =	vst v63  }
0xc9: {  	s14 =	simm.s32 $0x11A00  }
0xca: {  	[tilespmem:s14], [sflag:$0x2] =	stream.indirect.gather [hbm4b:s3+s4], $0x40, s10, s4, $0xb8;
	[tilespmem:$0x15A00] =	vst v63  }
0xcb: {  	s10 =	simm.s32 $0x13A00  }
0xcc: {  	[tilespmem:s10], [sflag:$0x2] =	stream.indirect.gather [hbm4b:s3+s4], $0x40, s11, s4, $0xb8;
	[tilespmem:$0x15A00] =	vst v63  }
0xcd: {  	_ =	swait.ge [sflag:s7], $0x2000  }
0xce: {  	[sflag:s7] =	ssyncset.done $0x0  }
0xcf: {  	[sflag:s7] =	ssyncadd.s32 $0xFFFFE000  }
0xd0: {  	_ =	swait.ge [sflag:s7], $0x2000  }
0xd1: {  	[sflag:s7] =	ssyncset.done $0x0  }
0xd2: {  	[sflag:s7] =	ssyncadd.s32 $0xFFFFE000  }
0xd3: {  	_ =	swait.ge [sflag:s7], $0x2000  }
0xd4: {  	[sflag:s7] =	ssyncset.done $0x0  }
0xd5: {  	[sflag:s7] =	ssyncadd.s32 $0xFFFFE000  }
0xd6: {  	_ =	swait.ge [sflag:s7], $0x2000  }
0xd7: {  	[sflag:s7] =	ssyncset.done $0x0  }
0xd8: {  	[sflag:s7] =	ssyncadd.s32 $0xFFFFE000  }
0xd9: {  	_ =	swait.ge [sflag:s7], $0x2000  }
0xda: {  	[sflag:s7] =	ssyncset.done $0x0  }
0xdb: {  	s8 =	rddreg [dreg:$0x5];
	[sflag:s7] =	ssyncadd.s32 $0xFFFFE000  }
0xdc: {  	[hbm4b:s8+s31] =	stream.linear.scatter [tilespmem:s9], [sflag:$0x3], $0xA000, $0x38;
	[tilespmem:$0x15A00] =	vst v63  }
0xdd: {  	_ =	swait.ge [sflag:s6], $0xA000  }
0xde: {  	[sflag:s6] =	ssyncset.done $0x0  }
0xdf: {  	[sflag:s6] =	ssyncadd.s32 $0xFFFF6000  }
0xe0: {  	[tilespmem:s1], [sflag:$0x2] =	stream.indirect.gather [hbm4b:s3+s4], $0x40, s19, s4, $0xb8;
	[tilespmem:$0x15A00] =	vst v63  }
0xe1: {  	_ = 	snop  }
0xe2: {  	[tilespmem:s16], [sflag:$0x2] =	stream.indirect.gather [hbm4b:s3+s4], $0x40, s22, s4, $0xb8;
	[tilespmem:$0x15A00] =	vst v63  }
0xe3: {  	s16 =	simm.s32 $0x5A00  }
0xe4: {  	[tilespmem:s16], [sflag:$0x2] =	stream.indirect.gather [hbm4b:s3+s4], $0x40, s20, s4, $0xb8;
	[tilespmem:$0x15A00] =	vst v63  }
0xe5: {  	_ = 	snop  }
0xe6: {  	[tilespmem:s17], [sflag:$0x2] =	stream.indirect.gather [hbm4b:s3+s4], $0x40, s13, s4, $0xb8;
	[tilespmem:$0x15A00] =	vst v63  }
0xe7: {  	_ = 	snop  }
0xe8: {  	[tilespmem:s25], [sflag:$0x2] =	stream.indirect.gather [hbm4b:s3+s4], $0x40, s21, s4, $0xb8;
	[tilespmem:$0x15A00] =	vst v63  }
0xe9: {  	_ =	swait.ge [sflag:s7], $0x2000  }
0xea: {  	[sflag:s7] =	ssyncset.done $0x0  }
0xeb: {  	[sflag:s7] =	ssyncadd.s32 $0xFFFFE000  }
0xec: {  	_ =	swait.ge [sflag:s7], $0x2000  }
0xed: {  	[sflag:s7] =	ssyncset.done $0x0  }
0xee: {  	[sflag:s7] =	ssyncadd.s32 $0xFFFFE000  }
0xef: {  	_ =	swait.ge [sflag:s7], $0x2000  }
0xf0: {  	[sflag:s7] =	ssyncset.done $0x0  }
0xf1: {  	[sflag:s7] =	ssyncadd.s32 $0xFFFFE000  }
0xf2: {  	_ =	swait.ge [sflag:s7], $0x2000  }
0xf3: {  	[sflag:s7] =	ssyncset.done $0x0  }
0xf4: {  	[sflag:s7] =	ssyncadd.s32 $0xFFFFE000  }
0xf5: {  	_ =	swait.ge [sflag:s7], $0x2000  }
0xf6: {  	[sflag:s7] =	ssyncset.done $0x0  }
0xf7: {  	s11 =	rddreg [dreg:$0x6];
	[sflag:s7] =	ssyncadd.s32 $0xFFFFE000  }
0xf8: {  	[hbm4b:s11+s31] =	stream.linear.scatter [tilespmem:s1], [sflag:$0x3], $0xA000, $0x38;
	[tilespmem:$0x15A00] =	vst v63  }
0xf9: {  	_ =	swait.ge [sflag:s6], $0xA000  }
0xfa: {  	[sflag:s6] =	ssyncset.done $0x0  }
0xfb: {  	s12 =	simm.s32 $0x1480;
	[sflag:s6] =	ssyncadd.s32 $0xFFFF6000  }
0xfc: {  	[tilespmem:s9], [sflag:$0x2] =	stream.indirect.gather [hbm4b:s3+s4], $0x40, s12, s4, $0xb8;
	[tilespmem:$0x15A00] =	vst v63  }
0xfd: {  	s19 =	simm.s32 $0x1500  }
0xfe: {  	[tilespmem:s29], [sflag:$0x2] =	stream.indirect.gather [hbm4b:s3+s4], $0x40, s19, s4, $0xb8;
	[tilespmem:$0x15A00] =	vst v63  }
0xff: {  	s20 =	simm.s32 $0x1580  }
0x100: {  	[tilespmem:s0], [sflag:$0x2] =	stream.indirect.gather [hbm4b:s3+s4], $0x40, s20, s4, $0xb8;
	[tilespmem:$0x15A00] =	vst v63  }
0x101: {  	_ = 	snop  }
0x102: {  	[tilespmem:s14], [sflag:$0x2] =	stream.indirect.gather [hbm4b:s3+s4], $0x40, s18, s4, $0xb8;
	[tilespmem:$0x15A00] =	vst v63  }
0x103: {  	_ = 	snop  }
0x104: {  	[tilespmem:s10], [sflag:$0x2] =	stream.indirect.gather [hbm4b:s3+s4], $0x40, s15, s4, $0xb8;
	[tilespmem:$0x15A00] =	vst v63  }
0x105: {  	_ =	swait.ge [sflag:s7], $0x2000  }
0x106: {  	[sflag:s7] =	ssyncset.done $0x0  }
0x107: {  	[sflag:s7] =	ssyncadd.s32 $0xFFFFE000  }
0x108: {  	_ =	swait.ge [sflag:s7], $0x2000  }
0x109: {  	[sflag:s7] =	ssyncset.done $0x0  }
0x10a: {  	[sflag:s7] =	ssyncadd.s32 $0xFFFFE000  }
0x10b: {  	_ =	swait.ge [sflag:s7], $0x2000  }
0x10c: {  	[sflag:s7] =	ssyncset.done $0x0  }
0x10d: {  	[sflag:s7] =	ssyncadd.s32 $0xFFFFE000  }
0x10e: {  	_ =	swait.ge [sflag:s7], $0x2000  }
0x10f: {  	[sflag:s7] =	ssyncset.done $0x0  }
0x110: {  	[sflag:s7] =	ssyncadd.s32 $0xFFFFE000  }
0x111: {  	_ =	swait.ge [sflag:s7], $0x2000  }
0x112: {  	s13 =	simm.s32 $0xBA00;
	[sflag:s7] =	ssyncset.done $0x0  }
0x113: {  	s9 =	simm.s32 $0x0;
	s21 =	rddreg [dreg:$0x7];
	[sflag:s7] =	ssyncadd.s32 $0xFFFFE000  }
0x114: {  	[hbm4b:s21+s9] =	stream.linear.scatter [tilespmem:s13], [sflag:$0x3], $0xA000, $0x38;
	[tilespmem:$0x15A00] =	vst v63  }
0x115: {  	_ =	swait.ge [sflag:s6], $0xA000  }
0x116: {  	[sflag:s6] =	ssyncset.done $0x0  }
0x117: {  	s22 =	simm.s32 $0x1700;
	[sflag:s6] =	ssyncadd.s32 $0xFFFF6000  }
0x118: {  	[tilespmem:s1], [sflag:$0x2] =	stream.indirect.gather [hbm4b:s3+s4], $0x40, s22, s4, $0xb8;
	[tilespmem:$0x15A00] =	vst v63  }
0x119: {  	s25 =	simm.s32 $0x1780;
	s15 =	simm.s32 $0x3A00  }
0x11a: {  	[tilespmem:s15], [sflag:$0x2] =	stream.indirect.gather [hbm4b:s3+s4], $0x40, s25, s4, $0xb8;
	[tilespmem:$0x15A00] =	vst v63  }
0x11b: {  	s26 =	simm.s32 $0x1800  }
0x11c: {  	[tilespmem:s16], [sflag:$0x2] =	stream.indirect.gather [hbm4b:s3+s4], $0x40, s26, s4, $0xb8;
	[tilespmem:$0x15A00] =	vst v63  }
0x11d: {  	s29 =	simm.s32 $0x1880  }
0x11e: {  	[tilespmem:s17], [sflag:$0x2] =	stream.indirect.gather [hbm4b:s3+s4], $0x40, s29, s4, $0xb8;
	[tilespmem:$0x15A00] =	vst v63  }
0x11f: {  	s30 =	simm.s32 $0x1900;
	s18 =	simm.s32 $0x9A00  }
0x120: {  	[tilespmem:s18], [sflag:$0x2] =	stream.indirect.gather [hbm4b:s3+s4], $0x40, s30, s4, $0xb8;
	[tilespmem:$0x15A00] =	vst v63  }
0x121: {  	_ =	swait.ge [sflag:s7], $0x2000  }
0x122: {  	[sflag:s7] =	ssyncset.done $0x0  }
0x123: {  	[sflag:s7] =	ssyncadd.s32 $0xFFFFE000  }
0x124: {  	_ =	swait.ge [sflag:s7], $0x2000  }
0x125: {  	[sflag:s7] =	ssyncset.done $0x0  }
0x126: {  	[sflag:s7] =	ssyncadd.s32 $0xFFFFE000  }
0x127: {  	_ =	swait.ge [sflag:s7], $0x2000  }
0x128: {  	[sflag:s7] =	ssyncset.done $0x0  }
0x129: {  	[sflag:s7] =	ssyncadd.s32 $0xFFFFE000  }
0x12a: {  	_ =	swait.ge [sflag:s7], $0x2000  }
0x12b: {  	[sflag:s7] =	ssyncset.done $0x0  }
0x12c: {  	[sflag:s7] =	ssyncadd.s32 $0xFFFFE000  }
0x12d: {  	_ =	swait.ge [sflag:s7], $0x2000  }
0x12e: {  	[sflag:s7] =	ssyncset.done $0x0  }
0x12f: {  	s30 =	rddreg [dreg:$0x8];
	[sflag:s7] =	ssyncadd.s32 $0xFFFFE000  }
0x130: {  	[hbm4b:s30+s9] =	stream.linear.scatter [tilespmem:s1], [sflag:$0x3], $0xA000, $0x38;
	[tilespmem:$0x15A00] =	vst v63  }
0x131: {  	_ =	swait.ge [sflag:s6], $0xA000  }
0x132: {  	[sflag:s6] =	ssyncset.done $0x0  }
0x133: {  	[sflag:s6] =	ssyncadd.s32 $0xFFFF6000  }
0x134: {  	[tilespmem:s13], [sflag:$0x2] =	stream.indirect.gather [hbm4b:s3+s4], $0x40, s28, s4, $0xb8;
	[tilespmem:$0x15A00] =	vst v63  }
0x135: {  	_ =	swait.ge [sflag:s7], $0x2000  }
0x136: {  	[sflag:s7] =	ssyncset.done $0x0  }
0x137: {  	p1 =	sne.s32 s2, $0x1;
	s31 =	rddreg [dreg:$0x9];
	[sflag:s7] =	ssyncadd.s32 $0xFFFFE000  }
0x138: {  	[hbm4b:s31+s9] =	stream.linear.scatter [tilespmem:s13], [sflag:$0x3], $0x2000, $0x38;
	[tilespmem:$0x15A00] =	vst v63  }
.Ltmp1:
0x139: {  	_ =	swait.ge [sflag:s6], $0xA000;
	(pc) =	sbr.rel @!p1 .LBB2_6-.Ltmp1, $4  }
0x13a: {  	[sflag:s6] =	ssyncset.done $0x0  }
0x13b: {  	[sflag:s6] =	ssyncadd.s32 $0xFFFF6000  }
0x13c: {  	p0 =	por $0x1, $0x1;
	_ =	swait.ge [sflag:s6], $0x2000  }
0x13d: {  	s26 =	sadd.s32 $0xFFFFFFFF, s2;
	s28 =	rddreg [dreg:$0x3];
	[sflag:s6] =	ssyncset.done $0x0  }
0x13e: {  	s8 =	simm.s32 $0xD00;
	s2 =	simm.s32 $0x0;
	s30 =	simm.s32 $0xF80  }
0x13f: {  	s13 =	simm.s32 $0x1000;
	s12 =	simm.s32 $0x1100;
	s11 =	simm.s32 $0x1180  }
0x140: {  	s19 =	simm.s32 $0x1200;
	s22 =	simm.s32 $0x1280;
	s20 =	simm.s32 $0x1300  }
0x141: {  	s21 =	simm.s32 $0x1400;
	s31 =	simm.s32 $0x1600;
	s25 =	simm.s32 $0x9A00  }
.LBB2_3:
0x142: {  	[sflag:s6] =	ssyncadd.s32 $0xFFFFE000;
	s0 =	simm.s32 $0x4  }
0x143: {  	[tilespmem:s9], [sflag:$0x4] =	stream.linear.gather [hbm4b:s28+s9], $0xD00, $0x38;
	[tilespmem:$0x15A00] =	vst v63  }
0x144: {  	_ =	swait.ge [sflag:s0], $0xD00  }
0x145: {  	[sflag:s0] =	ssyncset.done $0x0  }
0x146: {  	[sflag:s0] =	ssyncadd.s32 $0xFFFFF300  }
0x147: {  	[tilespmem:s8], [sflag:$0x1] =	stream.indirect.gather [hbm4b:s23+s4], $0x1, s9, s4, $0xb8;
	[tilespmem:$0x15A00] =	vst v63  }
0x148: {  	s28 =	rddreg [dreg:$0xa];
	s0 =	simm.s32 $0xD80  }
0x149: {  	[tilespmem:s0], [sflag:$0x1] =	stream.indirect.gather [hbm4b:s23+s4], $0x1, s4, s4, $0xb8;
	[tilespmem:$0x15A00] =	vst v63  }
0x14a: {  	s5 =	simm.s32 $0xE00;
	s29 =	rddreg [dreg:$0xb]  }
0x14b: {  	[tilespmem:s5], [sflag:$0x1] =	stream.indirect.gather [hbm4b:s23+s4], $0x1, s28, s4, $0xb8;
	[tilespmem:$0x15A00] =	vst v63  }
0x14c: {  	s18 =	rddreg [dreg:$0xd];
	s9 =	simm.s32 $0xE80  }
0x14d: {  	[tilespmem:s9], [sflag:$0x1] =	stream.indirect.gather [hbm4b:s23+s4], $0x1, s29, s4, $0xb8;
	[tilespmem:$0x15A00] =	vst v63  }
0x14e: {  	s10 =	simm.s32 $0xF00;
	s28 =	rddreg [dreg:$0xc]  }
0x14f: {  	[tilespmem:s10], [sflag:$0x1] =	stream.indirect.gather [hbm4b:s23+s4], $0x1, s28, s4, $0xb8;
	[tilespmem:$0x15A00] =	vst v63  }
0x150: {  	s1 =	rddreg [dreg:$0xf]  }
0x151: {  	[tilespmem:s30], [sflag:$0x1] =	stream.indirect.gather [hbm4b:s23+s4], $0x1, s18, s4, $0xb8;
	[tilespmem:$0x15A00] =	vst v63  }
0x152: {  	s28 =	rddreg [dreg:$0xe]  }
0x153: {  	[tilespmem:s13], [sflag:$0x1] =	stream.indirect.gather [hbm4b:s23+s4], $0x1, s28, s4, $0xb8;
	[tilespmem:$0x15A00] =	vst v63  }
0x154: {  	s14 =	simm.s32 $0x1080;
	s15 =	rddreg [dreg:$0x11]  }
0x155: {  	[tilespmem:s14], [sflag:$0x1] =	stream.indirect.gather [hbm4b:s23+s4], $0x1, s1, s4, $0xb8;
	[tilespmem:$0x15A00] =	vst v63  }
0x156: {  	s28 =	rddreg [dreg:$0x10]  }
0x157: {  	[tilespmem:s12], [sflag:$0x1] =	stream.indirect.gather [hbm4b:s23+s4], $0x1, s28, s4, $0xb8;
	[tilespmem:$0x15A00] =	vst v63  }
0x158: {  	s16 =	rddreg [dreg:$0x13]  }
0x159: {  	[tilespmem:s11], [sflag:$0x1] =	stream.indirect.gather [hbm4b:s23+s4], $0x1, s15, s4, $0xb8;
	[tilespmem:$0x15A00] =	vst v63  }
0x15a: {  	s28 =	rddreg [dreg:$0x12]  }
0x15b: {  	[tilespmem:s19], [sflag:$0x1] =	stream.indirect.gather [hbm4b:s23+s4], $0x1, s28, s4, $0xb8;
	[tilespmem:$0x15A00] =	vst v63  }
0x15c: {  	s17 =	rddreg [dreg:$0x15]  }
0x15d: {  	[tilespmem:s22], [sflag:$0x1] =	stream.indirect.gather [hbm4b:s23+s4], $0x1, s16, s4, $0xb8;
	[tilespmem:$0x15A00] =	vst v63  }
0x15e: {  	s28 =	rddreg [dreg:$0x14]  }
0x15f: {  	[tilespmem:s20], [sflag:$0x1] =	stream.indirect.gather [hbm4b:s23+s4], $0x1, s28, s4, $0xb8;
	[tilespmem:$0x15A00] =	vst v63  }
0x160: {  	s29 =	rddreg [dreg:$0x1d];
	s15 =	simm.s32 $0x1380  }
0x161: {  	[tilespmem:s15], [sflag:$0x1] =	stream.indirect.gather [hbm4b:s23+s4], $0x1, s17, s4, $0xb8;
	[tilespmem:$0x15A00] =	vst v63  }
0x162: {  	s28 =	rddreg [dreg:$0x16]  }
0x163: {  	[tilespmem:s21], [sflag:$0x1] =	stream.indirect.gather [hbm4b:s23+s4], $0x1, s28, s4, $0xb8;
	[tilespmem:$0x15A00] =	vst v63  }
0x164: {  	s18 =	rddreg [dreg:$0x17];
	s1 =	simm.s32 $0x1480  }
0x165: {  	[tilespmem:s1], [sflag:$0x1] =	stream.indirect.gather [hbm4b:s23+s4], $0x1, s18, s4, $0xb8;
	[tilespmem:$0x15A00] =	vst v63  }
0x166: {  	s17 =	simm.s32 $0x1500;
	s28 =	rddreg [dreg:$0x18]  }
0x167: {  	[tilespmem:s17], [sflag:$0x1] =	stream.indirect.gather [hbm4b:s23+s4], $0x1, s28, s4, $0xb8;
	[tilespmem:$0x15A00] =	vst v63  }
0x168: {  	s16 =	rddreg [dreg:$0x19];
	s18 =	simm.s32 $0x1580  }
0x169: {  	[tilespmem:s18], [sflag:$0x1] =	stream.indirect.gather [hbm4b:s23+s4], $0x1, s16, s4, $0xb8;
	[tilespmem:$0x15A00] =	vst v63  }
0x16a: {  	s28 =	rddreg [dreg:$0x1a]  }
0x16b: {  	[tilespmem:s31], [sflag:$0x1] =	stream.indirect.gather [hbm4b:s23+s4], $0x1, s28, s4, $0xb8;
	[tilespmem:$0x15A00] =	vst v63  }
0x16c: {  	s1 =	rddreg [dreg:$0x1b];
	s18 =	simm.s32 $0x1680  }
0x16d: {  	[tilespmem:s18], [sflag:$0x1] =	stream.indirect.gather [hbm4b:s23+s4], $0x1, s1, s4, $0xb8;
	[tilespmem:$0x15A00] =	vst v63  }
0x16e: {  	s28 =	rddreg [dreg:$0x1c];
	s1 =	simm.s32 $0x1700  }
0x16f: {  	[tilespmem:s1], [sflag:$0x1] =	stream.indirect.gather [hbm4b:s23+s4], $0x1, s28, s4, $0xb8;
	[tilespmem:$0x15A00] =	vst v63  }
0x170: {  	s28 =	rddreg [dreg:$0x1e];
	s1 =	simm.s32 $0x1780  }
0x171: {  	[tilespmem:s1], [sflag:$0x1] =	stream.indirect.gather [hbm4b:s23+s4], $0x1, s29, s4, $0xb8;
	[tilespmem:$0x15A00] =	vst v63  }
0x172: {  	s29 =	rddreg [dreg:$0x1f];
	s1 =	simm.s32 $0x1800  }
0x173: {  	[tilespmem:s1], [sflag:$0x1] =	stream.indirect.gather [hbm4b:s23+s4], $0x1, s28, s4, $0xb8;
	[tilespmem:$0x15A00] =	vst v63  }
0x174: {  	s28 =	sld [smem:$0x7FC];
	s1 =	simm.s32 $0x1880  }
0x175: {  	[tilespmem:s1], [sflag:$0x1] =	stream.indirect.gather [hbm4b:s23+s4], $0x1, s29, s4, $0xb8;
	[tilespmem:$0x15A00] =	vst v63  }
0x176: {  	s29 =	sld [smem:$0x7FD];
	s1 =	simm.s32 $0x1900  }
0x177: {  	[tilespmem:s1], [sflag:$0x1] =	stream.indirect.gather [hbm4b:s23+s4], $0x1, s28, s4, $0xb8;
	[tilespmem:$0x15A00] =	vst v63  }
0x178: {  	s1 =	simm.s32 $0x1980  }
0x179: {  	[tilespmem:s1], [sflag:$0x1] =	stream.indirect.gather [hbm4b:s23+s4], $0x1, s29, s4, $0xb8;
	[tilespmem:$0x15A00] =	vst v63  }
0x17a: {  	_ =	swait.ge [sflag:s24], $0x80  }
0x17b: {  	[sflag:s24] =	ssyncset.done $0x0  }
0x17c: {  	[sflag:s24] =	ssyncadd.s32 $0xFFFFFF80  }
0x17d: {  	_ =	swait.ge [sflag:s24], $0x80  }
0x17e: {  	[sflag:s24] =	ssyncset.done $0x0  }
0x17f: {  	[sflag:s24] =	ssyncadd.s32 $0xFFFFFF80  }
0x180: {  	_ =	swait.ge [sflag:s24], $0x80  }
0x181: {  	[sflag:s24] =	ssyncset.done $0x0  }
0x182: {  	[sflag:s24] =	ssyncadd.s32 $0xFFFFFF80  }
0x183: {  	_ =	swait.ge [sflag:s24], $0x80  }
0x184: {  	[sflag:s24] =	ssyncset.done $0x0  }
0x185: {  	[sflag:s24] =	ssyncadd.s32 $0xFFFFFF80  }
0x186: {  	_ =	swait.ge [sflag:s24], $0x80  }
0x187: {  	[sflag:s24] =	ssyncset.done $0x0  }
0x188: {  	[sflag:s24] =	ssyncadd.s32 $0xFFFFFF80  }
0x189: {  	_ =	swait.ge [sflag:s24], $0x80  }
0x18a: {  	[sflag:s24] =	ssyncset.done $0x0  }
0x18b: {  	[sflag:s24] =	ssyncadd.s32 $0xFFFFFF80  }
0x18c: {  	_ =	swait.ge [sflag:s24], $0x80  }
0x18d: {  	[sflag:s24] =	ssyncset.done $0x0  }
0x18e: {  	[sflag:s24] =	ssyncadd.s32 $0xFFFFFF80  }
0x18f: {  	_ =	swait.ge [sflag:s24], $0x80  }
0x190: {  	[sflag:s24] =	ssyncset.done $0x0  }
0x191: {  	[sflag:s24] =	ssyncadd.s32 $0xFFFFFF80  }
0x192: {  	_ =	swait.ge [sflag:s24], $0x80  }
0x193: {  	[sflag:s24] =	ssyncset.done $0x0  }
0x194: {  	[sflag:s24] =	ssyncadd.s32 $0xFFFFFF80  }
0x195: {  	_ =	swait.ge [sflag:s24], $0x80  }
0x196: {  	[sflag:s24] =	ssyncset.done $0x0  }
0x197: {  	[sflag:s24] =	ssyncadd.s32 $0xFFFFFF80  }
0x198: {  	_ =	swait.ge [sflag:s24], $0x80  }
0x199: {  	[sflag:s24] =	ssyncset.done $0x0  }
0x19a: {  	[sflag:s24] =	ssyncadd.s32 $0xFFFFFF80  }
0x19b: {  	_ =	swait.ge [sflag:s24], $0x80  }
0x19c: {  	[sflag:s24] =	ssyncset.done $0x0  }
0x19d: {  	[sflag:s24] =	ssyncadd.s32 $0xFFFFFF80  }
0x19e: {  	_ =	swait.ge [sflag:s24], $0x80  }
0x19f: {  	[sflag:s24] =	ssyncset.done $0x0  }
0x1a0: {  	[sflag:s24] =	ssyncadd.s32 $0xFFFFFF80  }
0x1a1: {  	_ =	swait.ge [sflag:s24], $0x80  }
0x1a2: {  	[sflag:s24] =	ssyncset.done $0x0  }
0x1a3: {  	[sflag:s24] =	ssyncadd.s32 $0xFFFFFF80  }
0x1a4: {  	_ =	swait.ge [sflag:s24], $0x80  }
0x1a5: {  	[sflag:s24] =	ssyncset.done $0x0  }
0x1a6: {  	[sflag:s24] =	ssyncadd.s32 $0xFFFFFF80  }
0x1a7: {  	_ =	swait.ge [sflag:s24], $0x80  }
0x1a8: {  	[sflag:s24] =	ssyncset.done $0x0  }
0x1a9: {  	[sflag:s24] =	ssyncadd.s32 $0xFFFFFF80  }
0x1aa: {  	_ =	swait.ge [sflag:s24], $0x80  }
0x1ab: {  	[sflag:s24] =	ssyncset.done $0x0  }
0x1ac: {  	[sflag:s24] =	ssyncadd.s32 $0xFFFFFF80  }
0x1ad: {  	_ =	swait.ge [sflag:s24], $0x80  }
0x1ae: {  	[sflag:s24] =	ssyncset.done $0x0  }
0x1af: {  	[sflag:s24] =	ssyncadd.s32 $0xFFFFFF80  }
0x1b0: {  	_ =	swait.ge [sflag:s24], $0x80  }
0x1b1: {  	[sflag:s24] =	ssyncset.done $0x0  }
0x1b2: {  	[sflag:s24] =	ssyncadd.s32 $0xFFFFFF80  }
0x1b3: {  	_ =	swait.ge [sflag:s24], $0x80  }
0x1b4: {  	[sflag:s24] =	ssyncset.done $0x0  }
0x1b5: {  	[sflag:s24] =	ssyncadd.s32 $0xFFFFFF80  }
0x1b6: {  	_ =	swait.ge [sflag:s24], $0x80  }
0x1b7: {  	[sflag:s24] =	ssyncset.done $0x0  }
0x1b8: {  	[sflag:s24] =	ssyncadd.s32 $0xFFFFFF80  }
0x1b9: {  	_ =	swait.ge [sflag:s24], $0x80  }
0x1ba: {  	[sflag:s24] =	ssyncset.done $0x0  }
0x1bb: {  	[sflag:s24] =	ssyncadd.s32 $0xFFFFFF80  }
0x1bc: {  	_ =	swait.ge [sflag:s24], $0x80  }
0x1bd: {  	[sflag:s24] =	ssyncset.done $0x0  }
0x1be: {  	[sflag:s24] =	ssyncadd.s32 $0xFFFFFF80  }
0x1bf: {  	_ =	swait.ge [sflag:s24], $0x80  }
0x1c0: {  	[sflag:s24] =	ssyncset.done $0x0  }
0x1c1: {  	[sflag:s24] =	ssyncadd.s32 $0xFFFFFF80  }
0x1c2: {  	_ =	swait.ge [sflag:s24], $0x80  }
0x1c3: {  	[sflag:s24] =	ssyncset.done $0x0  }
0x1c4: {  	[sflag:s24] =	ssyncadd.s32 $0xFFFFFF80  }
0x1c5: {  	_ =	swait.ge [sflag:s24], $0x80  }
0x1c6: {  	[sflag:s24] =	ssyncset.done $0x0  }
0x1c7: {  	s1 =	simm.s32 $0x1A00;
	[sflag:s24] =	ssyncadd.s32 $0xFFFFFF80  }
0x1c8: {  	[tilespmem:s1], [sflag:$0x2] =	stream.indirect.gather [hbm4b:s3+s4], $0x40, s8, s4, $0xb8;
	[tilespmem:$0x15A00] =	vst v63  }
0x1c9: {  	s16 =	simm.s32 $0x3A00  }
0x1ca: {  	[tilespmem:s16], [sflag:$0x2] =	stream.indirect.gather [hbm4b:s3+s4], $0x40, s0, s4, $0xb8;
	[tilespmem:$0x15A00] =	vst v63  }
0x1cb: {  	s17 =	simm.s32 $0x5A00  }
0x1cc: {  	[tilespmem:s17], [sflag:$0x2] =	stream.indirect.gather [hbm4b:s3+s4], $0x40, s5, s4, $0xb8;
	[tilespmem:$0x15A00] =	vst v63  }
0x1cd: {  	s17 =	simm.s32 $0x7A00  }
0x1ce: {  	[tilespmem:s17], [sflag:$0x2] =	stream.indirect.gather [hbm4b:s3+s4], $0x40, s9, s4, $0xb8;
	[tilespmem:$0x15A00] =	vst v63  }
0x1cf: {  	_ = 	snop  }
0x1d0: {  	[tilespmem:s25], [sflag:$0x2] =	stream.indirect.gather [hbm4b:s3+s4], $0x40, s10, s4, $0xb8;
	[tilespmem:$0x15A00] =	vst v63  }
0x1d1: {  	_ =	swait.ge [sflag:s7], $0x2000  }
0x1d2: {  	[sflag:s7] =	ssyncset.done $0x0  }
0x1d3: {  	[sflag:s7] =	ssyncadd.s32 $0xFFFFE000  }
0x1d4: {  	_ =	swait.ge [sflag:s7], $0x2000  }
0x1d5: {  	[sflag:s7] =	ssyncset.done $0x0  }
0x1d6: {  	[sflag:s7] =	ssyncadd.s32 $0xFFFFE000  }
0x1d7: {  	_ =	swait.ge [sflag:s7], $0x2000  }
0x1d8: {  	[sflag:s7] =	ssyncset.done $0x0  }
0x1d9: {  	[sflag:s7] =	ssyncadd.s32 $0xFFFFE000  }
0x1da: {  	_ =	swait.ge [sflag:s7], $0x2000  }
0x1db: {  	[sflag:s7] =	ssyncset.done $0x0  }
0x1dc: {  	[sflag:s7] =	ssyncadd.s32 $0xFFFFE000  }
0x1dd: {  	_ =	swait.ge [sflag:s7], $0x2000  }
0x1de: {  	[sflag:s7] =	ssyncset.done $0x0  }
0x1df: {  	s28 =	rddreg [dreg:$0x4];
	[sflag:s7] =	ssyncadd.s32 $0xFFFFE000  }
0x1e0: {  	[hbm4b:s28+s2] =	stream.linear.scatter [tilespmem:s1], [sflag:$0x3], $0xA000, $0x38;
	[tilespmem:$0x15A00] =	vst v63  }
0x1e1: {  	s10 =	simm.s32 $0xBA00  }
0x1e2: {  	[tilespmem:s10], [sflag:$0x2] =	stream.indirect.gather [hbm4b:s3+s4], $0x40, s30, s4, $0xb8;
	[tilespmem:$0x15A00] =	vst v63  }
0x1e3: {  	s29 =	simm.s32 $0xDA00  }
0x1e4: {  	[tilespmem:s29], [sflag:$0x2] =	stream.indirect.gather [hbm4b:s3+s4], $0x40, s13, s4, $0xb8;
	[tilespmem:$0x15A00] =	vst v63  }
0x1e5: {  	s5 =	simm.s32 $0xFA00  }
0x1e6: {  	[tilespmem:s5], [sflag:$0x2] =	stream.indirect.gather [hbm4b:s3+s4], $0x40, s14, s4, $0xb8;
	[tilespmem:$0x15A00] =	vst v63  }
0x1e7: {  	s14 =	simm.s32 $0x11A00  }
0x1e8: {  	[tilespmem:s14], [sflag:$0x2] =	stream.indirect.gather [hbm4b:s3+s4], $0x40, s12, s4, $0xb8;
	[tilespmem:$0x15A00] =	vst v63  }
0x1e9: {  	s10 =	simm.s32 $0x13A00  }
0x1ea: {  	[tilespmem:s10], [sflag:$0x2] =	stream.indirect.gather [hbm4b:s3+s4], $0x40, s11, s4, $0xb8;
	[tilespmem:$0x15A00] =	vst v63  }
0x1eb: {  	_ =	swait.ge [sflag:s7], $0x2000  }
0x1ec: {  	[sflag:s7] =	ssyncset.done $0x0  }
0x1ed: {  	[sflag:s7] =	ssyncadd.s32 $0xFFFFE000  }
0x1ee: {  	_ =	swait.ge [sflag:s7], $0x2000  }
0x1ef: {  	[sflag:s7] =	ssyncset.done $0x0  }
0x1f0: {  	[sflag:s7] =	ssyncadd.s32 $0xFFFFE000  }
0x1f1: {  	_ =	swait.ge [sflag:s7], $0x2000  }
0x1f2: {  	[sflag:s7] =	ssyncset.done $0x0  }
0x1f3: {  	[sflag:s7] =	ssyncadd.s32 $0xFFFFE000  }
0x1f4: {  	_ =	swait.ge [sflag:s7], $0x2000  }
0x1f5: {  	[sflag:s7] =	ssyncset.done $0x0  }
0x1f6: {  	[sflag:s7] =	ssyncadd.s32 $0xFFFFE000  }
0x1f7: {  	_ =	swait.ge [sflag:s7], $0x2000  }
0x1f8: {  	[sflag:s7] =	ssyncset.done $0x0  }
0x1f9: {  	s9 =	simm.s32 $0xBA00;
	s28 =	rddreg [dreg:$0x5];
	[sflag:s7] =	ssyncadd.s32 $0xFFFFE000  }
0x1fa: {  	[hbm4b:s28+s2] =	stream.linear.scatter [tilespmem:s9], [sflag:$0x3], $0xA000, $0x38;
	[tilespmem:$0x15A00] =	vst v63  }
0x1fb: {  	_ =	swait.ge [sflag:s6], $0xA000  }
0x1fc: {  	[sflag:s6] =	ssyncset.done $0x0  }
0x1fd: {  	[sflag:s6] =	ssyncadd.s32 $0xFFFF6000  }
0x1fe: {  	[tilespmem:s1], [sflag:$0x2] =	stream.indirect.gather [hbm4b:s3+s4], $0x40, s19, s4, $0xb8;
	[tilespmem:$0x15A00] =	vst v63  }
0x1ff: {  	_ = 	snop  }
0x200: {  	[tilespmem:s16], [sflag:$0x2] =	stream.indirect.gather [hbm4b:s3+s4], $0x40, s22, s4, $0xb8;
	[tilespmem:$0x15A00] =	vst v63  }
0x201: {  	s16 =	simm.s32 $0x5A00  }
0x202: {  	[tilespmem:s16], [sflag:$0x2] =	stream.indirect.gather [hbm4b:s3+s4], $0x40, s20, s4, $0xb8;
	[tilespmem:$0x15A00] =	vst v63  }
0x203: {  	_ = 	snop  }
0x204: {  	[tilespmem:s17], [sflag:$0x2] =	stream.indirect.gather [hbm4b:s3+s4], $0x40, s15, s4, $0xb8;
	[tilespmem:$0x15A00] =	vst v63  }
0x205: {  	_ = 	snop  }
0x206: {  	[tilespmem:s25], [sflag:$0x2] =	stream.indirect.gather [hbm4b:s3+s4], $0x40, s21, s4, $0xb8;
	[tilespmem:$0x15A00] =	vst v63  }
0x207: {  	_ =	swait.ge [sflag:s7], $0x2000  }
0x208: {  	[sflag:s7] =	ssyncset.done $0x0  }
0x209: {  	[sflag:s7] =	ssyncadd.s32 $0xFFFFE000  }
0x20a: {  	_ =	swait.ge [sflag:s7], $0x2000  }
0x20b: {  	[sflag:s7] =	ssyncset.done $0x0  }
0x20c: {  	[sflag:s7] =	ssyncadd.s32 $0xFFFFE000  }
0x20d: {  	_ =	swait.ge [sflag:s7], $0x2000  }
0x20e: {  	[sflag:s7] =	ssyncset.done $0x0  }
0x20f: {  	[sflag:s7] =	ssyncadd.s32 $0xFFFFE000  }
0x210: {  	_ =	swait.ge [sflag:s7], $0x2000  }
0x211: {  	[sflag:s7] =	ssyncset.done $0x0  }
0x212: {  	[sflag:s7] =	ssyncadd.s32 $0xFFFFE000  }
0x213: {  	_ =	swait.ge [sflag:s7], $0x2000  }
0x214: {  	[sflag:s7] =	ssyncset.done $0x0  }
0x215: {  	s28 =	rddreg [dreg:$0x6];
	[sflag:s7] =	ssyncadd.s32 $0xFFFFE000  }
0x216: {  	[hbm4b:s28+s2] =	stream.linear.scatter [tilespmem:s1], [sflag:$0x3], $0xA000, $0x38;
	[tilespmem:$0x15A00] =	vst v63  }
0x217: {  	_ =	swait.ge [sflag:s6], $0xA000  }
0x218: {  	[sflag:s6] =	ssyncset.done $0x0  }
0x219: {  	s15 =	simm.s32 $0x1480;
	[sflag:s6] =	ssyncadd.s32 $0xFFFF6000  }
0x21a: {  	[tilespmem:s9], [sflag:$0x2] =	stream.indirect.gather [hbm4b:s3+s4], $0x40, s15, s4, $0xb8;
	[tilespmem:$0x15A00] =	vst v63  }
0x21b: {  	s15 =	simm.s32 $0x1500  }
0x21c: {  	[tilespmem:s29], [sflag:$0x2] =	stream.indirect.gather [hbm4b:s3+s4], $0x40, s15, s4, $0xb8;
	[tilespmem:$0x15A00] =	vst v63  }
0x21d: {  	s15 =	simm.s32 $0x1580  }
0x21e: {  	[tilespmem:s5], [sflag:$0x2] =	stream.indirect.gather [hbm4b:s3+s4], $0x40, s15, s4, $0xb8;
	[tilespmem:$0x15A00] =	vst v63  }
0x21f: {  	_ = 	snop  }
0x220: {  	[tilespmem:s14], [sflag:$0x2] =	stream.indirect.gather [hbm4b:s3+s4], $0x40, s31, s4, $0xb8;
	[tilespmem:$0x15A00] =	vst v63  }
0x221: {  	_ = 	snop  }
0x222: {  	[tilespmem:s10], [sflag:$0x2] =	stream.indirect.gather [hbm4b:s3+s4], $0x40, s18, s4, $0xb8;
	[tilespmem:$0x15A00] =	vst v63  }
0x223: {  	_ =	swait.ge [sflag:s7], $0x2000  }
0x224: {  	[sflag:s7] =	ssyncset.done $0x0  }
0x225: {  	[sflag:s7] =	ssyncadd.s32 $0xFFFFE000  }
0x226: {  	_ =	swait.ge [sflag:s7], $0x2000  }
0x227: {  	[sflag:s7] =	ssyncset.done $0x0  }
0x228: {  	[sflag:s7] =	ssyncadd.s32 $0xFFFFE000  }
0x229: {  	_ =	swait.ge [sflag:s7], $0x2000  }
0x22a: {  	[sflag:s7] =	ssyncset.done $0x0  }
0x22b: {  	[sflag:s7] =	ssyncadd.s32 $0xFFFFE000  }
0x22c: {  	_ =	swait.ge [sflag:s7], $0x2000  }
0x22d: {  	[sflag:s7] =	ssyncset.done $0x0  }
0x22e: {  	[sflag:s7] =	ssyncadd.s32 $0xFFFFE000  }
0x22f: {  	_ =	swait.ge [sflag:s7], $0x2000  }
0x230: {  	[sflag:s7] =	ssyncset.done $0x0  }
0x231: {  	s28 =	rddreg [dreg:$0x7];
	[sflag:s7] =	ssyncadd.s32 $0xFFFFE000  }
0x232: {  	[hbm4b:s28+s2] =	stream.linear.scatter [tilespmem:s9], [sflag:$0x3], $0xA000, $0x38;
	[tilespmem:$0x15A00] =	vst v63  }
0x233: {  	_ =	swait.ge [sflag:s6], $0xA000  }
0x234: {  	[sflag:s6] =	ssyncset.done $0x0  }
0x235: {  	s18 =	simm.s32 $0x1700;
	[sflag:s6] =	ssyncadd.s32 $0xFFFF6000  }
0x236: {  	[tilespmem:s1], [sflag:$0x2] =	stream.indirect.gather [hbm4b:s3+s4], $0x40, s18, s4, $0xb8;
	[tilespmem:$0x15A00] =	vst v63  }
0x237: {  	s29 =	simm.s32 $0x1780;
	s15 =	simm.s32 $0x3A00  }
0x238: {  	[tilespmem:s15], [sflag:$0x2] =	stream.indirect.gather [hbm4b:s3+s4], $0x40, s29, s4, $0xb8;
	[tilespmem:$0x15A00] =	vst v63  }
0x239: {  	s5 =	simm.s32 $0x1800  }
0x23a: {  	[tilespmem:s16], [sflag:$0x2] =	stream.indirect.gather [hbm4b:s3+s4], $0x40, s5, s4, $0xb8;
	[tilespmem:$0x15A00] =	vst v63  }
0x23b: {  	s10 =	simm.s32 $0x1880  }
0x23c: {  	[tilespmem:s17], [sflag:$0x2] =	stream.indirect.gather [hbm4b:s3+s4], $0x40, s10, s4, $0xb8;
	[tilespmem:$0x15A00] =	vst v63  }
0x23d: {  	s14 =	simm.s32 $0x1900;
	s18 =	simm.s32 $0x9A00  }
0x23e: {  	[tilespmem:s18], [sflag:$0x2] =	stream.indirect.gather [hbm4b:s3+s4], $0x40, s14, s4, $0xb8;
	[tilespmem:$0x15A00] =	vst v63  }
0x23f: {  	_ =	swait.ge [sflag:s7], $0x2000  }
0x240: {  	[sflag:s7] =	ssyncset.done $0x0  }
0x241: {  	[sflag:s7] =	ssyncadd.s32 $0xFFFFE000  }
0x242: {  	_ =	swait.ge [sflag:s7], $0x2000  }
0x243: {  	[sflag:s7] =	ssyncset.done $0x0  }
0x244: {  	[sflag:s7] =	ssyncadd.s32 $0xFFFFE000  }
0x245: {  	_ =	swait.ge [sflag:s7], $0x2000  }
0x246: {  	[sflag:s7] =	ssyncset.done $0x0  }
0x247: {  	[sflag:s7] =	ssyncadd.s32 $0xFFFFE000  }
0x248: {  	_ =	swait.ge [sflag:s7], $0x2000  }
0x249: {  	[sflag:s7] =	ssyncset.done $0x0  }
0x24a: {  	[sflag:s7] =	ssyncadd.s32 $0xFFFFE000  }
0x24b: {  	_ =	swait.ge [sflag:s7], $0x2000  }
0x24c: {  	[sflag:s7] =	ssyncset.done $0x0  }
0x24d: {  	s28 =	rddreg [dreg:$0x8];
	[sflag:s7] =	ssyncadd.s32 $0xFFFFE000  }
0x24e: {  	[hbm4b:s28+s2] =	stream.linear.scatter [tilespmem:s1], [sflag:$0x3], $0xA000, $0x38;
	[tilespmem:$0x15A00] =	vst v63  }
0x24f: {  	_ =	swait.ge [sflag:s6], $0xA000  }
0x250: {  	[sflag:s6] =	ssyncset.done $0x0  }
0x251: {  	s29 =	simm.s32 $0x1980;
	[sflag:s6] =	ssyncadd.s32 $0xFFFF6000  }
0x252: {  	[tilespmem:s9], [sflag:$0x2] =	stream.indirect.gather [hbm4b:s3+s4], $0x40, s29, s4, $0xb8;
	[tilespmem:$0x15A00] =	vst v63  }
0x253: {  	_ =	swait.ge [sflag:s7], $0x2000  }
0x254: {  	[sflag:s7] =	ssyncset.done $0x0  }
0x255: {  	p1 =	sne.s32 s26, $0x1;
	s28 =	rddreg [dreg:$0x9];
	[sflag:s7] =	ssyncadd.s32 $0xFFFFE000  }
0x256: {  	[hbm4b:s28+s2] =	stream.linear.scatter [tilespmem:s9], [sflag:$0x3], $0x2000, $0x38;
	[tilespmem:$0x15A00] =	vst v63  }
.Ltmp2:
0x257: {  	_ =	swait.ge [sflag:s6], $0xA000;
	(pc) =	sbr.rel @p1 .LBB2_3-.Ltmp2, $4  }
0x258: {  	[sflag:s6] =	ssyncset.done $0x0  }
0x259: {  	[sflag:s6] =	ssyncadd.s32 $0xFFFF6000  }
0x25a: {  	s26 =	sadd.s32 $0xFFFFFFFF, s26;
	_ =	swait.ge [sflag:s6], $0x2000  }
0x25b: {  	s9 =	simm.s32 $0x0;
	s28 =	rddreg [dreg:$0x3];
	[sflag:s6] =	ssyncset.done $0x0  }
0x25c: {  	s29 =	stileid.u32;
	s21 =	simm.s32 $0xD00  }
0x25d: {  	s26 =	simm.s32 $0xD80;
	s13 =	simm.s32 $0xE00;
	s1 =	simm.s32 $0xE80  }
0x25e: {  	s31 =	simm.s32 $0xF00;
	s10 =	simm.s32 $0x4;
	s2 =	simm.s32 $0x1A00  }
.LBB2_5:
0x25f: {  	[sflag:s6] =	ssyncadd.s32 @p0 $0xFFFFE000  }
0x260: {  	[tilespmem:s9], [sflag:$0x4] =	stream.linear.gather [hbm4b:s28+s9], $0xD00, $0x38;
	[tilespmem:$0x15A00] =	vst v63  }
0x261: {  	_ =	swait.ge [sflag:s10], $0xD00  }
0x262: {  	[sflag:s10] =	ssyncset.done $0x0  }
0x263: {  	[sflag:s10] =	ssyncadd.s32 $0xFFFFF300  }
0x264: {  	[tilespmem:s21], [sflag:$0x1] =	stream.indirect.gather [hbm4b:s23+s4], $0x1, s9, s4, $0xb8;
	[tilespmem:$0x15A00] =	vst v63  }
0x265: {  	s25 =	rddreg [dreg:$0xa]  }
0x266: {  	[tilespmem:s26], [sflag:$0x1] =	stream.indirect.gather [hbm4b:s23+s4], $0x1, s4, s4, $0xb8;
	[tilespmem:$0x15A00] =	vst v63  }
0x267: {  	s11 =	rddreg [dreg:$0xb]  }
0x268: {  	[tilespmem:s13], [sflag:$0x1] =	stream.indirect.gather [hbm4b:s23+s4], $0x1, s25, s4, $0xb8;
	[tilespmem:$0x15A00] =	vst v63  }
0x269: {  	s12 =	rddreg [dreg:$0xc]  }
0x26a: {  	[tilespmem:s1], [sflag:$0x1] =	stream.indirect.gather [hbm4b:s23+s4], $0x1, s11, s4, $0xb8;
	[tilespmem:$0x15A00] =	vst v63  }
0x26b: {  	s14 =	rddreg [dreg:$0xe]  }
0x26c: {  	[tilespmem:s31], [sflag:$0x1] =	stream.indirect.gather [hbm4b:s23+s4], $0x1, s12, s4, $0xb8;
	[tilespmem:$0x15A00] =	vst v63  }
0x26d: {  	s10 =	simm.s32 $0xF80;
	s13 =	rddreg [dreg:$0xd]  }
0x26e: {  	[tilespmem:s10], [sflag:$0x1] =	stream.indirect.gather [hbm4b:s23+s4], $0x1, s13, s4, $0xb8;
	[tilespmem:$0x15A00] =	vst v63  }
0x26f: {  	s5 =	simm.s32 $0x1000;
	s19 =	rddreg [dreg:$0xf]  }
0x270: {  	[tilespmem:s5], [sflag:$0x1] =	stream.indirect.gather [hbm4b:s23+s4], $0x1, s14, s4, $0xb8;
	[tilespmem:$0x15A00] =	vst v63  }
0x271: {  	s20 =	rddreg [dreg:$0x10];
	s1 =	simm.s32 $0x1080  }
0x272: {  	[tilespmem:s1], [sflag:$0x1] =	stream.indirect.gather [hbm4b:s23+s4], $0x1, s19, s4, $0xb8;
	[tilespmem:$0x15A00] =	vst v63  }
0x273: {  	s22 =	rddreg [dreg:$0x12];
	s11 =	simm.s32 $0x1100  }
0x274: {  	[tilespmem:s11], [sflag:$0x1] =	stream.indirect.gather [hbm4b:s23+s4], $0x1, s20, s4, $0xb8;
	[tilespmem:$0x15A00] =	vst v63  }
0x275: {  	s0 =	simm.s32 $0x1180;
	s21 =	rddreg [dreg:$0x11]  }
0x276: {  	[tilespmem:s0], [sflag:$0x1] =	stream.indirect.gather [hbm4b:s23+s4], $0x1, s21, s4, $0xb8;
	[tilespmem:$0x15A00] =	vst v63  }
0x277: {  	s28 =	rddreg [dreg:$0x13];
	s20 =	simm.s32 $0x1200  }
0x278: {  	[tilespmem:s20], [sflag:$0x1] =	stream.indirect.gather [hbm4b:s23+s4], $0x1, s22, s4, $0xb8;
	[tilespmem:$0x15A00] =	vst v63  }
0x279: {  	s30 =	rddreg [dreg:$0x14];
	s21 =	simm.s32 $0x1280  }
0x27a: {  	[tilespmem:s21], [sflag:$0x1] =	stream.indirect.gather [hbm4b:s23+s4], $0x1, s28, s4, $0xb8;
	[tilespmem:$0x15A00] =	vst v63  }
0x27b: {  	s8 =	rddreg [dreg:$0x16];
	s22 =	simm.s32 $0x1300  }
0x27c: {  	[tilespmem:s22], [sflag:$0x1] =	stream.indirect.gather [hbm4b:s23+s4], $0x1, s30, s4, $0xb8;
	[tilespmem:$0x15A00] =	vst v63  }
0x27d: {  	s31 =	rddreg [dreg:$0x15];
	s14 =	simm.s32 $0x1380  }
0x27e: {  	[tilespmem:s14], [sflag:$0x1] =	stream.indirect.gather [hbm4b:s23+s4], $0x1, s31, s4, $0xb8;
	[tilespmem:$0x15A00] =	vst v63  }
0x27f: {  	s26 =	rddreg [dreg:$0x19];
	s12 =	simm.s32 $0x1400  }
0x280: {  	[tilespmem:s12], [sflag:$0x1] =	stream.indirect.gather [hbm4b:s23+s4], $0x1, s8, s4, $0xb8;
	[tilespmem:$0x15A00] =	vst v63  }
0x281: {  	s13 =	rddreg [dreg:$0x17];
	s8 =	simm.s32 $0x1480  }
0x282: {  	[tilespmem:s8], [sflag:$0x1] =	stream.indirect.gather [hbm4b:s23+s4], $0x1, s13, s4, $0xb8;
	[tilespmem:$0x15A00] =	vst v63  }
0x283: {  	s19 =	rddreg [dreg:$0x18];
	s28 =	simm.s32 $0x1500  }
0x284: {  	[tilespmem:s28], [sflag:$0x1] =	stream.indirect.gather [hbm4b:s23+s4], $0x1, s19, s4, $0xb8;
	[tilespmem:$0x15A00] =	vst v63  }
0x285: {  	s25 =	rddreg [dreg:$0x1c];
	s31 =	simm.s32 $0x1580  }
0x286: {  	[tilespmem:s31], [sflag:$0x1] =	stream.indirect.gather [hbm4b:s23+s4], $0x1, s26, s4, $0xb8;
	[tilespmem:$0x15A00] =	vst v63  }
0x287: {  	s30 =	rddreg [dreg:$0x1a];
	s31 =	simm.s32 $0x1600  }
0x288: {  	[tilespmem:s31], [sflag:$0x1] =	stream.indirect.gather [hbm4b:s23+s4], $0x1, s30, s4, $0xb8;
	[tilespmem:$0x15A00] =	vst v63  }
0x289: {  	s8 =	rddreg [dreg:$0x1b];
	s30 =	simm.s32 $0x1680  }
0x28a: {  	[tilespmem:s30], [sflag:$0x1] =	stream.indirect.gather [hbm4b:s23+s4], $0x1, s8, s4, $0xb8;
	[tilespmem:$0x15A00] =	vst v63  }
0x28b: {  	s26 =	rddreg [dreg:$0x1d];
	s8 =	simm.s32 $0x1700  }
0x28c: {  	[tilespmem:s8], [sflag:$0x1] =	stream.indirect.gather [hbm4b:s23+s4], $0x1, s25, s4, $0xb8;
	[tilespmem:$0x15A00] =	vst v63  }
0x28d: {  	s25 =	rddreg [dreg:$0x1e];
	s8 =	simm.s32 $0x1780  }
0x28e: {  	[tilespmem:s8], [sflag:$0x1] =	stream.indirect.gather [hbm4b:s23+s4], $0x1, s26, s4, $0xb8;
	[tilespmem:$0x15A00] =	vst v63  }
0x28f: {  	s26 =	rddreg [dreg:$0x1f];
	s8 =	simm.s32 $0x1800  }
0x290: {  	[tilespmem:s8], [sflag:$0x1] =	stream.indirect.gather [hbm4b:s23+s4], $0x1, s25, s4, $0xb8;
	[tilespmem:$0x15A00] =	vst v63  }
0x291: {  	s25 =	sld [smem:$0x7FC];
	s8 =	simm.s32 $0x1880  }
0x292: {  	[tilespmem:s8], [sflag:$0x1] =	stream.indirect.gather [hbm4b:s23+s4], $0x1, s26, s4, $0xb8;
	[tilespmem:$0x15A00] =	vst v63  }
0x293: {  	s26 =	sld [smem:$0x7FD];
	s8 =	simm.s32 $0x1900  }
0x294: {  	[tilespmem:s8], [sflag:$0x1] =	stream.indirect.gather [hbm4b:s23+s4], $0x1, s25, s4, $0xb8;
	[tilespmem:$0x15A00] =	vst v63  }
0x295: {  	s25 =	simm.s32 $0x1980  }
0x296: {  	[tilespmem:s25], [sflag:$0x1] =	stream.indirect.gather [hbm4b:s23+s4], $0x1, s26, s4, $0xb8;
	[tilespmem:$0x15A00] =	vst v63  }
0x297: {  	_ =	swait.ge [sflag:s24], $0x80  }
0x298: {  	[sflag:s24] =	ssyncset.done $0x0  }
0x299: {  	[sflag:s24] =	ssyncadd.s32 $0xFFFFFF80  }
0x29a: {  	_ =	swait.ge [sflag:s24], $0x80  }
0x29b: {  	[sflag:s24] =	ssyncset.done $0x0  }
0x29c: {  	[sflag:s24] =	ssyncadd.s32 $0xFFFFFF80  }
0x29d: {  	_ =	swait.ge [sflag:s24], $0x80  }
0x29e: {  	[sflag:s24] =	ssyncset.done $0x0  }
0x29f: {  	[sflag:s24] =	ssyncadd.s32 $0xFFFFFF80  }
0x2a0: {  	_ =	swait.ge [sflag:s24], $0x80  }
0x2a1: {  	[sflag:s24] =	ssyncset.done $0x0  }
0x2a2: {  	[sflag:s24] =	ssyncadd.s32 $0xFFFFFF80  }
0x2a3: {  	_ =	swait.ge [sflag:s24], $0x80  }
0x2a4: {  	[sflag:s24] =	ssyncset.done $0x0  }
0x2a5: {  	[sflag:s24] =	ssyncadd.s32 $0xFFFFFF80  }
0x2a6: {  	_ =	swait.ge [sflag:s24], $0x80  }
0x2a7: {  	[sflag:s24] =	ssyncset.done $0x0  }
0x2a8: {  	[sflag:s24] =	ssyncadd.s32 $0xFFFFFF80  }
0x2a9: {  	_ =	swait.ge [sflag:s24], $0x80  }
0x2aa: {  	[sflag:s24] =	ssyncset.done $0x0  }
0x2ab: {  	[sflag:s24] =	ssyncadd.s32 $0xFFFFFF80  }
0x2ac: {  	_ =	swait.ge [sflag:s24], $0x80  }
0x2ad: {  	[sflag:s24] =	ssyncset.done $0x0  }
0x2ae: {  	[sflag:s24] =	ssyncadd.s32 $0xFFFFFF80  }
0x2af: {  	_ =	swait.ge [sflag:s24], $0x80  }
0x2b0: {  	[sflag:s24] =	ssyncset.done $0x0  }
0x2b1: {  	[sflag:s24] =	ssyncadd.s32 $0xFFFFFF80  }
0x2b2: {  	_ =	swait.ge [sflag:s24], $0x80  }
0x2b3: {  	[sflag:s24] =	ssyncset.done $0x0  }
0x2b4: {  	[sflag:s24] =	ssyncadd.s32 $0xFFFFFF80  }
0x2b5: {  	_ =	swait.ge [sflag:s24], $0x80  }
0x2b6: {  	[sflag:s24] =	ssyncset.done $0x0  }
0x2b7: {  	[sflag:s24] =	ssyncadd.s32 $0xFFFFFF80  }
0x2b8: {  	_ =	swait.ge [sflag:s24], $0x80  }
0x2b9: {  	[sflag:s24] =	ssyncset.done $0x0  }
0x2ba: {  	[sflag:s24] =	ssyncadd.s32 $0xFFFFFF80  }
0x2bb: {  	_ =	swait.ge [sflag:s24], $0x80  }
0x2bc: {  	[sflag:s24] =	ssyncset.done $0x0  }
0x2bd: {  	[sflag:s24] =	ssyncadd.s32 $0xFFFFFF80  }
0x2be: {  	_ =	swait.ge [sflag:s24], $0x80  }
0x2bf: {  	[sflag:s24] =	ssyncset.done $0x0  }
0x2c0: {  	[sflag:s24] =	ssyncadd.s32 $0xFFFFFF80  }
0x2c1: {  	_ =	swait.ge [sflag:s24], $0x80  }
0x2c2: {  	[sflag:s24] =	ssyncset.done $0x0  }
0x2c3: {  	[sflag:s24] =	ssyncadd.s32 $0xFFFFFF80  }
0x2c4: {  	_ =	swait.ge [sflag:s24], $0x80  }
0x2c5: {  	[sflag:s24] =	ssyncset.done $0x0  }
0x2c6: {  	[sflag:s24] =	ssyncadd.s32 $0xFFFFFF80  }
0x2c7: {  	_ =	swait.ge [sflag:s24], $0x80  }
0x2c8: {  	[sflag:s24] =	ssyncset.done $0x0  }
0x2c9: {  	[sflag:s24] =	ssyncadd.s32 $0xFFFFFF80  }
0x2ca: {  	_ =	swait.ge [sflag:s24], $0x80  }
0x2cb: {  	[sflag:s24] =	ssyncset.done $0x0  }
0x2cc: {  	[sflag:s24] =	ssyncadd.s32 $0xFFFFFF80  }
0x2cd: {  	_ =	swait.ge [sflag:s24], $0x80  }
0x2ce: {  	[sflag:s24] =	ssyncset.done $0x0  }
0x2cf: {  	[sflag:s24] =	ssyncadd.s32 $0xFFFFFF80  }
0x2d0: {  	_ =	swait.ge [sflag:s24], $0x80  }
0x2d1: {  	[sflag:s24] =	ssyncset.done $0x0  }
0x2d2: {  	[sflag:s24] =	ssyncadd.s32 $0xFFFFFF80  }
0x2d3: {  	_ =	swait.ge [sflag:s24], $0x80  }
0x2d4: {  	[sflag:s24] =	ssyncset.done $0x0  }
0x2d5: {  	[sflag:s24] =	ssyncadd.s32 $0xFFFFFF80  }
0x2d6: {  	_ =	swait.ge [sflag:s24], $0x80  }
0x2d7: {  	[sflag:s24] =	ssyncset.done $0x0  }
0x2d8: {  	[sflag:s24] =	ssyncadd.s32 $0xFFFFFF80  }
0x2d9: {  	_ =	swait.ge [sflag:s24], $0x80  }
0x2da: {  	[sflag:s24] =	ssyncset.done $0x0  }
0x2db: {  	[sflag:s24] =	ssyncadd.s32 $0xFFFFFF80  }
0x2dc: {  	_ =	swait.ge [sflag:s24], $0x80  }
0x2dd: {  	[sflag:s24] =	ssyncset.done $0x0  }
0x2de: {  	[sflag:s24] =	ssyncadd.s32 $0xFFFFFF80  }
0x2df: {  	_ =	swait.ge [sflag:s24], $0x80  }
0x2e0: {  	[sflag:s24] =	ssyncset.done $0x0  }
0x2e1: {  	[sflag:s24] =	ssyncadd.s32 $0xFFFFFF80  }
0x2e2: {  	_ =	swait.ge [sflag:s24], $0x80  }
0x2e3: {  	[sflag:s24] =	ssyncset.done $0x0  }
0x2e4: {  	[sflag:s24] =	ssyncadd.s32 $0xFFFFFF80;
	s24 =	simm.s32 $0xD00  }
0x2e5: {  	[tilespmem:s2], [sflag:$0x2] =	stream.indirect.gather [hbm4b:s3+s4], $0x40, s24, s4, $0xb8;
	[tilespmem:$0x15A00] =	vst v63  }
0x2e6: {  	s26 =	simm.s32 $0xD80  }
0x2e7: {  	[tilespmem:s15], [sflag:$0x2] =	stream.indirect.gather [hbm4b:s3+s4], $0x40, s26, s4, $0xb8;
	[tilespmem:$0x15A00] =	vst v63  }
0x2e8: {  	s19 =	simm.s32 $0xE00  }
0x2e9: {  	[tilespmem:s16], [sflag:$0x2] =	stream.indirect.gather [hbm4b:s3+s4], $0x40, s19, s4, $0xb8;
	[tilespmem:$0x15A00] =	vst v63  }
0x2ea: {  	s13 =	simm.s32 $0xE80  }
0x2eb: {  	[tilespmem:s17], [sflag:$0x2] =	stream.indirect.gather [hbm4b:s3+s4], $0x40, s13, s4, $0xb8;
	[tilespmem:$0x15A00] =	vst v63  }
0x2ec: {  	s28 =	simm.s32 $0xF00  }
0x2ed: {  	[tilespmem:s18], [sflag:$0x2] =	stream.indirect.gather [hbm4b:s3+s4], $0x40, s28, s4, $0xb8;
	[tilespmem:$0x15A00] =	vst v63  }
0x2ee: {  	_ =	swait.ge [sflag:s7], $0x2000  }
0x2ef: {  	[sflag:s7] =	ssyncset.done $0x0  }
0x2f0: {  	[sflag:s7] =	ssyncadd.s32 $0xFFFFE000  }
0x2f1: {  	_ =	swait.ge [sflag:s7], $0x2000  }
0x2f2: {  	[sflag:s7] =	ssyncset.done $0x0  }
0x2f3: {  	[sflag:s7] =	ssyncadd.s32 $0xFFFFE000  }
0x2f4: {  	_ =	swait.ge [sflag:s7], $0x2000  }
0x2f5: {  	[sflag:s7] =	ssyncset.done $0x0  }
0x2f6: {  	[sflag:s7] =	ssyncadd.s32 $0xFFFFE000  }
0x2f7: {  	_ =	swait.ge [sflag:s7], $0x2000  }
0x2f8: {  	[sflag:s7] =	ssyncset.done $0x0  }
0x2f9: {  	[sflag:s7] =	ssyncadd.s32 $0xFFFFE000  }
0x2fa: {  	_ =	swait.ge [sflag:s7], $0x2000  }
0x2fb: {  	[sflag:s7] =	ssyncset.done $0x0  }
0x2fc: {  	s19 =	rddreg [dreg:$0x4];
	[sflag:s7] =	ssyncadd.s32 $0xFFFFE000  }
0x2fd: {  	[hbm4b:s19+s9] =	stream.linear.scatter [tilespmem:s2], [sflag:$0x3], $0xA000, $0x38;
	[tilespmem:$0x15A00] =	vst v63  }
0x2fe: {  	s8 =	simm.s32 $0xBA00  }
0x2ff: {  	[tilespmem:s8], [sflag:$0x2] =	stream.indirect.gather [hbm4b:s3+s4], $0x40, s10, s4, $0xb8;
	[tilespmem:$0x15A00] =	vst v63  }
0x300: {  	s23 =	simm.s32 $0xDA00  }
0x301: {  	[tilespmem:s23], [sflag:$0x2] =	stream.indirect.gather [hbm4b:s3+s4], $0x40, s5, s4, $0xb8;
	[tilespmem:$0x15A00] =	vst v63  }
0x302: {  	s24 =	simm.s32 $0xFA00  }
0x303: {  	[tilespmem:s24], [sflag:$0x2] =	stream.indirect.gather [hbm4b:s3+s4], $0x40, s1, s4, $0xb8;
	[tilespmem:$0x15A00] =	vst v63  }
0x304: {  	s26 =	simm.s32 $0x11A00  }
0x305: {  	[tilespmem:s26], [sflag:$0x2] =	stream.indirect.gather [hbm4b:s3+s4], $0x40, s11, s4, $0xb8;
	[tilespmem:$0x15A00] =	vst v63  }
0x306: {  	s28 =	simm.s32 $0x13A00  }
0x307: {  	[tilespmem:s28], [sflag:$0x2] =	stream.indirect.gather [hbm4b:s3+s4], $0x40, s0, s4, $0xb8;
	[tilespmem:$0x15A00] =	vst v63  }
0x308: {  	_ =	swait.ge [sflag:s7], $0x2000  }
0x309: {  	[sflag:s7] =	ssyncset.done $0x0  }
0x30a: {  	[sflag:s7] =	ssyncadd.s32 $0xFFFFE000  }
0x30b: {  	_ =	swait.ge [sflag:s7], $0x2000  }
0x30c: {  	[sflag:s7] =	ssyncset.done $0x0  }
0x30d: {  	[sflag:s7] =	ssyncadd.s32 $0xFFFFE000  }
0x30e: {  	_ =	swait.ge [sflag:s7], $0x2000  }
0x30f: {  	[sflag:s7] =	ssyncset.done $0x0  }
0x310: {  	[sflag:s7] =	ssyncadd.s32 $0xFFFFE000  }
0x311: {  	_ =	swait.ge [sflag:s7], $0x2000  }
0x312: {  	[sflag:s7] =	ssyncset.done $0x0  }
0x313: {  	[sflag:s7] =	ssyncadd.s32 $0xFFFFE000  }
0x314: {  	_ =	swait.ge [sflag:s7], $0x2000  }
0x315: {  	[sflag:s7] =	ssyncset.done $0x0  }
0x316: {  	s11 =	rddreg [dreg:$0x5];
	[sflag:s7] =	ssyncadd.s32 $0xFFFFE000  }
0x317: {  	[hbm4b:s11+s9] =	stream.linear.scatter [tilespmem:s8], [sflag:$0x3], $0xA000, $0x38;
	[tilespmem:$0x15A00] =	vst v63  }
0x318: {  	_ =	swait.ge [sflag:s6], $0xA000  }
0x319: {  	[sflag:s6] =	ssyncset.done $0x0  }
0x31a: {  	[sflag:s6] =	ssyncadd.s32 $0xFFFF6000  }
0x31b: {  	[tilespmem:s2], [sflag:$0x2] =	stream.indirect.gather [hbm4b:s3+s4], $0x40, s20, s4, $0xb8;
	[tilespmem:$0x15A00] =	vst v63  }
0x31c: {  	_ = 	snop  }
0x31d: {  	[tilespmem:s15], [sflag:$0x2] =	stream.indirect.gather [hbm4b:s3+s4], $0x40, s21, s4, $0xb8;
	[tilespmem:$0x15A00] =	vst v63  }
0x31e: {  	_ = 	snop  }
0x31f: {  	[tilespmem:s16], [sflag:$0x2] =	stream.indirect.gather [hbm4b:s3+s4], $0x40, s22, s4, $0xb8;
	[tilespmem:$0x15A00] =	vst v63  }
0x320: {  	_ = 	snop  }
0x321: {  	[tilespmem:s17], [sflag:$0x2] =	stream.indirect.gather [hbm4b:s3+s4], $0x40, s14, s4, $0xb8;
	[tilespmem:$0x15A00] =	vst v63  }
0x322: {  	_ = 	snop  }
0x323: {  	[tilespmem:s18], [sflag:$0x2] =	stream.indirect.gather [hbm4b:s3+s4], $0x40, s12, s4, $0xb8;
	[tilespmem:$0x15A00] =	vst v63  }
0x324: {  	_ =	swait.ge [sflag:s7], $0x2000  }
0x325: {  	[sflag:s7] =	ssyncset.done $0x0  }
0x326: {  	[sflag:s7] =	ssyncadd.s32 $0xFFFFE000  }
0x327: {  	_ =	swait.ge [sflag:s7], $0x2000  }
0x328: {  	[sflag:s7] =	ssyncset.done $0x0  }
0x329: {  	[sflag:s7] =	ssyncadd.s32 $0xFFFFE000  }
0x32a: {  	_ =	swait.ge [sflag:s7], $0x2000  }
0x32b: {  	[sflag:s7] =	ssyncset.done $0x0  }
0x32c: {  	[sflag:s7] =	ssyncadd.s32 $0xFFFFE000  }
0x32d: {  	_ =	swait.ge [sflag:s7], $0x2000  }
0x32e: {  	[sflag:s7] =	ssyncset.done $0x0  }
0x32f: {  	[sflag:s7] =	ssyncadd.s32 $0xFFFFE000  }
0x330: {  	_ =	swait.ge [sflag:s7], $0x2000  }
0x331: {  	[sflag:s7] =	ssyncset.done $0x0  }
0x332: {  	s12 =	rddreg [dreg:$0x6];
	[sflag:s7] =	ssyncadd.s32 $0xFFFFE000  }
0x333: {  	[hbm4b:s12+s9] =	stream.linear.scatter [tilespmem:s2], [sflag:$0x3], $0xA000, $0x38;
	[tilespmem:$0x15A00] =	vst v63  }
0x334: {  	_ =	swait.ge [sflag:s6], $0xA000  }
0x335: {  	[sflag:s6] =	ssyncset.done $0x0  }
0x336: {  	s14 =	simm.s32 $0x1480;
	[sflag:s6] =	ssyncadd.s32 $0xFFFF6000  }
0x337: {  	[tilespmem:s8], [sflag:$0x2] =	stream.indirect.gather [hbm4b:s3+s4], $0x40, s14, s4, $0xb8;
	[tilespmem:$0x15A00] =	vst v63  }
0x338: {  	s19 =	simm.s32 $0x1500  }
0x339: {  	[tilespmem:s23], [sflag:$0x2] =	stream.indirect.gather [hbm4b:s3+s4], $0x40, s19, s4, $0xb8;
	[tilespmem:$0x15A00] =	vst v63  }
0x33a: {  	s20 =	simm.s32 $0x1580  }
0x33b: {  	[tilespmem:s24], [sflag:$0x2] =	stream.indirect.gather [hbm4b:s3+s4], $0x40, s20, s4, $0xb8;
	[tilespmem:$0x15A00] =	vst v63  }
0x33c: {  	_ = 	snop  }
0x33d: {  	[tilespmem:s26], [sflag:$0x2] =	stream.indirect.gather [hbm4b:s3+s4], $0x40, s31, s4, $0xb8;
	[tilespmem:$0x15A00] =	vst v63  }
0x33e: {  	_ = 	snop  }
0x33f: {  	[tilespmem:s28], [sflag:$0x2] =	stream.indirect.gather [hbm4b:s3+s4], $0x40, s30, s4, $0xb8;
	[tilespmem:$0x15A00] =	vst v63  }
0x340: {  	_ =	swait.ge [sflag:s7], $0x2000  }
0x341: {  	[sflag:s7] =	ssyncset.done $0x0  }
0x342: {  	[sflag:s7] =	ssyncadd.s32 $0xFFFFE000  }
0x343: {  	_ =	swait.ge [sflag:s7], $0x2000  }
0x344: {  	[sflag:s7] =	ssyncset.done $0x0  }
0x345: {  	[sflag:s7] =	ssyncadd.s32 $0xFFFFE000  }
0x346: {  	_ =	swait.ge [sflag:s7], $0x2000  }
0x347: {  	[sflag:s7] =	ssyncset.done $0x0  }
0x348: {  	[sflag:s7] =	ssyncadd.s32 $0xFFFFE000  }
0x349: {  	_ =	swait.ge [sflag:s7], $0x2000  }
0x34a: {  	[sflag:s7] =	ssyncset.done $0x0  }
0x34b: {  	[sflag:s7] =	ssyncadd.s32 $0xFFFFE000  }
0x34c: {  	_ =	swait.ge [sflag:s7], $0x2000  }
0x34d: {  	[sflag:s7] =	ssyncset.done $0x0  }
0x34e: {  	s21 =	rddreg [dreg:$0x7];
	[sflag:s7] =	ssyncadd.s32 $0xFFFFE000  }
0x34f: {  	[hbm4b:s21+s9] =	stream.linear.scatter [tilespmem:s8], [sflag:$0x3], $0xA000, $0x38;
	[tilespmem:$0x15A00] =	vst v63  }
0x350: {  	_ =	swait.ge [sflag:s6], $0xA000  }
0x351: {  	[sflag:s6] =	ssyncset.done $0x0  }
0x352: {  	s22 =	simm.s32 $0x1700;
	[sflag:s6] =	ssyncadd.s32 $0xFFFF6000  }
0x353: {  	[tilespmem:s2], [sflag:$0x2] =	stream.indirect.gather [hbm4b:s3+s4], $0x40, s22, s4, $0xb8;
	[tilespmem:$0x15A00] =	vst v63  }
0x354: {  	s23 =	simm.s32 $0x1780  }
0x355: {  	[tilespmem:s15], [sflag:$0x2] =	stream.indirect.gather [hbm4b:s3+s4], $0x40, s23, s4, $0xb8;
	[tilespmem:$0x15A00] =	vst v63  }
0x356: {  	s24 =	simm.s32 $0x1800  }
0x357: {  	[tilespmem:s16], [sflag:$0x2] =	stream.indirect.gather [hbm4b:s3+s4], $0x40, s24, s4, $0xb8;
	[tilespmem:$0x15A00] =	vst v63  }
0x358: {  	s26 =	simm.s32 $0x1880  }
0x359: {  	[tilespmem:s17], [sflag:$0x2] =	stream.indirect.gather [hbm4b:s3+s4], $0x40, s26, s4, $0xb8;
	[tilespmem:$0x15A00] =	vst v63  }
0x35a: {  	s28 =	simm.s32 $0x1900  }
0x35b: {  	[tilespmem:s18], [sflag:$0x2] =	stream.indirect.gather [hbm4b:s3+s4], $0x40, s28, s4, $0xb8;
	[tilespmem:$0x15A00] =	vst v63  }
0x35c: {  	_ =	swait.ge [sflag:s7], $0x2000  }
0x35d: {  	[sflag:s7] =	ssyncset.done $0x0  }
0x35e: {  	[sflag:s7] =	ssyncadd.s32 $0xFFFFE000  }
0x35f: {  	_ =	swait.ge [sflag:s7], $0x2000  }
0x360: {  	[sflag:s7] =	ssyncset.done $0x0  }
0x361: {  	[sflag:s7] =	ssyncadd.s32 $0xFFFFE000  }
0x362: {  	_ =	swait.ge [sflag:s7], $0x2000  }
0x363: {  	[sflag:s7] =	ssyncset.done $0x0  }
0x364: {  	[sflag:s7] =	ssyncadd.s32 $0xFFFFE000  }
0x365: {  	_ =	swait.ge [sflag:s7], $0x2000  }
0x366: {  	[sflag:s7] =	ssyncset.done $0x0  }
0x367: {  	[sflag:s7] =	ssyncadd.s32 $0xFFFFE000  }
0x368: {  	_ =	swait.ge [sflag:s7], $0x2000  }
0x369: {  	[sflag:s7] =	ssyncset.done $0x0  }
0x36a: {  	s30 =	rddreg [dreg:$0x8];
	[sflag:s7] =	ssyncadd.s32 $0xFFFFE000  }
0x36b: {  	[hbm4b:s30+s9] =	stream.linear.scatter [tilespmem:s2], [sflag:$0x3], $0xA000, $0x38;
	[tilespmem:$0x15A00] =	vst v63  }
0x36c: {  	_ =	swait.ge [sflag:s6], $0xA000  }
0x36d: {  	[sflag:s6] =	ssyncset.done $0x0  }
0x36e: {  	[sflag:s6] =	ssyncadd.s32 $0xFFFF6000  }
0x36f: {  	[tilespmem:s8], [sflag:$0x2] =	stream.indirect.gather [hbm4b:s3+s4], $0x40, s25, s4, $0xb8;
	[tilespmem:$0x15A00] =	vst v63  }
0x370: {  	_ =	swait.ge [sflag:s7], $0x2000  }
0x371: {  	[sflag:s7] =	ssyncset.done $0x0  }
0x372: {  	s31 =	rddreg [dreg:$0x9];
	[sflag:s7] =	ssyncadd.s32 $0xFFFFE000  }
0x373: {  	[hbm4b:s31+s9] =	stream.linear.scatter [tilespmem:s8], [sflag:$0x3], $0x2000, $0x38;
	[tilespmem:$0x15A00] =	vst v63  }
0x374: {  	_ =	swait.ge [sflag:s6], $0xA000  }
0x375: {  	[sflag:s6] =	ssyncset.done $0x0  }
0x376: {  	[sflag:s6] =	ssyncadd.s32 $0xFFFF6000  }
0x377: {  	_ =	swait.ge [sflag:s6], $0x2000  }
0x378: {  	[sflag:s6] =	ssyncset.done $0x0  }
0x379: {  	[sflag:s6] =	ssyncadd.s32 $0xFFFFE000  }
0x37a: {  	_ =	sfence.sel $0x180000  }
0x37b: {  	[bflag:$0x0] =	sbarrier.arrive $0xFFFF  }
0x37c: {  	_ =	strace $0x90000047  }
0x37d: {  	[bflag:$0x2] =	sbarrier.arrive $0xFFFF  }
0x37e: {  	p0 =	sne.s32 s29, $0x0;
	s0 =	rddreg [dreg:$0x2]  }
0x37f: {  	s0 =	sadd.s32 @!p0 $0x100000, s0  }
0x380: {  	[sflag:s0] =	ssyncadd.tile.s32 @!p0 $0x1;
	_ =	shalt  }
.LBB2_6:
.Ltmp3:
0x381: {  	(pc) =	sbr.rel .LBB2_5-.Ltmp3, $4  }
0x382: {  	_ = 	snop  }
0x383: {  	s29 =	stileid.u32;
	s21 =	simm.s32 $0xD00  }
0x384: {  	s26 =	simm.s32 $0xD80;
	s13 =	simm.s32 $0xE00;
	s1 =	simm.s32 $0xE80  }
0x385: {  	s31 =	simm.s32 $0xF00;
	s10 =	simm.s32 $0x4;
	s2 =	simm.s32 $0x1A00  }
.Lfunc_end2:
_tile_overlayer_lowered:
.L_overlay_start_2:
0x386: {  	(tag) =	ssettag $0x2  }
0x387: {  	s0 =	rddreg [dreg:$0x0];
	s2 =	stileid.u32  }
0x388: {  	s1 =	rddreg [dreg:$0x1];
	p0 =	sne.s32 s2, $0x0  }
0x389: {  	s3 =	rddreg [dreg:$0x2];
	[bflag:$0x3] =	sbarrier.arrive $0xFFFF;
	s2 =	simm.s32 @!p0 $0x1C04  }
0x38a: {  	[timem:s3], [sflag:s2] =	dma.local @!p0 [hbm:s0], s1  }
0x38b: {  	s0 =	simm.s32 @!p0 $0x4  }
0x38c: {  	_ =	swait.ge @!p0 [sflag:s0], s1  }
0x38d: {  	s1 =	ssub.s32 @!p0 $0x0, s1;
	[sflag:s0] =	ssyncset.done @!p0 $0x0  }
0x38e: {  	[sflag:s0] =	ssyncadd.s32 @!p0 s1  }
0x38f: {  	[bflag:$0x3] =	sbarrier.arrive $0xFFFF  }
0x390: {  	_ =	shalt  }

</sc_bundles>
